<compile_context>
chip_gen: v7x
topology: tpu7x:2x2x1
jax: 0.10.2.dev20260603
libtpu: 0.0.44.dev20260713+nightly
codegen_flags: <defaults>
</compile_context>

<pallas_src>
import functools

import jax
import jax.numpy as jnp
import numpy as np
from jax import lax
from jax.experimental import pallas as pl
from jax.experimental.pallas import tpu as pltpu
from jax.experimental.pallas import tpu_sc as plsc

_N = 10000
_D = 128
_E = 320000
_K = 30
_NTIME = 4

_NC = 2
_NS = 16
_NW = _NC * _NS
_CPT = _D // _NW
_CHUNK = 2000
_NCHUNKS = _E // _CHUNK
_CHUNKC = 4000
_NCHUNKSC = _E // _CHUNKC
_EPT = _E // _NW
_L = 16
_NP = 10240
_MASK = (1 << 14) - 1


def _cheb_heat_coefs() -> np.ndarray:
    ts = np.array([0.25, 0.5, 0.75, 1.0], dtype=np.float64)
    n_quad = 100
    j = np.arange(n_quad)
    theta = np.pi * (j + 0.5) / n_quad
    lam = np.cos(theta) + 1.0
    f = np.exp(-ts[:, None] * lam[None, :])
    k = np.arange(_K + 1)
    tk = np.cos(k[:, None] * theta[None, :])
    coefs = (2.0 / n_quad) * (f @ tk.T)
    coefs[:, 0] *= 0.5
    return coefs.astype(np.float32)


_COEFS = _cheb_heat_coefs()


def _rsqrt16(x):
    i = plsc.bitcast(x, jnp.int32)
    i = jnp.int32(0x5F3759DF) - (i >> 1)
    y = plsc.bitcast(i, jnp.float32)
    for _ in range(3):
        y = y * (1.5 - 0.5 * x * y * y)
    return y


_sc_mesh = plsc.VectorSubcoreMesh(core_axis_name="c", subcore_axis_name="s")
_sc_params = pltpu.CompilerParams(
    needs_layout_passes=False, use_tc_tiling_on_sc=False
)


def _unpack(pair):
    return pair & _MASK, pair >> 14


@functools.partial(
    pl.kernel,
    out_type=jax.ShapeDtypeStruct((_E,), jnp.float32),
    mesh=_sc_mesh,
    compiler_params=_sc_params,
    scratch_types=[
        pltpu.VMEM((_N,), jnp.float32),
        pltpu.VMEM((_N,), jnp.float32),
        pltpu.VMEM((2, _CHUNK), jnp.int32),
        pltpu.VMEM((2, _CHUNK), jnp.int32),
        pltpu.VMEM((_CHUNK,), jnp.float32),
        pltpu.SemaphoreType.DMA,
        pltpu.SemaphoreType.DMA,
    ],
)
def _norm_kernel(ed_h, norm_h, degs, degd, eb0, eb1, obuf, sem0, sem1):
    wid = lax.axis_index("s") * _NC + lax.axis_index("c")
    ebs = (eb0, eb1)
    sems = (sem0, sem1)

    def cp(idx, b):
        return pltpu.make_async_copy(ed_h.at[idx % _NCHUNKS], ebs[b], sems[b])

    zero = jnp.zeros((_L,), jnp.float32)

    @plsc.parallel_loop(0, _N // _L, unroll=4)
    def _(i):
        degs[pl.ds(i * _L, _L)] = zero
        degd[pl.ds(i * _L, _L)] = zero

    cp(0, 0).start()
    cp(1, 1).start()

    def dchunk(half, _):
        for b in range(2):
            idx = half * 2 + b
            cp(idx, b).wait()

            @plsc.parallel_loop(0, _CHUNK // _L, unroll=8)
            def _(g):
                sl = pl.ds(g * _L, _L)
                s, d = _unpack(ebs[b][0, sl])
                ww = plsc.bitcast(ebs[b][1, sl], jnp.float32)
                plsc.addupdate_scatter(degs, [s], ww)
                plsc.addupdate_scatter(degd, [d], ww)

            cp(idx + 2, b).start()
        return 0

    lax.fori_loop(0, _NCHUNKS // 2, dchunk, 0)
    cp(0, 0).wait()
    cp(1, 1).wait()

    cbase = wid * (_EPT // _CHUNK)

    def nchunk(ci, _):
        pltpu.sync_copy(ed_h.at[cbase + ci], eb0)

        @plsc.parallel_loop(0, _CHUNK // _L, unroll=4)
        def _(g):
            sl = pl.ds(g * _L, _L)
            s, d = _unpack(eb0[0, sl])
            ww = plsc.bitcast(eb0[1, sl], jnp.float32)
            a = plsc.load_gather(degs, [s])
            bb = plsc.load_gather(degd, [d])
            obuf[sl] = ww * _rsqrt16(a * bb + 1e-8)

        off = pl.multiple_of((cbase + ci) * _CHUNK, 8)
        pltpu.sync_copy(obuf, norm_h.at[pl.ds(off, _CHUNK)])
        return 0

    lax.fori_loop(0, _EPT // _CHUNK, nchunk, 0)


@functools.partial(
    pl.kernel,
    out_type=jax.ShapeDtypeStruct((_K, _D // 2, _NP), jnp.int32),
    mesh=_sc_mesh,
    compiler_params=_sc_params,
    scratch_types=[
        pltpu.VMEM((_CPT, _N), jnp.float32),
        pltpu.VMEM((2, _N), jnp.int32),
        pltpu.VMEM((_CPT, _N), jnp.float32),
        pltpu.VMEM((2, _CHUNKC), jnp.int32),
        pltpu.VMEM((2, _CHUNKC), jnp.int32),
        pltpu.SemaphoreType.DMA,
        pltpu.SemaphoreType.DMA,
        pltpu.SemaphoreType.DMA,
    ],
)
def _cheb_kernel(xp_h, ed_h, ts_h, P, Qp, R, eb0, eb1, sem0, sem1, semw):
    wid = lax.axis_index("s") * _NC + lax.axis_index("c")
    p0 = pl.multiple_of(wid * 2, 2)
    pltpu.sync_copy(xp_h.at[pl.ds(p0, 2)], Qp)

    ebs = (eb0, eb1)
    sems = (sem0, sem1)

    def cp(idx, b):
        return pltpu.make_async_copy(ed_h.at[idx % _NCHUNKSC], ebs[b], sems[b])

    def wcp(kk):
        return pltpu.make_async_copy(
            Qp, ts_h.at[kk, pl.ds(p0, 2), pl.ds(0, _N)], semw
        )

    zero = jnp.zeros((_L,), jnp.float32)
    himask = jnp.int32(-65536)
    half = jnp.int32(0x8000)

    def unpk(w):
        lo = plsc.bitcast(w << 16, jnp.float32)
        hi = plsc.bitcast(w & himask, jnp.float32)
        return lo, hi

    def rpack(lo, hi):
        bl = plsc.bitcast(lo, jnp.int32)
        bh = plsc.bitcast(hi, jnp.int32)
        return (((bl + half) >> 16) & 0xFFFF) | ((bh + half) & himask)

    @plsc.parallel_loop(0, _N // _L, unroll=4)
    def _(i):
        for c in range(_CPT):
            R[c, pl.ds(i * _L, _L)] = zero

    cp(0, 0).start()
    cp(1, 1).start()

    def kstep(kk, _):
        def chunk_loop(halfi, _):
            for b in range(2):
                idx = halfi * 2 + b
                cp(idx, b).wait()

                @plsc.parallel_loop(0, _CHUNKC // _L, unroll=5)
                def _(g):
                    sl = pl.ds(g * _L, _L)
                    s, d = _unpack(ebs[b][0, sl])
                    ww = plsc.bitcast(ebs[b][1, sl], jnp.float32)
                    for p in range(2):
                        w = plsc.load_gather(Qp.at[p], [s])
                        lo, hi = unpk(w)
                        plsc.addupdate_scatter(R.at[p], [d], lo * ww)
                        plsc.addupdate_scatter(R.at[2 + p], [d], hi * ww)

                cp(idx + 2, b).start()
            return 0

        lax.fori_loop(0, _NCHUNKSC // 2, chunk_loop, 0)

        is0 = kk == 0

        @pl.when(kk > 0)
        def _():
            wcp(kk - 1).wait()

        @plsc.parallel_loop(0, _N // _L, unroll=2)
        def _(i):
            sl = pl.ds(i * _L, _L)
            for p in range(2):
                oldlo, oldhi = unpk(Qp[p, sl])
                nlo = jnp.where(is0, -R[p, sl], -2.0 * R[p, sl] - P[p, sl])
                nhi = jnp.where(
                    is0, -R[2 + p, sl], -2.0 * R[2 + p, sl] - P[2 + p, sl]
                )
                P[p, sl] = oldlo
                P[2 + p, sl] = oldhi
                Qp[p, sl] = rpack(nlo, nhi)
                R[p, sl] = zero
                R[2 + p, sl] = zero

        wcp(kk).start()
        return 0

    lax.fori_loop(0, _K, kstep, 0)
    wcp(_K - 1).wait()
    cp(0, 0).wait()
    cp(1, 1).wait()


_NB = 1024


def _combine_body(coefs_ref, x_ref, ts_ref, z_ref):
    c = coefs_ref[...]
    w = ts_ref[...]
    lo = jax.lax.bitcast_convert_type(w << 16, jnp.float32)
    hi = jax.lax.bitcast_convert_type(w & jnp.int32(-65536), jnp.float32)
    acc_lo = jnp.zeros((_NTIME, _D // 2, _NB), jnp.float32)
    acc_hi = jnp.zeros((_NTIME, _D // 2, _NB), jnp.float32)
    for k in range(_K):
        ck = c[:, k + 1][:, None, None]
        acc_lo = acc_lo + ck * lo[k][None]
        acc_hi = acc_hi + ck * hi[k][None]
    zt = jnp.concatenate(
        [jnp.swapaxes(acc_lo, 1, 2), jnp.swapaxes(acc_hi, 1, 2)], axis=-1
    )
    z_ref[...] = zt + c[:, 0][:, None, None] * x_ref[...][None]


def _combine(coefs, x, ts):
    return pl.pallas_call(
        _combine_body,
        grid=(_NP // _NB,),
        in_specs=[
            pl.BlockSpec((_NTIME, _K + 1), lambda b: (0, 0)),
            pl.BlockSpec((_NB, _D), lambda b: (b, 0)),
            pl.BlockSpec((_K, _D // 2, _NB), lambda b: (0, 0, b)),
        ],
        out_specs=pl.BlockSpec((_NTIME, _NB, _D), lambda b: (0, b, 0)),
        out_shape=jax.ShapeDtypeStruct((_NTIME, _N, _D), jnp.float32),
    )(coefs, x, ts)


def _pack_x(x):
    bits = jax.lax.bitcast_convert_type(x.T, jnp.int32)
    half = jnp.int32(0x8000)
    himask = jnp.int32(-65536)
    lo = bits[: _D // 2]
    hi = bits[_D // 2:]
    return (((lo + half) >> 16) & 0xFFFF) | ((hi + half) & himask)


def _chunked(row0, row1_f32, chunk):
    bits = lax.bitcast_convert_type(row1_f32, jnp.int32)
    ed = jnp.stack([row0, bits])
    return ed.reshape(2, _E // chunk, chunk).transpose(1, 0, 2)


def kernel(x, edge_index, edge_weight):
    src = edge_index[0]
    dst = edge_index[1]
    pairs = src | (dst << 14)
    norm = _norm_kernel(_chunked(pairs, edge_weight, _CHUNK))
    ts = _cheb_kernel(_pack_x(x), _chunked(pairs, norm, _CHUNKC))
    return _combine(jnp.asarray(_COEFS), x, ts)

# --- scband reference (transcript-rebuilt; emitter-appended) ---
"""Pipeline reference for scband-gde-featurizer-23158463660637 (READ-ONLY COPY).

The authoritative reference and input builder live on the scoring server;
editing this copy changes nothing except your own understanding.
"""

import jax, jax.numpy as jnp
import numpy as np

N_NODES = 10000
D_FEAT = 128
N_EDGES = 320000
TS = np.array([0.25, 0.5, 0.75, 1.0], dtype=np.float64)
DEGREE = 30
C_SPEED = 1.0
N_QUAD = 100


def _cheby_coefs_heat(ts, degree, c, n_quad):
    # Chebyshev-expansion coefficients of f(lam) = exp(-c * t * lam), lam in [0, 2],
    # via the substitution lam = x + 1, x in [-1, 1] (scaled Laplacian L_tilde = L - I).
    # Gauss-Chebyshev quadrature: a_k(t) = (2/Nq) * sum_j f(cos th_j + 1) cos(k th_j), a_0 halved.
    j = np.arange(n_quad)
    theta = np.pi * (j + 0.5) / n_quad
    xq = np.cos(theta)                                   # [Nq]
    lam = xq + 1.0                                       # eigenvalue domain [0, 2]
    f = np.exp(-c * ts[:, None] * lam[None, :])          # [T, Nq]
    k = np.arange(degree + 1)
    Tk = np.cos(k[:, None] * theta[None, :])             # [K, Nq]
    coefs = (2.0 / n_quad) * (f @ Tk.T)                  # [T, K]
    coefs[:, 0] *= 0.5
    return coefs.astype(np.float32)

COEFS = jnp.asarray(_cheby_coefs_heat(TS, DEGREE, C_SPEED, N_QUAD))  # [T, K]


def setup_inputs(seed: int = 0) -> dict:
    key = jax.random.key(seed)
    k1, k2, k3 = jax.random.split(key, 3)
    x = jax.random.normal(k1, (N_NODES, D_FEAT), dtype=jnp.float32)
    edge_index = jax.random.randint(k2, (2, N_EDGES), 0, N_NODES, dtype=jnp.int32)
    edge_weight = jax.random.uniform(k3, (N_EDGES,), dtype=jnp.float32)
    return {"x": x, "edge_index": edge_index, "edge_weight": edge_weight}


def reference(x, edge_index, edge_weight):
    src = edge_index[0]
    dst = edge_index[1]
    # Symmetric-style normalization so the propagation operator has spectral norm <= ~1,
    # keeping the Chebyshev recurrence numerically stable (as in ChebConv-style layers).
    deg_src = jax.ops.segment_sum(edge_weight, src, num_segments=N_NODES)
    deg_dst = jax.ops.segment_sum(edge_weight, dst, num_segments=N_NODES)
    norm = edge_weight * jax.lax.rsqrt(deg_src[src] * deg_dst[dst] + 1e-8)

    def lmul(h):
        # Scaled Laplacian apply: L_tilde h = (L - I) h = -A_hat h
        return -jax.ops.segment_sum(norm[:, None] * h[src], dst, num_segments=N_NODES)

    # Chebyshev recurrence accumulated for every diffusion time in TS -> z: [T, N, d]
    Tx0 = x
    Tx1 = lmul(x)
    z = COEFS[:, 0][:, None, None] * Tx0[None, :, :] + COEFS[:, 1][:, None, None] * Tx1[None, :, :]
    for kk in range(2, DEGREE + 1):
        Tx2 = 2.0 * lmul(Tx1) - Tx0
        z = z + COEFS[:, kk][:, None, None] * Tx2[None, :, :]
        Tx0, Tx1 = Tx1, Tx2
    return z

if __name__ == "__main__":
    import jax
    _d = setup_inputs()
    print(jax.jit(kernel)(*tuple(_d.values())))

</pallas_src>

<mosaic_0001>
#map = affine_map<(d0, d1) -> (0, 0)>
#map1 = affine_map<(d0, d1) -> (0, 0, 0)>
module attributes {stable_mosaic.version = 14 : i64} {
  func.func @_cheb_kernel(%arg0: i32, %arg1: i32, %arg2: memref<64x10000xi32, #tpu.memory_space<hbm>>, %arg3: memref<80x2x4000xi32, #tpu.memory_space<hbm>>, %arg4: memref<30x64x10240xi32, #tpu.memory_space<hbm>>, %arg5: memref<4x10000xf32, #tpu.memory_space<vmem>>, %arg6: memref<2x10000xi32, #tpu.memory_space<vmem>>, %arg7: memref<4x10000xf32, #tpu.memory_space<vmem>>, %arg8: memref<2x4000xi32, #tpu.memory_space<vmem>>, %arg9: memref<2x4000xi32, #tpu.memory_space<vmem>>, %arg10: memref<!tpu.dma_semaphore, #tpu.memory_space<semaphore_mem>>, %arg11: memref<!tpu.dma_semaphore, #tpu.memory_space<semaphore_mem>>, %arg12: memref<!tpu.dma_semaphore, #tpu.memory_space<semaphore_mem>>) attributes {dimension_semantics = [#tpu.dimension_semantics<core_parallel>, #tpu.dimension_semantics<subcore_parallel>], iteration_bounds = array<i64: 2, 16>, scalar_prefetch = 0 : i64, scratch_operands = 8 : i64, tpu.core_type = #tpu.core_type<sc_vector_subcore>, window_params = [{transform_indices = #map}, {transform_indices = #map1}, {transform_indices = #map1}]} {
    %mul3A = arith.constant 2 : i32
    %mul3A_0 = arith.muli %arg1, %mul3A : i32
    %add3A = arith.addi %mul3A_0, %arg0 : i32
    %mul3A_1 = arith.constant 2 : i32
    %mul3A_2 = arith.muli %add3A, %mul3A_1 : i32
    %multiple_of3A = tpu.assume_multiple %mul3A_2, 2 : i32
    "tpu.region"() ({
      %run_scoped3A = tpu.sem_alloc : memref<!tpu.dma_semaphore, #tpu.memory_space<semaphore_mem>>
      %dma_start3A_55 = arith.constant 0 : i32
      %dma_start3A_56 = tpu.memref_slice %arg2[%multiple_of3A, %dma_start3A_55] : memref<64x10000xi32, #tpu.memory_space<hbm>> -> memref<2x10000xi32, #tpu.memory_space<hbm>>
      %dma_start3A_57 = arith.constant 0 : i32
      %dma_start3A_58 = tpu.memref_slice %arg2[%multiple_of3A, %dma_start3A_57] : memref<64x10000xi32, #tpu.memory_space<hbm>> -> memref<2x10000xi32, #tpu.memory_space<hbm>>
      tpu.enqueue_dma source(%dma_start3A_58 : memref<2x10000xi32, #tpu.memory_space<hbm>>) target(%arg6 : memref<2x10000xi32, #tpu.memory_space<vmem>>) target_semaphore(%run_scoped3A : memref<!tpu.dma_semaphore, #tpu.memory_space<semaphore_mem>>)
      %dma_wait3A_59 = arith.constant 0 : i32
      %dma_wait3A_60 = tpu.memref_slice %arg2[%multiple_of3A, %dma_wait3A_59] : memref<64x10000xi32, #tpu.memory_space<hbm>> -> memref<2x10000xi32, #tpu.memory_space<hbm>>
      %dma_wait3A_61 = arith.constant 0 : i32
      %dma_wait3A_62 = tpu.memref_slice %arg2[%multiple_of3A, %dma_wait3A_61] : memref<64x10000xi32, #tpu.memory_space<hbm>> -> memref<2x10000xi32, #tpu.memory_space<hbm>>
      tpu.wait_dma2 semaphore(%run_scoped3A : memref<!tpu.dma_semaphore, #tpu.memory_space<semaphore_mem>>) src(%dma_wait3A_62 : memref<2x10000xi32, #tpu.memory_space<hbm>>) dst(%arg6 : memref<2x10000xi32, #tpu.memory_space<vmem>>)
      tpu.yield
    }) : () -> ()
    %broadcast_in_dim3A = arith.constant 0.000000e+00 : f32
    %broadcast_in_dim3A_3 = vector.broadcast %broadcast_in_dim3A : f32 to vector<16xf32>
    %parallel_loop3A = arith.constant 0 : i32
    %parallel_loop3A_4 = arith.constant 625 : i32
    %parallel_loop3A_5 = arith.constant 1 : i32
    scf.for %parallel_loop3A_55 = %parallel_loop3A to %parallel_loop3A_4 step %parallel_loop3A_5  : i32 {
      %parallel_loop3A_56 = arith.constant 16 : i32
      %parallel_loop3A_57 = arith.muli %parallel_loop3A_55, %parallel_loop3A_56 : i32
      %parallel_loop3A_58 = arith.constant 0 : i32
      %parallel_loop3A_59 = arith.index_cast %parallel_loop3A_58 : i32 to index
      %parallel_loop3A_60 = arith.index_cast %parallel_loop3A_57 : i32 to index
      %parallel_loop3A_61 = tpu.vector_load %arg7[%parallel_loop3A_59, %parallel_loop3A_60] {strides = array<i32>} : memref<4x10000xf32, #tpu.memory_space<vmem>>, vector<16xf32>,
      tpu.vector_store %arg7[%parallel_loop3A_59, %parallel_loop3A_60], %broadcast_in_dim3A_3 {strides = array<i32>} : memref<4x10000xf32, #tpu.memory_space<vmem>>, vector<16xf32>,
      %parallel_loop3A_62 = arith.constant 16 : i32
      %parallel_loop3A_63 = arith.muli %parallel_loop3A_55, %parallel_loop3A_62 : i32
      %parallel_loop3A_64 = arith.constant 1 : i32
      %parallel_loop3A_65 = arith.index_cast %parallel_loop3A_64 : i32 to index
      %parallel_loop3A_66 = arith.index_cast %parallel_loop3A_63 : i32 to index
      %parallel_loop3A_67 = tpu.vector_load %arg7[%parallel_loop3A_65, %parallel_loop3A_66] {strides = array<i32>} : memref<4x10000xf32, #tpu.memory_space<vmem>>, vector<16xf32>,
      tpu.vector_store %arg7[%parallel_loop3A_65, %parallel_loop3A_66], %broadcast_in_dim3A_3 {strides = array<i32>} : memref<4x10000xf32, #tpu.memory_space<vmem>>, vector<16xf32>,
      %parallel_loop3A_68 = arith.constant 16 : i32
      %parallel_loop3A_69 = arith.muli %parallel_loop3A_55, %parallel_loop3A_68 : i32
      %parallel_loop3A_70 = arith.constant 2 : i32
      %parallel_loop3A_71 = arith.index_cast %parallel_loop3A_70 : i32 to index
      %parallel_loop3A_72 = arith.index_cast %parallel_loop3A_69 : i32 to index
      %parallel_loop3A_73 = tpu.vector_load %arg7[%parallel_loop3A_71, %parallel_loop3A_72] {strides = array<i32>} : memref<4x10000xf32, #tpu.memory_space<vmem>>, vector<16xf32>,
      tpu.vector_store %arg7[%parallel_loop3A_71, %parallel_loop3A_72], %broadcast_in_dim3A_3 {strides = array<i32>} : memref<4x10000xf32, #tpu.memory_space<vmem>>, vector<16xf32>,
      %parallel_loop3A_74 = arith.constant 16 : i32
      %parallel_loop3A_75 = arith.muli %parallel_loop3A_55, %parallel_loop3A_74 : i32
      %parallel_loop3A_76 = arith.constant 3 : i32
      %parallel_loop3A_77 = arith.index_cast %parallel_loop3A_76 : i32 to index
      %parallel_loop3A_78 = arith.index_cast %parallel_loop3A_75 : i32 to index
      %parallel_loop3A_79 = tpu.vector_load %arg7[%parallel_loop3A_77, %parallel_loop3A_78] {strides = array<i32>} : memref<4x10000xf32, #tpu.memory_space<vmem>>, vector<16xf32>,
      tpu.vector_store %arg7[%parallel_loop3A_77, %parallel_loop3A_78], %broadcast_in_dim3A_3 {strides = array<i32>} : memref<4x10000xf32, #tpu.memory_space<vmem>>, vector<16xf32>,
    } {sc.loop_unroll_factor = 4 : i64, sc.parallel_access}
    %dma_start3A = arith.constant 0 : i32
    %dma_start3A_6 = arith.constant 0 : i32
    %dma_start3A_7 = arith.constant 0 : i32
    %dma_start3A_8 = tpu.memref_slice %arg3[%dma_start3A, %dma_start3A_6, %dma_start3A_7] : memref<80x2x4000xi32, #tpu.memory_space<hbm>> -> memref<1x2x4000xi32, #tpu.memory_space<hbm>>
    %dma_start3A_9 = tpu.memref_squeeze %dma_start3A_8 : memref<1x2x4000xi32, #tpu.memory_space<hbm>> -> memref<2x4000xi32, #tpu.memory_space<hbm>>
    %dma_start3A_10 = arith.constant 0 : i32
    %dma_start3A_11 = arith.constant 0 : i32
    %dma_start3A_12 = tpu.memref_slice %arg3[%dma_start3A, %dma_start3A_10, %dma_start3A_11] : memref<80x2x4000xi32, #tpu.memory_space<hbm>> -> memref<1x2x4000xi32, #tpu.memory_space<hbm>>
    %dma_start3A_13 = tpu.memref_squeeze %dma_start3A_12 : memref<1x2x4000xi32, #tpu.memory_space<hbm>> -> memref<2x4000xi32, #tpu.memory_space<hbm>>
    tpu.enqueue_dma source(%dma_start3A_13 : memref<2x4000xi32, #tpu.memory_space<hbm>>) target(%arg8 : memref<2x4000xi32, #tpu.memory_space<vmem>>) target_semaphore(%arg10 : memref<!tpu.dma_semaphore, #tpu.memory_space<semaphore_mem>>)
    %dma_start3A_14 = arith.constant 1 : i32
    %dma_start3A_15 = arith.constant 0 : i32
    %dma_start3A_16 = arith.constant 0 : i32
    %dma_start3A_17 = tpu.memref_slice %arg3[%dma_start3A_14, %dma_start3A_15, %dma_start3A_16] : memref<80x2x4000xi32, #tpu.memory_space<hbm>> -> memref<1x2x4000xi32, #tpu.memory_space<hbm>>
    %dma_start3A_18 = tpu.memref_squeeze %dma_start3A_17 : memref<1x2x4000xi32, #tpu.memory_space<hbm>> -> memref<2x4000xi32, #tpu.memory_space<hbm>>
    %dma_start3A_19 = arith.constant 0 : i32
    %dma_start3A_20 = arith.constant 0 : i32
    %dma_start3A_21 = tpu.memref_slice %arg3[%dma_start3A_14, %dma_start3A_19, %dma_start3A_20] : memref<80x2x4000xi32, #tpu.memory_space<hbm>> -> memref<1x2x4000xi32, #tpu.memory_space<hbm>>
    %dma_start3A_22 = tpu.memref_squeeze %dma_start3A_21 : memref<1x2x4000xi32, #tpu.memory_space<hbm>> -> memref<2x4000xi32, #tpu.memory_space<hbm>>
    tpu.enqueue_dma source(%dma_start3A_22 : memref<2x4000xi32, #tpu.memory_space<hbm>>) target(%arg9 : memref<2x4000xi32, #tpu.memory_space<vmem>>) target_semaphore(%arg11 : memref<!tpu.dma_semaphore, #tpu.memory_space<semaphore_mem>>)
    %scan3A = arith.constant -65536 : i32
    %scan3A_23 = arith.constant 32768 : i32
    %scan3A_24 = arith.constant 0 : i32
    %scan3A_25 = arith.constant 0 : i32
    %scan3A_26 = arith.constant 30 : i32
    %scan3A_27 = arith.addi %scan3A_25, %scan3A_26 : i32
    %scan3A_28 = arith.constant 1 : i32
    %scan3A_29 = scf.for %scan3A_55 = %scan3A_25 to %scan3A_27 step %scan3A_28 iter_args(%scan3A_56 = %scan3A_24) -> (i32)  : i32 {
      %scan3A_57 = arith.constant 0 : i32
      %scan3A_58 = arith.constant 0 : i32
      %scan3A_59 = arith.constant 40 : i32
      %scan3A_60 = arith.addi %scan3A_58, %scan3A_59 : i32
      %scan3A_61 = arith.constant 1 : i32
      %scan3A_62 = scf.for %scan3A_77 = %scan3A_58 to %scan3A_60 step %scan3A_61 iter_args(%scan3A_78 = %scan3A_57) -> (i32)  : i32 {
        %mul3A_79 = arith.constant 2 : i32
        %mul3A_80 = arith.muli %scan3A_77, %mul3A_79 : i32
        %add3A_81 = arith.constant 0 : i32
        %add3A_82 = arith.addi %mul3A_80, %add3A_81 : i32
        %jit3A = arith.constant 80 : i32
        %eq3A_83 = arith.constant 0 : i32
        %eq3A_84 = arith.cmpi eq, %jit3A, %eq3A_83 : i32
        %jit3A_85 = arith.constant 1 : i32
        %select_n3A = arith.select %eq3A_84, %jit3A_85, %jit3A : i32
        %rem3A = arith.remsi %add3A_82, %select_n3A : i32
        %ne3A = arith.constant 0 : i32
        %ne3A_86 = arith.cmpi ne, %rem3A, %ne3A : i32
        %lt3A = arith.constant 0 : i32
        %lt3A_87 = arith.cmpi slt, %rem3A, %lt3A : i32
        %lt3A_88 = arith.constant 0 : i32
        %lt3A_89 = arith.cmpi slt, %select_n3A, %lt3A_88 : i32
        %ne3A_90 = arith.xori %lt3A_87, %lt3A_89 : i1
        %and3A = arith.andi %ne3A_90, %ne3A_86 : i1
        %add3A_91 = arith.addi %rem3A, %select_n3A : i32
        %select_n3A_92 = arith.select %and3A, %add3A_91, %rem3A : i32
        %dma_wait3A_93 = arith.constant 0 : i32
        %dma_wait3A_94 = arith.constant 0 : i32
        %dma_wait3A_95 = tpu.memref_slice %arg3[%select_n3A_92, %dma_wait3A_93, %dma_wait3A_94] : memref<80x2x4000xi32, #tpu.memory_space<hbm>> -> memref<1x2x4000xi32, #tpu.memory_space<hbm>>
        %dma_wait3A_96 = tpu.memref_squeeze %dma_wait3A_95 : memref<1x2x4000xi32, #tpu.memory_space<hbm>> -> memref<2x4000xi32, #tpu.memory_space<hbm>>
        %dma_wait3A_97 = arith.constant 0 : i32
        %dma_wait3A_98 = arith.constant 0 : i32
        %dma_wait3A_99 = tpu.memref_slice %arg3[%select_n3A_92, %dma_wait3A_97, %dma_wait3A_98] : memref<80x2x4000xi32, #tpu.memory_space<hbm>> -> memref<1x2x4000xi32, #tpu.memory_space<hbm>>
        %dma_wait3A_100 = tpu.memref_squeeze %dma_wait3A_99 : memref<1x2x4000xi32, #tpu.memory_space<hbm>> -> memref<2x4000xi32, #tpu.memory_space<hbm>>
        tpu.wait_dma2 semaphore(%arg10 : memref<!tpu.dma_semaphore, #tpu.memory_space<semaphore_mem>>) src(%dma_wait3A_100 : memref<2x4000xi32, #tpu.memory_space<hbm>>) dst(%arg8 : memref<2x4000xi32, #tpu.memory_space<vmem>>)
        %parallel_loop3A_101 = arith.constant 0 : i32
        %parallel_loop3A_102 = arith.constant 250 : i32
        %parallel_loop3A_103 = arith.constant 1 : i32
        scf.for %parallel_loop3A_188 = %parallel_loop3A_101 to %parallel_loop3A_102 step %parallel_loop3A_103  : i32 {
          %parallel_loop3A_189 = arith.constant 16 : i32
          %parallel_loop3A_190 = arith.muli %parallel_loop3A_188, %parallel_loop3A_189 : i32
          %parallel_loop3A_191 = arith.constant 0 : i32
          %parallel_loop3A_192 = arith.index_cast %parallel_loop3A_191 : i32 to index
          %parallel_loop3A_193 = arith.index_cast %parallel_loop3A_190 : i32 to index
          %parallel_loop3A_194 = tpu.vector_load %arg8[%parallel_loop3A_192, %parallel_loop3A_193] {strides = array<i32>} : memref<2x4000xi32, #tpu.memory_space<vmem>>, vector<16xi32>,
          %parallel_loop3A_195 = arith.constant 16383 : i32
          %parallel_loop3A_196 = vector.broadcast %parallel_loop3A_195 : i32 to vector<16xi32>
          %parallel_loop3A_197 = arith.andi %parallel_loop3A_194, %parallel_loop3A_196 : vector<16xi32>
          %parallel_loop3A_198 = arith.constant 14 : i32
          %parallel_loop3A_199 = vector.broadcast %parallel_loop3A_198 : i32 to vector<16xi32>
          %parallel_loop3A_200 = arith.shrsi %parallel_loop3A_194, %parallel_loop3A_199 : vector<16xi32>
          %parallel_loop3A_201 = arith.constant 1 : i32
          %parallel_loop3A_202 = arith.index_cast %parallel_loop3A_201 : i32 to index
          %parallel_loop3A_203 = arith.index_cast %parallel_loop3A_190 : i32 to index
          %parallel_loop3A_204 = tpu.vector_load %arg8[%parallel_loop3A_202, %parallel_loop3A_203] {strides = array<i32>} : memref<2x4000xi32, #tpu.memory_space<vmem>>, vector<16xi32>,
          %parallel_loop3A_205 = vector.bitcast %parallel_loop3A_204 : vector<16xi32> to vector<16xf32>
          %parallel_loop3A_206 = arith.constant 0 : i32
          %parallel_loop3A_207 = arith.constant 0 : i32
          %parallel_loop3A_208 = tpu.memref_slice %arg6[%parallel_loop3A_206, %parallel_loop3A_207] : memref<2x10000xi32, #tpu.memory_space<vmem>> -> memref<1x10000xi32, #tpu.memory_space<vmem>>
          %parallel_loop3A_209 = tpu.memref_squeeze %parallel_loop3A_208 : memref<1x10000xi32, #tpu.memory_space<vmem>> -> memref<10000xi32, #tpu.memory_space<vmem>>
          %parallel_loop3A_210 = tpu.vector_load_idx %parallel_loop3A_209[%parallel_loop3A_197] : memref<10000xi32, #tpu.memory_space<vmem>>[vector<16xi32>], vector<16xi32>,
          %parallel_loop3A_211 = arith.constant 16 : i32
          %parallel_loop3A_212 = vector.broadcast %parallel_loop3A_211 : i32 to vector<16xi32>
          %parallel_loop3A_213 = arith.shli %parallel_loop3A_210, %parallel_loop3A_212 : vector<16xi32>
          %parallel_loop3A_214 = vector.bitcast %parallel_loop3A_213 : vector<16xi32> to vector<16xf32>
          %parallel_loop3A_215 = vector.broadcast %scan3A : i32 to vector<16xi32>
          %parallel_loop3A_216 = arith.andi %parallel_loop3A_210, %parallel_loop3A_215 : vector<16xi32>
          %parallel_loop3A_217 = vector.bitcast %parallel_loop3A_216 : vector<16xi32> to vector<16xf32>
          %parallel_loop3A_218 = arith.mulf %parallel_loop3A_214, %parallel_loop3A_205 : vector<16xf32>
          %parallel_loop3A_219 = arith.constant 0 : i32
          %parallel_loop3A_220 = arith.constant 0 : i32
          %parallel_loop3A_221 = tpu.memref_slice %arg7[%parallel_loop3A_219, %parallel_loop3A_220] : memref<4x10000xf32, #tpu.memory_space<vmem>> -> memref<1x10000xf32, #tpu.memory_space<vmem>>
          %parallel_loop3A_222 = tpu.memref_squeeze %parallel_loop3A_221 : memref<1x10000xf32, #tpu.memory_space<vmem>> -> memref<10000xf32, #tpu.memory_space<vmem>>
          tpu.vector_store_idx %parallel_loop3A_222[%parallel_loop3A_200], %parallel_loop3A_218 {add = true} : memref<10000xf32, #tpu.memory_space<vmem>>[vector<16xi32>], vector<16xf32>,
          %parallel_loop3A_223 = arith.mulf %parallel_loop3A_217, %parallel_loop3A_205 : vector<16xf32>
          %parallel_loop3A_224 = arith.constant 2 : i32
          %parallel_loop3A_225 = arith.constant 0 : i32
          %parallel_loop3A_226 = tpu.memref_slice %arg7[%parallel_loop3A_224, %parallel_loop3A_225] : memref<4x10000xf32, #tpu.memory_space<vmem>> -> memref<1x10000xf32, #tpu.memory_space<vmem>>
          %parallel_loop3A_227 = tpu.memref_squeeze %parallel_loop3A_226 : memref<1x10000xf32, #tpu.memory_space<vmem>> -> memref<10000xf32, #tpu.memory_space<vmem>>
          tpu.vector_store_idx %parallel_loop3A_227[%parallel_loop3A_200], %parallel_loop3A_223 {add = true} : memref<10000xf32, #tpu.memory_space<vmem>>[vector<16xi32>], vector<16xf32>,
          %parallel_loop3A_228 = arith.constant 1 : i32
          %parallel_loop3A_229 = arith.constant 0 : i32
          %parallel_loop3A_230 = tpu.memref_slice %arg6[%parallel_loop3A_228, %parallel_loop3A_229] : memref<2x10000xi32, #tpu.memory_space<vmem>> -> memref<1x10000xi32, #tpu.memory_space<vmem>>
          %parallel_loop3A_231 = tpu.memref_squeeze %parallel_loop3A_230 : memref<1x10000xi32, #tpu.memory_space<vmem>> -> memref<10000xi32, #tpu.memory_space<vmem>>
          %parallel_loop3A_232 = tpu.vector_load_idx %parallel_loop3A_231[%parallel_loop3A_197] : memref<10000xi32, #tpu.memory_space<vmem>>[vector<16xi32>], vector<16xi32>,
          %parallel_loop3A_233 = arith.constant 16 : i32
          %parallel_loop3A_234 = vector.broadcast %parallel_loop3A_233 : i32 to vector<16xi32>
          %parallel_loop3A_235 = arith.shli %parallel_loop3A_232, %parallel_loop3A_234 : vector<16xi32>
          %parallel_loop3A_236 = vector.bitcast %parallel_loop3A_235 : vector<16xi32> to vector<16xf32>
          %parallel_loop3A_237 = vector.broadcast %scan3A : i32 to vector<16xi32>
          %parallel_loop3A_238 = arith.andi %parallel_loop3A_232, %parallel_loop3A_237 : vector<16xi32>
          %parallel_loop3A_239 = vector.bitcast %parallel_loop3A_238 : vector<16xi32> to vector<16xf32>
          %parallel_loop3A_240 = arith.mulf %parallel_loop3A_236, %parallel_loop3A_205 : vector<16xf32>
          %parallel_loop3A_241 = arith.constant 1 : i32
          %parallel_loop3A_242 = arith.constant 0 : i32
          %parallel_loop3A_243 = tpu.memref_slice %arg7[%parallel_loop3A_241, %parallel_loop3A_242] : memref<4x10000xf32, #tpu.memory_space<vmem>> -> memref<1x10000xf32, #tpu.memory_space<vmem>>
          %parallel_loop3A_244 = tpu.memref_squeeze %parallel_loop3A_243 : memref<1x10000xf32, #tpu.memory_space<vmem>> -> memref<10000xf32, #tpu.memory_space<vmem>>
          tpu.vector_store_idx %parallel_loop3A_244[%parallel_loop3A_200], %parallel_loop3A_240 {add = true} : memref<10000xf32, #tpu.memory_space<vmem>>[vector<16xi32>], vector<16xf32>,
          %parallel_loop3A_245 = arith.mulf %parallel_loop3A_239, %parallel_loop3A_205 : vector<16xf32>
          %parallel_loop3A_246 = arith.constant 3 : i32
          %parallel_loop3A_247 = arith.constant 0 : i32
          %parallel_loop3A_248 = tpu.memref_slice %arg7[%parallel_loop3A_246, %parallel_loop3A_247] : memref<4x10000xf32, #tpu.memory_space<vmem>> -> memref<1x10000xf32, #tpu.memory_space<vmem>>
          %parallel_loop3A_249 = tpu.memref_squeeze %parallel_loop3A_248 : memref<1x10000xf32, #tpu.memory_space<vmem>> -> memref<10000xf32, #tpu.memory_space<vmem>>
          tpu.vector_store_idx %parallel_loop3A_249[%parallel_loop3A_200], %parallel_loop3A_245 {add = true} : memref<10000xf32, #tpu.memory_space<vmem>>[vector<16xi32>], vector<16xf32>,
        } {sc.loop_unroll_factor = 5 : i64, sc.parallel_access}
        %add3A_104 = arith.constant 2 : i32
        %add3A_105 = arith.addi %add3A_82, %add3A_104 : i32
        %jit3A_106 = arith.constant 80 : i32
        %eq3A_107 = arith.constant 0 : i32
        %eq3A_108 = arith.cmpi eq, %jit3A_106, %eq3A_107 : i32
        %jit3A_109 = arith.constant 1 : i32
        %select_n3A_110 = arith.select %eq3A_108, %jit3A_109, %jit3A_106 : i32
        %rem3A_111 = arith.remsi %add3A_105, %select_n3A_110 : i32
        %ne3A_112 = arith.constant 0 : i32
        %ne3A_113 = arith.cmpi ne, %rem3A_111, %ne3A_112 : i32
        %lt3A_114 = arith.constant 0 : i32
        %lt3A_115 = arith.cmpi slt, %rem3A_111, %lt3A_114 : i32
        %lt3A_116 = arith.constant 0 : i32
        %lt3A_117 = arith.cmpi slt, %select_n3A_110, %lt3A_116 : i32
        %ne3A_118 = arith.xori %lt3A_115, %lt3A_117 : i1
        %and3A_119 = arith.andi %ne3A_118, %ne3A_113 : i1
        %add3A_120 = arith.addi %rem3A_111, %select_n3A_110 : i32
        %select_n3A_121 = arith.select %and3A_119, %add3A_120, %rem3A_111 : i32
        %dma_start3A_122 = arith.constant 0 : i32
        %dma_start3A_123 = arith.constant 0 : i32
        %dma_start3A_124 = tpu.memref_slice %arg3[%select_n3A_121, %dma_start3A_122, %dma_start3A_123] : memref<80x2x4000xi32, #tpu.memory_space<hbm>> -> memref<1x2x4000xi32, #tpu.memory_space<hbm>>
        %dma_start3A_125 = tpu.memref_squeeze %dma_start3A_124 : memref<1x2x4000xi32, #tpu.memory_space<hbm>> -> memref<2x4000xi32, #tpu.memory_space<hbm>>
        %dma_start3A_126 = arith.constant 0 : i32
        %dma_start3A_127 = arith.constant 0 : i32
        %dma_start3A_128 = tpu.memref_slice %arg3[%select_n3A_121, %dma_start3A_126, %dma_start3A_127] : memref<80x2x4000xi32, #tpu.memory_space<hbm>> -> memref<1x2x4000xi32, #tpu.memory_space<hbm>>
        %dma_start3A_129 = tpu.memref_squeeze %dma_start3A_128 : memref<1x2x4000xi32, #tpu.memory_space<hbm>> -> memref<2x4000xi32, #tpu.memory_space<hbm>>
        tpu.enqueue_dma source(%dma_start3A_129 : memref<2x4000xi32, #tpu.memory_space<hbm>>) target(%arg8 : memref<2x4000xi32, #tpu.memory_space<vmem>>) target_semaphore(%arg10 : memref<!tpu.dma_semaphore, #tpu.memory_space<semaphore_mem>>)
        %mul3A_130 = arith.constant 2 : i32
        %mul3A_131 = arith.muli %scan3A_77, %mul3A_130 : i32
        %add3A_132 = arith.constant 1 : i32
        %add3A_133 = arith.addi %mul3A_131, %add3A_132 : i32
        %jit3A_134 = arith.constant 80 : i32
        %eq3A_135 = arith.constant 0 : i32
        %eq3A_136 = arith.cmpi eq, %jit3A_134, %eq3A_135 : i32
        %jit3A_137 = arith.constant 1 : i32
        %select_n3A_138 = arith.select %eq3A_136, %jit3A_137, %jit3A_134 : i32
        %rem3A_139 = arith.remsi %add3A_133, %select_n3A_138 : i32
        %ne3A_140 = arith.constant 0 : i32
        %ne3A_141 = arith.cmpi ne, %rem3A_139, %ne3A_140 : i32
        %lt3A_142 = arith.constant 0 : i32
        %lt3A_143 = arith.cmpi slt, %rem3A_139, %lt3A_142 : i32
        %lt3A_144 = arith.constant 0 : i32
        %lt3A_145 = arith.cmpi slt, %select_n3A_138, %lt3A_144 : i32
        %ne3A_146 = arith.xori %lt3A_143, %lt3A_145 : i1
        %and3A_147 = arith.andi %ne3A_146, %ne3A_141 : i1
        %add3A_148 = arith.addi %rem3A_139, %select_n3A_138 : i32
        %select_n3A_149 = arith.select %and3A_147, %add3A_148, %rem3A_139 : i32
        %dma_wait3A_150 = arith.constant 0 : i32
        %dma_wait3A_151 = arith.constant 0 : i32
        %dma_wait3A_152 = tpu.memref_slice %arg3[%select_n3A_149, %dma_wait3A_150, %dma_wait3A_151] : memref<80x2x4000xi32, #tpu.memory_space<hbm>> -> memref<1x2x4000xi32, #tpu.memory_space<hbm>>
        %dma_wait3A_153 = tpu.memref_squeeze %dma_wait3A_152 : memref<1x2x4000xi32, #tpu.memory_space<hbm>> -> memref<2x4000xi32, #tpu.memory_space<hbm>>
        %dma_wait3A_154 = arith.constant 0 : i32
        %dma_wait3A_155 = arith.constant 0 : i32
        %dma_wait3A_156 = tpu.memref_slice %arg3[%select_n3A_149, %dma_wait3A_154, %dma_wait3A_155] : memref<80x2x4000xi32, #tpu.memory_space<hbm>> -> memref<1x2x4000xi32, #tpu.memory_space<hbm>>
        %dma_wait3A_157 = tpu.memref_squeeze %dma_wait3A_156 : memref<1x2x4000xi32, #tpu.memory_space<hbm>> -> memref<2x4000xi32, #tpu.memory_space<hbm>>
        tpu.wait_dma2 semaphore(%arg11 : memref<!tpu.dma_semaphore, #tpu.memory_space<semaphore_mem>>) src(%dma_wait3A_157 : memref<2x4000xi32, #tpu.memory_space<hbm>>) dst(%arg9 : memref<2x4000xi32, #tpu.memory_space<vmem>>)
        %parallel_loop3A_158 = arith.constant 0 : i32
        %parallel_loop3A_159 = arith.constant 250 : i32
        %parallel_loop3A_160 = arith.constant 1 : i32
        scf.for %parallel_loop3A_188 = %parallel_loop3A_158 to %parallel_loop3A_159 step %parallel_loop3A_160  : i32 {
          %parallel_loop3A_189 = arith.constant 16 : i32
          %parallel_loop3A_190 = arith.muli %parallel_loop3A_188, %parallel_loop3A_189 : i32
          %parallel_loop3A_191 = arith.constant 0 : i32
          %parallel_loop3A_192 = arith.index_cast %parallel_loop3A_191 : i32 to index
          %parallel_loop3A_193 = arith.index_cast %parallel_loop3A_190 : i32 to index
          %parallel_loop3A_194 = tpu.vector_load %arg9[%parallel_loop3A_192, %parallel_loop3A_193] {strides = array<i32>} : memref<2x4000xi32, #tpu.memory_space<vmem>>, vector<16xi32>,
          %parallel_loop3A_195 = arith.constant 16383 : i32
          %parallel_loop3A_196 = vector.broadcast %parallel_loop3A_195 : i32 to vector<16xi32>
          %parallel_loop3A_197 = arith.andi %parallel_loop3A_194, %parallel_loop3A_196 : vector<16xi32>
          %parallel_loop3A_198 = arith.constant 14 : i32
          %parallel_loop3A_199 = vector.broadcast %parallel_loop3A_198 : i32 to vector<16xi32>
          %parallel_loop3A_200 = arith.shrsi %parallel_loop3A_194, %parallel_loop3A_199 : vector<16xi32>
          %parallel_loop3A_201 = arith.constant 1 : i32
          %parallel_loop3A_202 = arith.index_cast %parallel_loop3A_201 : i32 to index
          %parallel_loop3A_203 = arith.index_cast %parallel_loop3A_190 : i32 to index
          %parallel_loop3A_204 = tpu.vector_load %arg9[%parallel_loop3A_202, %parallel_loop3A_203] {strides = array<i32>} : memref<2x4000xi32, #tpu.memory_space<vmem>>, vector<16xi32>,
          %parallel_loop3A_205 = vector.bitcast %parallel_loop3A_204 : vector<16xi32> to vector<16xf32>
          %parallel_loop3A_206 = arith.constant 0 : i32
          %parallel_loop3A_207 = arith.constant 0 : i32
          %parallel_loop3A_208 = tpu.memref_slice %arg6[%parallel_loop3A_206, %parallel_loop3A_207] : memref<2x10000xi32, #tpu.memory_space<vmem>> -> memref<1x10000xi32, #tpu.memory_space<vmem>>
          %parallel_loop3A_209 = tpu.memref_squeeze %parallel_loop3A_208 : memref<1x10000xi32, #tpu.memory_space<vmem>> -> memref<10000xi32, #tpu.memory_space<vmem>>
          %parallel_loop3A_210 = tpu.vector_load_idx %parallel_loop3A_209[%parallel_loop3A_197] : memref<10000xi32, #tpu.memory_space<vmem>>[vector<16xi32>], vector<16xi32>,
          %parallel_loop3A_211 = arith.constant 16 : i32
          %parallel_loop3A_212 = vector.broadcast %parallel_loop3A_211 : i32 to vector<16xi32>
          %parallel_loop3A_213 = arith.shli %parallel_loop3A_210, %parallel_loop3A_212 : vector<16xi32>
          %parallel_loop3A_214 = vector.bitcast %parallel_loop3A_213 : vector<16xi32> to vector<16xf32>
          %parallel_loop3A_215 = vector.broadcast %scan3A : i32 to vector<16xi32>
          %parallel_loop3A_216 = arith.andi %parallel_loop3A_210, %parallel_loop3A_215 : vector<16xi32>
          %parallel_loop3A_217 = vector.bitcast %parallel_loop3A_216 : vector<16xi32> to vector<16xf32>
          %parallel_loop3A_218 = arith.mulf %parallel_loop3A_214, %parallel_loop3A_205 : vector<16xf32>
          %parallel_loop3A_219 = arith.constant 0 : i32
          %parallel_loop3A_220 = arith.constant 0 : i32
          %parallel_loop3A_221 = tpu.memref_slice %arg7[%parallel_loop3A_219, %parallel_loop3A_220] : memref<4x10000xf32, #tpu.memory_space<vmem>> -> memref<1x10000xf32, #tpu.memory_space<vmem>>
          %parallel_loop3A_222 = tpu.memref_squeeze %parallel_loop3A_221 : memref<1x10000xf32, #tpu.memory_space<vmem>> -> memref<10000xf32, #tpu.memory_space<vmem>>
          tpu.vector_store_idx %parallel_loop3A_222[%parallel_loop3A_200], %parallel_loop3A_218 {add = true} : memref<10000xf32, #tpu.memory_space<vmem>>[vector<16xi32>], vector<16xf32>,
          %parallel_loop3A_223 = arith.mulf %parallel_loop3A_217, %parallel_loop3A_205 : vector<16xf32>
          %parallel_loop3A_224 = arith.constant 2 : i32
          %parallel_loop3A_225 = arith.constant 0 : i32
          %parallel_loop3A_226 = tpu.memref_slice %arg7[%parallel_loop3A_224, %parallel_loop3A_225] : memref<4x10000xf32, #tpu.memory_space<vmem>> -> memref<1x10000xf32, #tpu.memory_space<vmem>>
          %parallel_loop3A_227 = tpu.memref_squeeze %parallel_loop3A_226 : memref<1x10000xf32, #tpu.memory_space<vmem>> -> memref<10000xf32, #tpu.memory_space<vmem>>
          tpu.vector_store_idx %parallel_loop3A_227[%parallel_loop3A_200], %parallel_loop3A_223 {add = true} : memref<10000xf32, #tpu.memory_space<vmem>>[vector<16xi32>], vector<16xf32>,
          %parallel_loop3A_228 = arith.constant 1 : i32
          %parallel_loop3A_229 = arith.constant 0 : i32
          %parallel_loop3A_230 = tpu.memref_slice %arg6[%parallel_loop3A_228, %parallel_loop3A_229] : memref<2x10000xi32, #tpu.memory_space<vmem>> -> memref<1x10000xi32, #tpu.memory_space<vmem>>
          %parallel_loop3A_231 = tpu.memref_squeeze %parallel_loop3A_230 : memref<1x10000xi32, #tpu.memory_space<vmem>> -> memref<10000xi32, #tpu.memory_space<vmem>>
          %parallel_loop3A_232 = tpu.vector_load_idx %parallel_loop3A_231[%parallel_loop3A_197] : memref<10000xi32, #tpu.memory_space<vmem>>[vector<16xi32>], vector<16xi32>,
          %parallel_loop3A_233 = arith.constant 16 : i32
          %parallel_loop3A_234 = vector.broadcast %parallel_loop3A_233 : i32 to vector<16xi32>
          %parallel_loop3A_235 = arith.shli %parallel_loop3A_232, %parallel_loop3A_234 : vector<16xi32>
          %parallel_loop3A_236 = vector.bitcast %parallel_loop3A_235 : vector<16xi32> to vector<16xf32>
          %parallel_loop3A_237 = vector.broadcast %scan3A : i32 to vector<16xi32>
          %parallel_loop3A_238 = arith.andi %parallel_loop3A_232, %parallel_loop3A_237 : vector<16xi32>
          %parallel_loop3A_239 = vector.bitcast %parallel_loop3A_238 : vector<16xi32> to vector<16xf32>
          %parallel_loop3A_240 = arith.mulf %parallel_loop3A_236, %parallel_loop3A_205 : vector<16xf32>
          %parallel_loop3A_241 = arith.constant 1 : i32
          %parallel_loop3A_242 = arith.constant 0 : i32
          %parallel_loop3A_243 = tpu.memref_slice %arg7[%parallel_loop3A_241, %parallel_loop3A_242] : memref<4x10000xf32, #tpu.memory_space<vmem>> -> memref<1x10000xf32, #tpu.memory_space<vmem>>
          %parallel_loop3A_244 = tpu.memref_squeeze %parallel_loop3A_243 : memref<1x10000xf32, #tpu.memory_space<vmem>> -> memref<10000xf32, #tpu.memory_space<vmem>>
          tpu.vector_store_idx %parallel_loop3A_244[%parallel_loop3A_200], %parallel_loop3A_240 {add = true} : memref<10000xf32, #tpu.memory_space<vmem>>[vector<16xi32>], vector<16xf32>,
          %parallel_loop3A_245 = arith.mulf %parallel_loop3A_239, %parallel_loop3A_205 : vector<16xf32>
          %parallel_loop3A_246 = arith.constant 3 : i32
          %parallel_loop3A_247 = arith.constant 0 : i32
          %parallel_loop3A_248 = tpu.memref_slice %arg7[%parallel_loop3A_246, %parallel_loop3A_247] : memref<4x10000xf32, #tpu.memory_space<vmem>> -> memref<1x10000xf32, #tpu.memory_space<vmem>>
          %parallel_loop3A_249 = tpu.memref_squeeze %parallel_loop3A_248 : memref<1x10000xf32, #tpu.memory_space<vmem>> -> memref<10000xf32, #tpu.memory_space<vmem>>
          tpu.vector_store_idx %parallel_loop3A_249[%parallel_loop3A_200], %parallel_loop3A_245 {add = true} : memref<10000xf32, #tpu.memory_space<vmem>>[vector<16xi32>], vector<16xf32>,
        } {sc.loop_unroll_factor = 5 : i64, sc.parallel_access}
        %add3A_161 = arith.constant 2 : i32
        %add3A_162 = arith.addi %add3A_133, %add3A_161 : i32
        %jit3A_163 = arith.constant 80 : i32
        %eq3A_164 = arith.constant 0 : i32
        %eq3A_165 = arith.cmpi eq, %jit3A_163, %eq3A_164 : i32
        %jit3A_166 = arith.constant 1 : i32
        %select_n3A_167 = arith.select %eq3A_165, %jit3A_166, %jit3A_163 : i32
        %rem3A_168 = arith.remsi %add3A_162, %select_n3A_167 : i32
        %ne3A_169 = arith.constant 0 : i32
        %ne3A_170 = arith.cmpi ne, %rem3A_168, %ne3A_169 : i32
        %lt3A_171 = arith.constant 0 : i32
        %lt3A_172 = arith.cmpi slt, %rem3A_168, %lt3A_171 : i32
        %lt3A_173 = arith.constant 0 : i32
        %lt3A_174 = arith.cmpi slt, %select_n3A_167, %lt3A_173 : i32
        %ne3A_175 = arith.xori %lt3A_172, %lt3A_174 : i1
        %and3A_176 = arith.andi %ne3A_175, %ne3A_170 : i1
        %add3A_177 = arith.addi %rem3A_168, %select_n3A_167 : i32
        %select_n3A_178 = arith.select %and3A_176, %add3A_177, %rem3A_168 : i32
        %dma_start3A_179 = arith.constant 0 : i32
        %dma_start3A_180 = arith.constant 0 : i32
        %dma_start3A_181 = tpu.memref_slice %arg3[%select_n3A_178, %dma_start3A_179, %dma_start3A_180] : memref<80x2x4000xi32, #tpu.memory_space<hbm>> -> memref<1x2x4000xi32, #tpu.memory_space<hbm>>
        %dma_start3A_182 = tpu.memref_squeeze %dma_start3A_181 : memref<1x2x4000xi32, #tpu.memory_space<hbm>> -> memref<2x4000xi32, #tpu.memory_space<hbm>>
        %dma_start3A_183 = arith.constant 0 : i32
        %dma_start3A_184 = arith.constant 0 : i32
        %dma_start3A_185 = tpu.memref_slice %arg3[%select_n3A_178, %dma_start3A_183, %dma_start3A_184] : memref<80x2x4000xi32, #tpu.memory_space<hbm>> -> memref<1x2x4000xi32, #tpu.memory_space<hbm>>
        %dma_start3A_186 = tpu.memref_squeeze %dma_start3A_185 : memref<1x2x4000xi32, #tpu.memory_space<hbm>> -> memref<2x4000xi32, #tpu.memory_space<hbm>>
        tpu.enqueue_dma source(%dma_start3A_186 : memref<2x4000xi32, #tpu.memory_space<hbm>>) target(%arg9 : memref<2x4000xi32, #tpu.memory_space<vmem>>) target_semaphore(%arg11 : memref<!tpu.dma_semaphore, #tpu.memory_space<semaphore_mem>>)
        %scan3A_187 = arith.constant 0 : i32
        scf.yield %scan3A_187 : i32
      }
      %scan3A_63 = arith.constant 40 : i32
      %eq3A = arith.constant 0 : i32
      %eq3A_64 = arith.cmpi eq, %scan3A_55, %eq3A : i32
      %gt3A = arith.constant 0 : i32
      %gt3A_65 = arith.cmpi sgt, %scan3A_55, %gt3A : i32
      %convert_element_type3A = arith.extui %gt3A_65 : i1 to i32
      %cond3A = arith.constant 0 : i32
      %cond3A_66 = arith.cmpi ne, %convert_element_type3A, %cond3A : i32
      scf.if %cond3A_66 {
        %sub3A = arith.constant 1 : i32
        %sub3A_77 = arith.subi %scan3A_55, %sub3A : i32
        %dma_wait3A_78 = arith.constant 0 : i32
        %dma_wait3A_79 = tpu.memref_slice %arg4[%sub3A_77, %multiple_of3A, %dma_wait3A_78] : memref<30x64x10240xi32, #tpu.memory_space<hbm>> -> memref<1x2x10000xi32, #tpu.memory_space<hbm>>
        %dma_wait3A_80 = tpu.memref_squeeze %dma_wait3A_79 : memref<1x2x10000xi32, #tpu.memory_space<hbm>> -> memref<2x10000xi32, #tpu.memory_space<hbm>>
        %dma_wait3A_81 = arith.constant 0 : i32
        %dma_wait3A_82 = tpu.memref_slice %arg4[%sub3A_77, %multiple_of3A, %dma_wait3A_81] : memref<30x64x10240xi32, #tpu.memory_space<hbm>> -> memref<1x2x10000xi32, #tpu.memory_space<hbm>>
        %dma_wait3A_83 = tpu.memref_squeeze %dma_wait3A_82 : memref<1x2x10000xi32, #tpu.memory_space<hbm>> -> memref<2x10000xi32, #tpu.memory_space<hbm>>
        tpu.wait_dma2 semaphore(%arg12 : memref<!tpu.dma_semaphore, #tpu.memory_space<semaphore_mem>>) src(%arg6 : memref<2x10000xi32, #tpu.memory_space<vmem>>) dst(%dma_wait3A_83 : memref<2x10000xi32, #tpu.memory_space<hbm>>)
      } else {
      }
      %parallel_loop3A_67 = arith.constant 0 : i32
      %parallel_loop3A_68 = arith.constant 625 : i32
      %parallel_loop3A_69 = arith.constant 1 : i32
      scf.for %parallel_loop3A_77 = %parallel_loop3A_67 to %parallel_loop3A_68 step %parallel_loop3A_69  : i32 {
        %parallel_loop3A_78 = arith.constant 16 : i32
        %parallel_loop3A_79 = arith.muli %parallel_loop3A_77, %parallel_loop3A_78 : i32
        %parallel_loop3A_80 = arith.constant 0 : i32
        %parallel_loop3A_81 = arith.index_cast %parallel_loop3A_80 : i32 to index
        %parallel_loop3A_82 = arith.index_cast %parallel_loop3A_79 : i32 to index
        %parallel_loop3A_83 = tpu.vector_load %arg6[%parallel_loop3A_81, %parallel_loop3A_82] {strides = array<i32>} : memref<2x10000xi32, #tpu.memory_space<vmem>>, vector<16xi32>,
        %parallel_loop3A_84 = arith.constant 16 : i32
        %parallel_loop3A_85 = vector.broadcast %parallel_loop3A_84 : i32 to vector<16xi32>
        %parallel_loop3A_86 = arith.shli %parallel_loop3A_83, %parallel_loop3A_85 : vector<16xi32>
        %parallel_loop3A_87 = vector.bitcast %parallel_loop3A_86 : vector<16xi32> to vector<16xf32>
        %parallel_loop3A_88 = vector.broadcast %scan3A : i32 to vector<16xi32>
        %parallel_loop3A_89 = arith.andi %parallel_loop3A_83, %parallel_loop3A_88 : vector<16xi32>
        %parallel_loop3A_90 = vector.bitcast %parallel_loop3A_89 : vector<16xi32> to vector<16xf32>
        %parallel_loop3A_91 = arith.constant 0 : i32
        %parallel_loop3A_92 = arith.index_cast %parallel_loop3A_91 : i32 to index
        %parallel_loop3A_93 = arith.index_cast %parallel_loop3A_79 : i32 to index
        %parallel_loop3A_94 = tpu.vector_load %arg7[%parallel_loop3A_92, %parallel_loop3A_93] {strides = array<i32>} : memref<4x10000xf32, #tpu.memory_space<vmem>>, vector<16xf32>,
        %parallel_loop3A_95 = arith.constant 0.000000e+00 : f32
        %parallel_loop3A_96 = vector.broadcast %parallel_loop3A_95 : f32 to vector<16xf32>
        %parallel_loop3A_97 = arith.subf %parallel_loop3A_96, %parallel_loop3A_94 : vector<16xf32>
        %parallel_loop3A_98 = arith.constant 0 : i32
        %parallel_loop3A_99 = arith.index_cast %parallel_loop3A_98 : i32 to index
        %parallel_loop3A_100 = arith.index_cast %parallel_loop3A_79 : i32 to index
        %parallel_loop3A_101 = tpu.vector_load %arg7[%parallel_loop3A_99, %parallel_loop3A_100] {strides = array<i32>} : memref<4x10000xf32, #tpu.memory_space<vmem>>, vector<16xf32>,
        %parallel_loop3A_102 = arith.constant -2.000000e+00 : f32
        %parallel_loop3A_103 = vector.broadcast %parallel_loop3A_102 : f32 to vector<16xf32>
        %parallel_loop3A_104 = arith.mulf %parallel_loop3A_103, %parallel_loop3A_101 : vector<16xf32>
        %parallel_loop3A_105 = arith.constant 0 : i32
        %parallel_loop3A_106 = arith.index_cast %parallel_loop3A_105 : i32 to index
        %parallel_loop3A_107 = arith.index_cast %parallel_loop3A_79 : i32 to index
        %parallel_loop3A_108 = tpu.vector_load %arg5[%parallel_loop3A_106, %parallel_loop3A_107] {strides = array<i32>} : memref<4x10000xf32, #tpu.memory_space<vmem>>, vector<16xf32>,
        %parallel_loop3A_109 = arith.subf %parallel_loop3A_104, %parallel_loop3A_108 : vector<16xf32>
        %parallel_loop3A_110 = arith.select %eq3A_64, %parallel_loop3A_97, %parallel_loop3A_109 : vector<16xf32>
        %parallel_loop3A_111 = arith.constant 2 : i32
        %parallel_loop3A_112 = arith.index_cast %parallel_loop3A_111 : i32 to index
        %parallel_loop3A_113 = arith.index_cast %parallel_loop3A_79 : i32 to index
        %parallel_loop3A_114 = tpu.vector_load %arg7[%parallel_loop3A_112, %parallel_loop3A_113] {strides = array<i32>} : memref<4x10000xf32, #tpu.memory_space<vmem>>, vector<16xf32>,
        %parallel_loop3A_115 = arith.constant 0.000000e+00 : f32
        %parallel_loop3A_116 = vector.broadcast %parallel_loop3A_115 : f32 to vector<16xf32>
        %parallel_loop3A_117 = arith.subf %parallel_loop3A_116, %parallel_loop3A_114 : vector<16xf32>
        %parallel_loop3A_118 = arith.constant 2 : i32
        %parallel_loop3A_119 = arith.index_cast %parallel_loop3A_118 : i32 to index
        %parallel_loop3A_120 = arith.index_cast %parallel_loop3A_79 : i32 to index
        %parallel_loop3A_121 = tpu.vector_load %arg7[%parallel_loop3A_119, %parallel_loop3A_120] {strides = array<i32>} : memref<4x10000xf32, #tpu.memory_space<vmem>>, vector<16xf32>,
        %parallel_loop3A_122 = arith.constant -2.000000e+00 : f32
        %parallel_loop3A_123 = vector.broadcast %parallel_loop3A_122 : f32 to vector<16xf32>
        %parallel_loop3A_124 = arith.mulf %parallel_loop3A_123, %parallel_loop3A_121 : vector<16xf32>
        %parallel_loop3A_125 = arith.constant 2 : i32
        %parallel_loop3A_126 = arith.index_cast %parallel_loop3A_125 : i32 to index
        %parallel_loop3A_127 = arith.index_cast %parallel_loop3A_79 : i32 to index
        %parallel_loop3A_128 = tpu.vector_load %arg5[%parallel_loop3A_126, %parallel_loop3A_127] {strides = array<i32>} : memref<4x10000xf32, #tpu.memory_space<vmem>>, vector<16xf32>,
        %parallel_loop3A_129 = arith.subf %parallel_loop3A_124, %parallel_loop3A_128 : vector<16xf32>
        %parallel_loop3A_130 = arith.select %eq3A_64, %parallel_loop3A_117, %parallel_loop3A_129 : vector<16xf32>
        %parallel_loop3A_131 = arith.constant 0 : i32
        %parallel_loop3A_132 = arith.index_cast %parallel_loop3A_131 : i32 to index
        %parallel_loop3A_133 = arith.index_cast %parallel_loop3A_79 : i32 to index
        %parallel_loop3A_134 = tpu.vector_load %arg5[%parallel_loop3A_132, %parallel_loop3A_133] {strides = array<i32>} : memref<4x10000xf32, #tpu.memory_space<vmem>>, vector<16xf32>,
        tpu.vector_store %arg5[%parallel_loop3A_132, %parallel_loop3A_133], %parallel_loop3A_87 {strides = array<i32>} : memref<4x10000xf32, #tpu.memory_space<vmem>>, vector<16xf32>,
        %parallel_loop3A_135 = arith.constant 2 : i32
        %parallel_loop3A_136 = arith.index_cast %parallel_loop3A_135 : i32 to index
        %parallel_loop3A_137 = arith.index_cast %parallel_loop3A_79 : i32 to index
        %parallel_loop3A_138 = tpu.vector_load %arg5[%parallel_loop3A_136, %parallel_loop3A_137] {strides = array<i32>} : memref<4x10000xf32, #tpu.memory_space<vmem>>, vector<16xf32>,
        tpu.vector_store %arg5[%parallel_loop3A_136, %parallel_loop3A_137], %parallel_loop3A_90 {strides = array<i32>} : memref<4x10000xf32, #tpu.memory_space<vmem>>, vector<16xf32>,
        %parallel_loop3A_139 = vector.bitcast %parallel_loop3A_110 : vector<16xf32> to vector<16xi32>
        %parallel_loop3A_140 = vector.bitcast %parallel_loop3A_130 : vector<16xf32> to vector<16xi32>
        %parallel_loop3A_141 = vector.broadcast %scan3A_23 : i32 to vector<16xi32>
        %parallel_loop3A_142 = arith.addi %parallel_loop3A_139, %parallel_loop3A_141 : vector<16xi32>
        %parallel_loop3A_143 = arith.constant 16 : i32
        %parallel_loop3A_144 = vector.broadcast %parallel_loop3A_143 : i32 to vector<16xi32>
        %parallel_loop3A_145 = arith.shrsi %parallel_loop3A_142, %parallel_loop3A_144 : vector<16xi32>
        %parallel_loop3A_146 = arith.constant 65535 : i32
        %parallel_loop3A_147 = vector.broadcast %parallel_loop3A_146 : i32 to vector<16xi32>
        %parallel_loop3A_148 = arith.andi %parallel_loop3A_145, %parallel_loop3A_147 : vector<16xi32>
        %parallel_loop3A_149 = vector.broadcast %scan3A_23 : i32 to vector<16xi32>
        %parallel_loop3A_150 = arith.addi %parallel_loop3A_140, %parallel_loop3A_149 : vector<16xi32>
        %parallel_loop3A_151 = vector.broadcast %scan3A : i32 to vector<16xi32>
        %parallel_loop3A_152 = arith.andi %parallel_loop3A_150, %parallel_loop3A_151 : vector<16xi32>
        %parallel_loop3A_153 = arith.ori %parallel_loop3A_148, %parallel_loop3A_152 : vector<16xi32>
        %parallel_loop3A_154 = arith.constant 0 : i32
        %parallel_loop3A_155 = arith.index_cast %parallel_loop3A_154 : i32 to index
        %parallel_loop3A_156 = arith.index_cast %parallel_loop3A_79 : i32 to index
        %parallel_loop3A_157 = tpu.vector_load %arg6[%parallel_loop3A_155, %parallel_loop3A_156] {strides = array<i32>} : memref<2x10000xi32, #tpu.memory_space<vmem>>, vector<16xi32>,
        tpu.vector_store %arg6[%parallel_loop3A_155, %parallel_loop3A_156], %parallel_loop3A_153 {strides = array<i32>} : memref<2x10000xi32, #tpu.memory_space<vmem>>, vector<16xi32>,
        %parallel_loop3A_158 = arith.constant 0 : i32
        %parallel_loop3A_159 = arith.index_cast %parallel_loop3A_158 : i32 to index
        %parallel_loop3A_160 = arith.index_cast %parallel_loop3A_79 : i32 to index
        %parallel_loop3A_161 = tpu.vector_load %arg7[%parallel_loop3A_159, %parallel_loop3A_160] {strides = array<i32>} : memref<4x10000xf32, #tpu.memory_space<vmem>>, vector<16xf32>,
        tpu.vector_store %arg7[%parallel_loop3A_159, %parallel_loop3A_160], %broadcast_in_dim3A_3 {strides = array<i32>} : memref<4x10000xf32, #tpu.memory_space<vmem>>, vector<16xf32>,
        %parallel_loop3A_162 = arith.constant 2 : i32
        %parallel_loop3A_163 = arith.index_cast %parallel_loop3A_162 : i32 to index
        %parallel_loop3A_164 = arith.index_cast %parallel_loop3A_79 : i32 to index
        %parallel_loop3A_165 = tpu.vector_load %arg7[%parallel_loop3A_163, %parallel_loop3A_164] {strides = array<i32>} : memref<4x10000xf32, #tpu.memory_space<vmem>>, vector<16xf32>,
        tpu.vector_store %arg7[%parallel_loop3A_163, %parallel_loop3A_164], %broadcast_in_dim3A_3 {strides = array<i32>} : memref<4x10000xf32, #tpu.memory_space<vmem>>, vector<16xf32>,
        %parallel_loop3A_166 = arith.constant 1 : i32
        %parallel_loop3A_167 = arith.index_cast %parallel_loop3A_166 : i32 to index
        %parallel_loop3A_168 = arith.index_cast %parallel_loop3A_79 : i32 to index
        %parallel_loop3A_169 = tpu.vector_load %arg6[%parallel_loop3A_167, %parallel_loop3A_168] {strides = array<i32>} : memref<2x10000xi32, #tpu.memory_space<vmem>>, vector<16xi32>,
        %parallel_loop3A_170 = arith.constant 16 : i32
        %parallel_loop3A_171 = vector.broadcast %parallel_loop3A_170 : i32 to vector<16xi32>
        %parallel_loop3A_172 = arith.shli %parallel_loop3A_169, %parallel_loop3A_171 : vector<16xi32>
        %parallel_loop3A_173 = vector.bitcast %parallel_loop3A_172 : vector<16xi32> to vector<16xf32>
        %parallel_loop3A_174 = vector.broadcast %scan3A : i32 to vector<16xi32>
        %parallel_loop3A_175 = arith.andi %parallel_loop3A_169, %parallel_loop3A_174 : vector<16xi32>
        %parallel_loop3A_176 = vector.bitcast %parallel_loop3A_175 : vector<16xi32> to vector<16xf32>
        %parallel_loop3A_177 = arith.constant 1 : i32
        %parallel_loop3A_178 = arith.index_cast %parallel_loop3A_177 : i32 to index
        %parallel_loop3A_179 = arith.index_cast %parallel_loop3A_79 : i32 to index
        %parallel_loop3A_180 = tpu.vector_load %arg7[%parallel_loop3A_178, %parallel_loop3A_179] {strides = array<i32>} : memref<4x10000xf32, #tpu.memory_space<vmem>>, vector<16xf32>,
        %parallel_loop3A_181 = arith.constant 0.000000e+00 : f32
        %parallel_loop3A_182 = vector.broadcast %parallel_loop3A_181 : f32 to vector<16xf32>
        %parallel_loop3A_183 = arith.subf %parallel_loop3A_182, %parallel_loop3A_180 : vector<16xf32>
        %parallel_loop3A_184 = arith.constant 1 : i32
        %parallel_loop3A_185 = arith.index_cast %parallel_loop3A_184 : i32 to index
        %parallel_loop3A_186 = arith.index_cast %parallel_loop3A_79 : i32 to index
        %parallel_loop3A_187 = tpu.vector_load %arg7[%parallel_loop3A_185, %parallel_loop3A_186] {strides = array<i32>} : memref<4x10000xf32, #tpu.memory_space<vmem>>, vector<16xf32>,
        %parallel_loop3A_188 = arith.constant -2.000000e+00 : f32
        %parallel_loop3A_189 = vector.broadcast %parallel_loop3A_188 : f32 to vector<16xf32>
        %parallel_loop3A_190 = arith.mulf %parallel_loop3A_189, %parallel_loop3A_187 : vector<16xf32>
        %parallel_loop3A_191 = arith.constant 1 : i32
        %parallel_loop3A_192 = arith.index_cast %parallel_loop3A_191 : i32 to index
        %parallel_loop3A_193 = arith.index_cast %parallel_loop3A_79 : i32 to index
        %parallel_loop3A_194 = tpu.vector_load %arg5[%parallel_loop3A_192, %parallel_loop3A_193] {strides = array<i32>} : memref<4x10000xf32, #tpu.memory_space<vmem>>, vector<16xf32>,
        %parallel_loop3A_195 = arith.subf %parallel_loop3A_190, %parallel_loop3A_194 : vector<16xf32>
        %parallel_loop3A_196 = arith.select %eq3A_64, %parallel_loop3A_183, %parallel_loop3A_195 : vector<16xf32>
        %parallel_loop3A_197 = arith.constant 3 : i32
        %parallel_loop3A_198 = arith.index_cast %parallel_loop3A_197 : i32 to index
        %parallel_loop3A_199 = arith.index_cast %parallel_loop3A_79 : i32 to index
        %parallel_loop3A_200 = tpu.vector_load %arg7[%parallel_loop3A_198, %parallel_loop3A_199] {strides = array<i32>} : memref<4x10000xf32, #tpu.memory_space<vmem>>, vector<16xf32>,
        %parallel_loop3A_201 = arith.constant 0.000000e+00 : f32
        %parallel_loop3A_202 = vector.broadcast %parallel_loop3A_201 : f32 to vector<16xf32>
        %parallel_loop3A_203 = arith.subf %parallel_loop3A_202, %parallel_loop3A_200 : vector<16xf32>
        %parallel_loop3A_204 = arith.constant 3 : i32
        %parallel_loop3A_205 = arith.index_cast %parallel_loop3A_204 : i32 to index
        %parallel_loop3A_206 = arith.index_cast %parallel_loop3A_79 : i32 to index
        %parallel_loop3A_207 = tpu.vector_load %arg7[%parallel_loop3A_205, %parallel_loop3A_206] {strides = array<i32>} : memref<4x10000xf32, #tpu.memory_space<vmem>>, vector<16xf32>,
        %parallel_loop3A_208 = arith.constant -2.000000e+00 : f32
        %parallel_loop3A_209 = vector.broadcast %parallel_loop3A_208 : f32 to vector<16xf32>
        %parallel_loop3A_210 = arith.mulf %parallel_loop3A_209, %parallel_loop3A_207 : vector<16xf32>
        %parallel_loop3A_211 = arith.constant 3 : i32
        %parallel_loop3A_212 = arith.index_cast %parallel_loop3A_211 : i32 to index
        %parallel_loop3A_213 = arith.index_cast %parallel_loop3A_79 : i32 to index
        %parallel_loop3A_214 = tpu.vector_load %arg5[%parallel_loop3A_212, %parallel_loop3A_213] {strides = array<i32>} : memref<4x10000xf32, #tpu.memory_space<vmem>>, vector<16xf32>,
        %parallel_loop3A_215 = arith.subf %parallel_loop3A_210, %parallel_loop3A_214 : vector<16xf32>
        %parallel_loop3A_216 = arith.select %eq3A_64, %parallel_loop3A_203, %parallel_loop3A_215 : vector<16xf32>
        %parallel_loop3A_217 = arith.constant 1 : i32
        %parallel_loop3A_218 = arith.index_cast %parallel_loop3A_217 : i32 to index
        %parallel_loop3A_219 = arith.index_cast %parallel_loop3A_79 : i32 to index
        %parallel_loop3A_220 = tpu.vector_load %arg5[%parallel_loop3A_218, %parallel_loop3A_219] {strides = array<i32>} : memref<4x10000xf32, #tpu.memory_space<vmem>>, vector<16xf32>,
        tpu.vector_store %arg5[%parallel_loop3A_218, %parallel_loop3A_219], %parallel_loop3A_173 {strides = array<i32>} : memref<4x10000xf32, #tpu.memory_space<vmem>>, vector<16xf32>,
        %parallel_loop3A_221 = arith.constant 3 : i32
        %parallel_loop3A_222 = arith.index_cast %parallel_loop3A_221 : i32 to index
        %parallel_loop3A_223 = arith.index_cast %parallel_loop3A_79 : i32 to index
        %parallel_loop3A_224 = tpu.vector_load %arg5[%parallel_loop3A_222, %parallel_loop3A_223] {strides = array<i32>} : memref<4x10000xf32, #tpu.memory_space<vmem>>, vector<16xf32>,
        tpu.vector_store %arg5[%parallel_loop3A_222, %parallel_loop3A_223], %parallel_loop3A_176 {strides = array<i32>} : memref<4x10000xf32, #tpu.memory_space<vmem>>, vector<16xf32>,
        %parallel_loop3A_225 = vector.bitcast %parallel_loop3A_196 : vector<16xf32> to vector<16xi32>
        %parallel_loop3A_226 = vector.bitcast %parallel_loop3A_216 : vector<16xf32> to vector<16xi32>
        %parallel_loop3A_227 = vector.broadcast %scan3A_23 : i32 to vector<16xi32>
        %parallel_loop3A_228 = arith.addi %parallel_loop3A_225, %parallel_loop3A_227 : vector<16xi32>
        %parallel_loop3A_229 = arith.constant 16 : i32
        %parallel_loop3A_230 = vector.broadcast %parallel_loop3A_229 : i32 to vector<16xi32>
        %parallel_loop3A_231 = arith.shrsi %parallel_loop3A_228, %parallel_loop3A_230 : vector<16xi32>
        %parallel_loop3A_232 = arith.constant 65535 : i32
        %parallel_loop3A_233 = vector.broadcast %parallel_loop3A_232 : i32 to vector<16xi32>
        %parallel_loop3A_234 = arith.andi %parallel_loop3A_231, %parallel_loop3A_233 : vector<16xi32>
        %parallel_loop3A_235 = vector.broadcast %scan3A_23 : i32 to vector<16xi32>
        %parallel_loop3A_236 = arith.addi %parallel_loop3A_226, %parallel_loop3A_235 : vector<16xi32>
        %parallel_loop3A_237 = vector.broadcast %scan3A : i32 to vector<16xi32>
        %parallel_loop3A_238 = arith.andi %parallel_loop3A_236, %parallel_loop3A_237 : vector<16xi32>
        %parallel_loop3A_239 = arith.ori %parallel_loop3A_234, %parallel_loop3A_238 : vector<16xi32>
        %parallel_loop3A_240 = arith.constant 1 : i32
        %parallel_loop3A_241 = arith.index_cast %parallel_loop3A_240 : i32 to index
        %parallel_loop3A_242 = arith.index_cast %parallel_loop3A_79 : i32 to index
        %parallel_loop3A_243 = tpu.vector_load %arg6[%parallel_loop3A_241, %parallel_loop3A_242] {strides = array<i32>} : memref<2x10000xi32, #tpu.memory_space<vmem>>, vector<16xi32>,
        tpu.vector_store %arg6[%parallel_loop3A_241, %parallel_loop3A_242], %parallel_loop3A_239 {strides = array<i32>} : memref<2x10000xi32, #tpu.memory_space<vmem>>, vector<16xi32>,
        %parallel_loop3A_244 = arith.constant 1 : i32
        %parallel_loop3A_245 = arith.index_cast %parallel_loop3A_244 : i32 to index
        %parallel_loop3A_246 = arith.index_cast %parallel_loop3A_79 : i32 to index
        %parallel_loop3A_247 = tpu.vector_load %arg7[%parallel_loop3A_245, %parallel_loop3A_246] {strides = array<i32>} : memref<4x10000xf32, #tpu.memory_space<vmem>>, vector<16xf32>,
        tpu.vector_store %arg7[%parallel_loop3A_245, %parallel_loop3A_246], %broadcast_in_dim3A_3 {strides = array<i32>} : memref<4x10000xf32, #tpu.memory_space<vmem>>, vector<16xf32>,
        %parallel_loop3A_248 = arith.constant 3 : i32
        %parallel_loop3A_249 = arith.index_cast %parallel_loop3A_248 : i32 to index
        %parallel_loop3A_250 = arith.index_cast %parallel_loop3A_79 : i32 to index
        %parallel_loop3A_251 = tpu.vector_load %arg7[%parallel_loop3A_249, %parallel_loop3A_250] {strides = array<i32>} : memref<4x10000xf32, #tpu.memory_space<vmem>>, vector<16xf32>,
        tpu.vector_store %arg7[%parallel_loop3A_249, %parallel_loop3A_250], %broadcast_in_dim3A_3 {strides = array<i32>} : memref<4x10000xf32, #tpu.memory_space<vmem>>, vector<16xf32>,
      } {sc.loop_unroll_factor = 2 : i64, sc.parallel_access}
      %dma_start3A_70 = arith.constant 0 : i32
      %dma_start3A_71 = tpu.memref_slice %arg4[%scan3A_55, %multiple_of3A, %dma_start3A_70] : memref<30x64x10240xi32, #tpu.memory_space<hbm>> -> memref<1x2x10000xi32, #tpu.memory_space<hbm>>
      %dma_start3A_72 = tpu.memref_squeeze %dma_start3A_71 : memref<1x2x10000xi32, #tpu.memory_space<hbm>> -> memref<2x10000xi32, #tpu.memory_space<hbm>>
      %dma_start3A_73 = arith.constant 0 : i32
      %dma_start3A_74 = tpu.memref_slice %arg4[%scan3A_55, %multiple_of3A, %dma_start3A_73] : memref<30x64x10240xi32, #tpu.memory_space<hbm>> -> memref<1x2x10000xi32, #tpu.memory_space<hbm>>
      %dma_start3A_75 = tpu.memref_squeeze %dma_start3A_74 : memref<1x2x10000xi32, #tpu.memory_space<hbm>> -> memref<2x10000xi32, #tpu.memory_space<hbm>>
      tpu.enqueue_dma source(%arg6 : memref<2x10000xi32, #tpu.memory_space<vmem>>) target(%dma_start3A_75 : memref<2x10000xi32, #tpu.memory_space<hbm>>) target_semaphore(%arg12 : memref<!tpu.dma_semaphore, #tpu.memory_space<semaphore_mem>>)
      %scan3A_76 = arith.constant 0 : i32
      scf.yield %scan3A_76 : i32
    }
    %scan3A_30 = arith.constant 30 : i32
    %dma_wait3A = arith.constant 29 : i32
    %dma_wait3A_31 = arith.constant 0 : i32
    %dma_wait3A_32 = tpu.memref_slice %arg4[%dma_wait3A, %multiple_of3A, %dma_wait3A_31] : memref<30x64x10240xi32, #tpu.memory_space<hbm>> -> memref<1x2x10000xi32, #tpu.memory_space<hbm>>
    %dma_wait3A_33 = tpu.memref_squeeze %dma_wait3A_32 : memref<1x2x10000xi32, #tpu.memory_space<hbm>> -> memref<2x10000xi32, #tpu.memory_space<hbm>>
    %dma_wait3A_34 = arith.constant 0 : i32
    %dma_wait3A_35 = tpu.memref_slice %arg4[%dma_wait3A, %multiple_of3A, %dma_wait3A_34] : memref<30x64x10240xi32, #tpu.memory_space<hbm>> -> memref<1x2x10000xi32, #tpu.memory_space<hbm>>
    %dma_wait3A_36 = tpu.memref_squeeze %dma_wait3A_35 : memref<1x2x10000xi32, #tpu.memory_space<hbm>> -> memref<2x10000xi32, #tpu.memory_space<hbm>>
    tpu.wait_dma2 semaphore(%arg12 : memref<!tpu.dma_semaphore, #tpu.memory_space<semaphore_mem>>) src(%arg6 : memref<2x10000xi32, #tpu.memory_space<vmem>>) dst(%dma_wait3A_36 : memref<2x10000xi32, #tpu.memory_space<hbm>>)
    %dma_wait3A_37 = arith.constant 0 : i32
    %dma_wait3A_38 = arith.constant 0 : i32
    %dma_wait3A_39 = arith.constant 0 : i32
    %dma_wait3A_40 = tpu.memref_slice %arg3[%dma_wait3A_37, %dma_wait3A_38, %dma_wait3A_39] : memref<80x2x4000xi32, #tpu.memory_space<hbm>> -> memref<1x2x4000xi32, #tpu.memory_space<hbm>>
    %dma_wait3A_41 = tpu.memref_squeeze %dma_wait3A_40 : memref<1x2x4000xi32, #tpu.memory_space<hbm>> -> memref<2x4000xi32, #tpu.memory_space<hbm>>
    %dma_wait3A_42 = arith.constant 0 : i32
    %dma_wait3A_43 = arith.constant 0 : i32
    %dma_wait3A_44 = tpu.memref_slice %arg3[%dma_wait3A_37, %dma_wait3A_42, %dma_wait3A_43] : memref<80x2x4000xi32, #tpu.memory_space<hbm>> -> memref<1x2x4000xi32, #tpu.memory_space<hbm>>
    %dma_wait3A_45 = tpu.memref_squeeze %dma_wait3A_44 : memref<1x2x4000xi32, #tpu.memory_space<hbm>> -> memref<2x4000xi32, #tpu.memory_space<hbm>>
    tpu.wait_dma2 semaphore(%arg10 : memref<!tpu.dma_semaphore, #tpu.memory_space<semaphore_mem>>) src(%dma_wait3A_45 : memref<2x4000xi32, #tpu.memory_space<hbm>>) dst(%arg8 : memref<2x4000xi32, #tpu.memory_space<vmem>>)
    %dma_wait3A_46 = arith.constant 1 : i32
    %dma_wait3A_47 = arith.constant 0 : i32
    %dma_wait3A_48 = arith.constant 0 : i32
    %dma_wait3A_49 = tpu.memref_slice %arg3[%dma_wait3A_46, %dma_wait3A_47, %dma_wait3A_48] : memref<80x2x4000xi32, #tpu.memory_space<hbm>> -> memref<1x2x4000xi32, #tpu.memory_space<hbm>>
    %dma_wait3A_50 = tpu.memref_squeeze %dma_wait3A_49 : memref<1x2x4000xi32, #tpu.memory_space<hbm>> -> memref<2x4000xi32, #tpu.memory_space<hbm>>
    %dma_wait3A_51 = arith.constant 0 : i32
    %dma_wait3A_52 = arith.constant 0 : i32
    %dma_wait3A_53 = tpu.memref_slice %arg3[%dma_wait3A_46, %dma_wait3A_51, %dma_wait3A_52] : memref<80x2x4000xi32, #tpu.memory_space<hbm>> -> memref<1x2x4000xi32, #tpu.memory_space<hbm>>
    %dma_wait3A_54 = tpu.memref_squeeze %dma_wait3A_53 : memref<1x2x4000xi32, #tpu.memory_space<hbm>> -> memref<2x4000xi32, #tpu.memory_space<hbm>>
    tpu.wait_dma2 semaphore(%arg11 : memref<!tpu.dma_semaphore, #tpu.memory_space<semaphore_mem>>) src(%dma_wait3A_54 : memref<2x4000xi32, #tpu.memory_space<hbm>>) dst(%arg9 : memref<2x4000xi32, #tpu.memory_space<vmem>>)
    return
  }
}

#map = affine_map<(d0, d1) -> (0, 0, 0)>
#map1 = affine_map<(d0, d1) -> (0)>
module attributes {stable_mosaic.version = 14 : i64} {
  func.func @_norm_kernel(%arg0: i32, %arg1: i32, %arg2: memref<160x2x2000xi32, #tpu.memory_space<hbm>>, %arg3: memref<320000xf32, #tpu.memory_space<hbm>>, %arg4: memref<10000xf32, #tpu.memory_space<vmem>>, %arg5: memref<10000xf32, #tpu.memory_space<vmem>>, %arg6: memref<2x2000xi32, #tpu.memory_space<vmem>>, %arg7: memref<2x2000xi32, #tpu.memory_space<vmem>>, %arg8: memref<2000xf32, #tpu.memory_space<vmem>>, %arg9: memref<!tpu.dma_semaphore, #tpu.memory_space<semaphore_mem>>, %arg10: memref<!tpu.dma_semaphore, #tpu.memory_space<semaphore_mem>>) attributes {dimension_semantics = [#tpu.dimension_semantics<core_parallel>, #tpu.dimension_semantics<subcore_parallel>], iteration_bounds = array<i64: 2, 16>, scalar_prefetch = 0 : i64, scratch_operands = 7 : i64, tpu.core_type = #tpu.core_type<sc_vector_subcore>, window_params = [{transform_indices = #map}, {transform_indices = #map1}]} {
    %mul3A = arith.constant 2 : i32
    %mul3A_0 = arith.muli %arg1, %mul3A : i32
    %add3A = arith.addi %mul3A_0, %arg0 : i32
    %broadcast_in_dim3A = arith.constant 0.000000e+00 : f32
    %broadcast_in_dim3A_1 = vector.broadcast %broadcast_in_dim3A : f32 to vector<16xf32>
    %parallel_loop3A = arith.constant 0 : i32
    %parallel_loop3A_2 = arith.constant 625 : i32
    %parallel_loop3A_3 = arith.constant 1 : i32
    scf.for %parallel_loop3A_53 = %parallel_loop3A to %parallel_loop3A_2 step %parallel_loop3A_3  : i32 {
      %parallel_loop3A_54 = arith.constant 16 : i32
      %parallel_loop3A_55 = arith.muli %parallel_loop3A_53, %parallel_loop3A_54 : i32
      %parallel_loop3A_56 = arith.index_cast %parallel_loop3A_55 : i32 to index
      %parallel_loop3A_57 = tpu.vector_load %arg4[%parallel_loop3A_56] {strides = array<i32>} : memref<10000xf32, #tpu.memory_space<vmem>>, vector<16xf32>,
      tpu.vector_store %arg4[%parallel_loop3A_56], %broadcast_in_dim3A_1 {strides = array<i32>} : memref<10000xf32, #tpu.memory_space<vmem>>, vector<16xf32>,
      %parallel_loop3A_58 = arith.constant 16 : i32
      %parallel_loop3A_59 = arith.muli %parallel_loop3A_53, %parallel_loop3A_58 : i32
      %parallel_loop3A_60 = arith.index_cast %parallel_loop3A_59 : i32 to index
      %parallel_loop3A_61 = tpu.vector_load %arg5[%parallel_loop3A_60] {strides = array<i32>} : memref<10000xf32, #tpu.memory_space<vmem>>, vector<16xf32>,
      tpu.vector_store %arg5[%parallel_loop3A_60], %broadcast_in_dim3A_1 {strides = array<i32>} : memref<10000xf32, #tpu.memory_space<vmem>>, vector<16xf32>,
    } {sc.loop_unroll_factor = 4 : i64, sc.parallel_access}
    %dma_start3A = arith.constant 0 : i32
    %dma_start3A_4 = arith.constant 0 : i32
    %dma_start3A_5 = arith.constant 0 : i32
    %dma_start3A_6 = tpu.memref_slice %arg2[%dma_start3A, %dma_start3A_4, %dma_start3A_5] : memref<160x2x2000xi32, #tpu.memory_space<hbm>> -> memref<1x2x2000xi32, #tpu.memory_space<hbm>>
    %dma_start3A_7 = tpu.memref_squeeze %dma_start3A_6 : memref<1x2x2000xi32, #tpu.memory_space<hbm>> -> memref<2x2000xi32, #tpu.memory_space<hbm>>
    %dma_start3A_8 = arith.constant 0 : i32
    %dma_start3A_9 = arith.constant 0 : i32
    %dma_start3A_10 = tpu.memref_slice %arg2[%dma_start3A, %dma_start3A_8, %dma_start3A_9] : memref<160x2x2000xi32, #tpu.memory_space<hbm>> -> memref<1x2x2000xi32, #tpu.memory_space<hbm>>
    %dma_start3A_11 = tpu.memref_squeeze %dma_start3A_10 : memref<1x2x2000xi32, #tpu.memory_space<hbm>> -> memref<2x2000xi32, #tpu.memory_space<hbm>>
    tpu.enqueue_dma source(%dma_start3A_11 : memref<2x2000xi32, #tpu.memory_space<hbm>>) target(%arg6 : memref<2x2000xi32, #tpu.memory_space<vmem>>) target_semaphore(%arg9 : memref<!tpu.dma_semaphore, #tpu.memory_space<semaphore_mem>>)
    %dma_start3A_12 = arith.constant 1 : i32
    %dma_start3A_13 = arith.constant 0 : i32
    %dma_start3A_14 = arith.constant 0 : i32
    %dma_start3A_15 = tpu.memref_slice %arg2[%dma_start3A_12, %dma_start3A_13, %dma_start3A_14] : memref<160x2x2000xi32, #tpu.memory_space<hbm>> -> memref<1x2x2000xi32, #tpu.memory_space<hbm>>
    %dma_start3A_16 = tpu.memref_squeeze %dma_start3A_15 : memref<1x2x2000xi32, #tpu.memory_space<hbm>> -> memref<2x2000xi32, #tpu.memory_space<hbm>>
    %dma_start3A_17 = arith.constant 0 : i32
    %dma_start3A_18 = arith.constant 0 : i32
    %dma_start3A_19 = tpu.memref_slice %arg2[%dma_start3A_12, %dma_start3A_17, %dma_start3A_18] : memref<160x2x2000xi32, #tpu.memory_space<hbm>> -> memref<1x2x2000xi32, #tpu.memory_space<hbm>>
    %dma_start3A_20 = tpu.memref_squeeze %dma_start3A_19 : memref<1x2x2000xi32, #tpu.memory_space<hbm>> -> memref<2x2000xi32, #tpu.memory_space<hbm>>
    tpu.enqueue_dma source(%dma_start3A_20 : memref<2x2000xi32, #tpu.memory_space<hbm>>) target(%arg7 : memref<2x2000xi32, #tpu.memory_space<vmem>>) target_semaphore(%arg10 : memref<!tpu.dma_semaphore, #tpu.memory_space<semaphore_mem>>)
    %scan3A = arith.constant 0 : i32
    %scan3A_21 = arith.constant 0 : i32
    %scan3A_22 = arith.constant 80 : i32
    %scan3A_23 = arith.addi %scan3A_21, %scan3A_22 : i32
    %scan3A_24 = arith.constant 1 : i32
    %scan3A_25 = scf.for %scan3A_53 = %scan3A_21 to %scan3A_23 step %scan3A_24 iter_args(%scan3A_54 = %scan3A) -> (i32)  : i32 {
      %mul3A_55 = arith.constant 2 : i32
      %mul3A_56 = arith.muli %scan3A_53, %mul3A_55 : i32
      %add3A_57 = arith.constant 0 : i32
      %add3A_58 = arith.addi %mul3A_56, %add3A_57 : i32
      %jit3A = arith.constant 160 : i32
      %eq3A = arith.constant 0 : i32
      %eq3A_59 = arith.cmpi eq, %jit3A, %eq3A : i32
      %jit3A_60 = arith.constant 1 : i32
      %select_n3A = arith.select %eq3A_59, %jit3A_60, %jit3A : i32
      %rem3A = arith.remsi %add3A_58, %select_n3A : i32
      %ne3A = arith.constant 0 : i32
      %ne3A_61 = arith.cmpi ne, %rem3A, %ne3A : i32
      %lt3A = arith.constant 0 : i32
      %lt3A_62 = arith.cmpi slt, %rem3A, %lt3A : i32
      %lt3A_63 = arith.constant 0 : i32
      %lt3A_64 = arith.cmpi slt, %select_n3A, %lt3A_63 : i32
      %ne3A_65 = arith.xori %lt3A_62, %lt3A_64 : i1
      %and3A = arith.andi %ne3A_65, %ne3A_61 : i1
      %add3A_66 = arith.addi %rem3A, %select_n3A : i32
      %select_n3A_67 = arith.select %and3A, %add3A_66, %rem3A : i32
      %dma_wait3A_68 = arith.constant 0 : i32
      %dma_wait3A_69 = arith.constant 0 : i32
      %dma_wait3A_70 = tpu.memref_slice %arg2[%select_n3A_67, %dma_wait3A_68, %dma_wait3A_69] : memref<160x2x2000xi32, #tpu.memory_space<hbm>> -> memref<1x2x2000xi32, #tpu.memory_space<hbm>>
      %dma_wait3A_71 = tpu.memref_squeeze %dma_wait3A_70 : memref<1x2x2000xi32, #tpu.memory_space<hbm>> -> memref<2x2000xi32, #tpu.memory_space<hbm>>
      %dma_wait3A_72 = arith.constant 0 : i32
      %dma_wait3A_73 = arith.constant 0 : i32
      %dma_wait3A_74 = tpu.memref_slice %arg2[%select_n3A_67, %dma_wait3A_72, %dma_wait3A_73] : memref<160x2x2000xi32, #tpu.memory_space<hbm>> -> memref<1x2x2000xi32, #tpu.memory_space<hbm>>
      %dma_wait3A_75 = tpu.memref_squeeze %dma_wait3A_74 : memref<1x2x2000xi32, #tpu.memory_space<hbm>> -> memref<2x2000xi32, #tpu.memory_space<hbm>>
      tpu.wait_dma2 semaphore(%arg9 : memref<!tpu.dma_semaphore, #tpu.memory_space<semaphore_mem>>) src(%dma_wait3A_75 : memref<2x2000xi32, #tpu.memory_space<hbm>>) dst(%arg6 : memref<2x2000xi32, #tpu.memory_space<vmem>>)
      %parallel_loop3A_76 = arith.constant 0 : i32
      %parallel_loop3A_77 = arith.constant 125 : i32
      %parallel_loop3A_78 = arith.constant 1 : i32
      scf.for %parallel_loop3A_163 = %parallel_loop3A_76 to %parallel_loop3A_77 step %parallel_loop3A_78  : i32 {
        %parallel_loop3A_164 = arith.constant 16 : i32
        %parallel_loop3A_165 = arith.muli %parallel_loop3A_163, %parallel_loop3A_164 : i32
        %parallel_loop3A_166 = arith.constant 0 : i32
        %parallel_loop3A_167 = arith.index_cast %parallel_loop3A_166 : i32 to index
        %parallel_loop3A_168 = arith.index_cast %parallel_loop3A_165 : i32 to index
        %parallel_loop3A_169 = tpu.vector_load %arg6[%parallel_loop3A_167, %parallel_loop3A_168] {strides = array<i32>} : memref<2x2000xi32, #tpu.memory_space<vmem>>, vector<16xi32>,
        %parallel_loop3A_170 = arith.constant 16383 : i32
        %parallel_loop3A_171 = vector.broadcast %parallel_loop3A_170 : i32 to vector<16xi32>
        %parallel_loop3A_172 = arith.andi %parallel_loop3A_169, %parallel_loop3A_171 : vector<16xi32>
        %parallel_loop3A_173 = arith.constant 14 : i32
        %parallel_loop3A_174 = vector.broadcast %parallel_loop3A_173 : i32 to vector<16xi32>
        %parallel_loop3A_175 = arith.shrsi %parallel_loop3A_169, %parallel_loop3A_174 : vector<16xi32>
        %parallel_loop3A_176 = arith.constant 1 : i32
        %parallel_loop3A_177 = arith.index_cast %parallel_loop3A_176 : i32 to index
        %parallel_loop3A_178 = arith.index_cast %parallel_loop3A_165 : i32 to index
        %parallel_loop3A_179 = tpu.vector_load %arg6[%parallel_loop3A_177, %parallel_loop3A_178] {strides = array<i32>} : memref<2x2000xi32, #tpu.memory_space<vmem>>, vector<16xi32>,
        %parallel_loop3A_180 = vector.bitcast %parallel_loop3A_179 : vector<16xi32> to vector<16xf32>
        tpu.vector_store_idx %arg4[%parallel_loop3A_172], %parallel_loop3A_180 {add = true} : memref<10000xf32, #tpu.memory_space<vmem>>[vector<16xi32>], vector<16xf32>,
        tpu.vector_store_idx %arg5[%parallel_loop3A_175], %parallel_loop3A_180 {add = true} : memref<10000xf32, #tpu.memory_space<vmem>>[vector<16xi32>], vector<16xf32>,
      } {sc.loop_unroll_factor = 8 : i64, sc.parallel_access}
      %add3A_79 = arith.constant 2 : i32
      %add3A_80 = arith.addi %add3A_58, %add3A_79 : i32
      %jit3A_81 = arith.constant 160 : i32
      %eq3A_82 = arith.constant 0 : i32
      %eq3A_83 = arith.cmpi eq, %jit3A_81, %eq3A_82 : i32
      %jit3A_84 = arith.constant 1 : i32
      %select_n3A_85 = arith.select %eq3A_83, %jit3A_84, %jit3A_81 : i32
      %rem3A_86 = arith.remsi %add3A_80, %select_n3A_85 : i32
      %ne3A_87 = arith.constant 0 : i32
      %ne3A_88 = arith.cmpi ne, %rem3A_86, %ne3A_87 : i32
      %lt3A_89 = arith.constant 0 : i32
      %lt3A_90 = arith.cmpi slt, %rem3A_86, %lt3A_89 : i32
      %lt3A_91 = arith.constant 0 : i32
      %lt3A_92 = arith.cmpi slt, %select_n3A_85, %lt3A_91 : i32
      %ne3A_93 = arith.xori %lt3A_90, %lt3A_92 : i1
      %and3A_94 = arith.andi %ne3A_93, %ne3A_88 : i1
      %add3A_95 = arith.addi %rem3A_86, %select_n3A_85 : i32
      %select_n3A_96 = arith.select %and3A_94, %add3A_95, %rem3A_86 : i32
      %dma_start3A_97 = arith.constant 0 : i32
      %dma_start3A_98 = arith.constant 0 : i32
      %dma_start3A_99 = tpu.memref_slice %arg2[%select_n3A_96, %dma_start3A_97, %dma_start3A_98] : memref<160x2x2000xi32, #tpu.memory_space<hbm>> -> memref<1x2x2000xi32, #tpu.memory_space<hbm>>
      %dma_start3A_100 = tpu.memref_squeeze %dma_start3A_99 : memref<1x2x2000xi32, #tpu.memory_space<hbm>> -> memref<2x2000xi32, #tpu.memory_space<hbm>>
      %dma_start3A_101 = arith.constant 0 : i32
      %dma_start3A_102 = arith.constant 0 : i32
      %dma_start3A_103 = tpu.memref_slice %arg2[%select_n3A_96, %dma_start3A_101, %dma_start3A_102] : memref<160x2x2000xi32, #tpu.memory_space<hbm>> -> memref<1x2x2000xi32, #tpu.memory_space<hbm>>
      %dma_start3A_104 = tpu.memref_squeeze %dma_start3A_103 : memref<1x2x2000xi32, #tpu.memory_space<hbm>> -> memref<2x2000xi32, #tpu.memory_space<hbm>>
      tpu.enqueue_dma source(%dma_start3A_104 : memref<2x2000xi32, #tpu.memory_space<hbm>>) target(%arg6 : memref<2x2000xi32, #tpu.memory_space<vmem>>) target_semaphore(%arg9 : memref<!tpu.dma_semaphore, #tpu.memory_space<semaphore_mem>>)
      %mul3A_105 = arith.constant 2 : i32
      %mul3A_106 = arith.muli %scan3A_53, %mul3A_105 : i32
      %add3A_107 = arith.constant 1 : i32
      %add3A_108 = arith.addi %mul3A_106, %add3A_107 : i32
      %jit3A_109 = arith.constant 160 : i32
      %eq3A_110 = arith.constant 0 : i32
      %eq3A_111 = arith.cmpi eq, %jit3A_109, %eq3A_110 : i32
      %jit3A_112 = arith.constant 1 : i32
      %select_n3A_113 = arith.select %eq3A_111, %jit3A_112, %jit3A_109 : i32
      %rem3A_114 = arith.remsi %add3A_108, %select_n3A_113 : i32
      %ne3A_115 = arith.constant 0 : i32
      %ne3A_116 = arith.cmpi ne, %rem3A_114, %ne3A_115 : i32
      %lt3A_117 = arith.constant 0 : i32
      %lt3A_118 = arith.cmpi slt, %rem3A_114, %lt3A_117 : i32
      %lt3A_119 = arith.constant 0 : i32
      %lt3A_120 = arith.cmpi slt, %select_n3A_113, %lt3A_119 : i32
      %ne3A_121 = arith.xori %lt3A_118, %lt3A_120 : i1
      %and3A_122 = arith.andi %ne3A_121, %ne3A_116 : i1
      %add3A_123 = arith.addi %rem3A_114, %select_n3A_113 : i32
      %select_n3A_124 = arith.select %and3A_122, %add3A_123, %rem3A_114 : i32
      %dma_wait3A_125 = arith.constant 0 : i32
      %dma_wait3A_126 = arith.constant 0 : i32
      %dma_wait3A_127 = tpu.memref_slice %arg2[%select_n3A_124, %dma_wait3A_125, %dma_wait3A_126] : memref<160x2x2000xi32, #tpu.memory_space<hbm>> -> memref<1x2x2000xi32, #tpu.memory_space<hbm>>
      %dma_wait3A_128 = tpu.memref_squeeze %dma_wait3A_127 : memref<1x2x2000xi32, #tpu.memory_space<hbm>> -> memref<2x2000xi32, #tpu.memory_space<hbm>>
      %dma_wait3A_129 = arith.constant 0 : i32
      %dma_wait3A_130 = arith.constant 0 : i32
      %dma_wait3A_131 = tpu.memref_slice %arg2[%select_n3A_124, %dma_wait3A_129, %dma_wait3A_130] : memref<160x2x2000xi32, #tpu.memory_space<hbm>> -> memref<1x2x2000xi32, #tpu.memory_space<hbm>>
      %dma_wait3A_132 = tpu.memref_squeeze %dma_wait3A_131 : memref<1x2x2000xi32, #tpu.memory_space<hbm>> -> memref<2x2000xi32, #tpu.memory_space<hbm>>
      tpu.wait_dma2 semaphore(%arg10 : memref<!tpu.dma_semaphore, #tpu.memory_space<semaphore_mem>>) src(%dma_wait3A_132 : memref<2x2000xi32, #tpu.memory_space<hbm>>) dst(%arg7 : memref<2x2000xi32, #tpu.memory_space<vmem>>)
      %parallel_loop3A_133 = arith.constant 0 : i32
      %parallel_loop3A_134 = arith.constant 125 : i32
      %parallel_loop3A_135 = arith.constant 1 : i32
      scf.for %parallel_loop3A_163 = %parallel_loop3A_133 to %parallel_loop3A_134 step %parallel_loop3A_135  : i32 {
        %parallel_loop3A_164 = arith.constant 16 : i32
        %parallel_loop3A_165 = arith.muli %parallel_loop3A_163, %parallel_loop3A_164 : i32
        %parallel_loop3A_166 = arith.constant 0 : i32
        %parallel_loop3A_167 = arith.index_cast %parallel_loop3A_166 : i32 to index
        %parallel_loop3A_168 = arith.index_cast %parallel_loop3A_165 : i32 to index
        %parallel_loop3A_169 = tpu.vector_load %arg7[%parallel_loop3A_167, %parallel_loop3A_168] {strides = array<i32>} : memref<2x2000xi32, #tpu.memory_space<vmem>>, vector<16xi32>,
        %parallel_loop3A_170 = arith.constant 16383 : i32
        %parallel_loop3A_171 = vector.broadcast %parallel_loop3A_170 : i32 to vector<16xi32>
        %parallel_loop3A_172 = arith.andi %parallel_loop3A_169, %parallel_loop3A_171 : vector<16xi32>
        %parallel_loop3A_173 = arith.constant 14 : i32
        %parallel_loop3A_174 = vector.broadcast %parallel_loop3A_173 : i32 to vector<16xi32>
        %parallel_loop3A_175 = arith.shrsi %parallel_loop3A_169, %parallel_loop3A_174 : vector<16xi32>
        %parallel_loop3A_176 = arith.constant 1 : i32
        %parallel_loop3A_177 = arith.index_cast %parallel_loop3A_176 : i32 to index
        %parallel_loop3A_178 = arith.index_cast %parallel_loop3A_165 : i32 to index
        %parallel_loop3A_179 = tpu.vector_load %arg7[%parallel_loop3A_177, %parallel_loop3A_178] {strides = array<i32>} : memref<2x2000xi32, #tpu.memory_space<vmem>>, vector<16xi32>,
        %parallel_loop3A_180 = vector.bitcast %parallel_loop3A_179 : vector<16xi32> to vector<16xf32>
        tpu.vector_store_idx %arg4[%parallel_loop3A_172], %parallel_loop3A_180 {add = true} : memref<10000xf32, #tpu.memory_space<vmem>>[vector<16xi32>], vector<16xf32>,
        tpu.vector_store_idx %arg5[%parallel_loop3A_175], %parallel_loop3A_180 {add = true} : memref<10000xf32, #tpu.memory_space<vmem>>[vector<16xi32>], vector<16xf32>,
      } {sc.loop_unroll_factor = 8 : i64, sc.parallel_access}
      %add3A_136 = arith.constant 2 : i32
      %add3A_137 = arith.addi %add3A_108, %add3A_136 : i32
      %jit3A_138 = arith.constant 160 : i32
      %eq3A_139 = arith.constant 0 : i32
      %eq3A_140 = arith.cmpi eq, %jit3A_138, %eq3A_139 : i32
      %jit3A_141 = arith.constant 1 : i32
      %select_n3A_142 = arith.select %eq3A_140, %jit3A_141, %jit3A_138 : i32
      %rem3A_143 = arith.remsi %add3A_137, %select_n3A_142 : i32
      %ne3A_144 = arith.constant 0 : i32
      %ne3A_145 = arith.cmpi ne, %rem3A_143, %ne3A_144 : i32
      %lt3A_146 = arith.constant 0 : i32
      %lt3A_147 = arith.cmpi slt, %rem3A_143, %lt3A_146 : i32
      %lt3A_148 = arith.constant 0 : i32
      %lt3A_149 = arith.cmpi slt, %select_n3A_142, %lt3A_148 : i32
      %ne3A_150 = arith.xori %lt3A_147, %lt3A_149 : i1
      %and3A_151 = arith.andi %ne3A_150, %ne3A_145 : i1
      %add3A_152 = arith.addi %rem3A_143, %select_n3A_142 : i32
      %select_n3A_153 = arith.select %and3A_151, %add3A_152, %rem3A_143 : i32
      %dma_start3A_154 = arith.constant 0 : i32
      %dma_start3A_155 = arith.constant 0 : i32
      %dma_start3A_156 = tpu.memref_slice %arg2[%select_n3A_153, %dma_start3A_154, %dma_start3A_155] : memref<160x2x2000xi32, #tpu.memory_space<hbm>> -> memref<1x2x2000xi32, #tpu.memory_space<hbm>>
      %dma_start3A_157 = tpu.memref_squeeze %dma_start3A_156 : memref<1x2x2000xi32, #tpu.memory_space<hbm>> -> memref<2x2000xi32, #tpu.memory_space<hbm>>
      %dma_start3A_158 = arith.constant 0 : i32
      %dma_start3A_159 = arith.constant 0 : i32
      %dma_start3A_160 = tpu.memref_slice %arg2[%select_n3A_153, %dma_start3A_158, %dma_start3A_159] : memref<160x2x2000xi32, #tpu.memory_space<hbm>> -> memref<1x2x2000xi32, #tpu.memory_space<hbm>>
      %dma_start3A_161 = tpu.memref_squeeze %dma_start3A_160 : memref<1x2x2000xi32, #tpu.memory_space<hbm>> -> memref<2x2000xi32, #tpu.memory_space<hbm>>
      tpu.enqueue_dma source(%dma_start3A_161 : memref<2x2000xi32, #tpu.memory_space<hbm>>) target(%arg7 : memref<2x2000xi32, #tpu.memory_space<vmem>>) target_semaphore(%arg10 : memref<!tpu.dma_semaphore, #tpu.memory_space<semaphore_mem>>)
      %scan3A_162 = arith.constant 0 : i32
      scf.yield %scan3A_162 : i32
    }
    %scan3A_26 = arith.constant 80 : i32
    %dma_wait3A = arith.constant 0 : i32
    %dma_wait3A_27 = arith.constant 0 : i32
    %dma_wait3A_28 = arith.constant 0 : i32
    %dma_wait3A_29 = tpu.memref_slice %arg2[%dma_wait3A, %dma_wait3A_27, %dma_wait3A_28] : memref<160x2x2000xi32, #tpu.memory_space<hbm>> -> memref<1x2x2000xi32, #tpu.memory_space<hbm>>
    %dma_wait3A_30 = tpu.memref_squeeze %dma_wait3A_29 : memref<1x2x2000xi32, #tpu.memory_space<hbm>> -> memref<2x2000xi32, #tpu.memory_space<hbm>>
    %dma_wait3A_31 = arith.constant 0 : i32
    %dma_wait3A_32 = arith.constant 0 : i32
    %dma_wait3A_33 = tpu.memref_slice %arg2[%dma_wait3A, %dma_wait3A_31, %dma_wait3A_32] : memref<160x2x2000xi32, #tpu.memory_space<hbm>> -> memref<1x2x2000xi32, #tpu.memory_space<hbm>>
    %dma_wait3A_34 = tpu.memref_squeeze %dma_wait3A_33 : memref<1x2x2000xi32, #tpu.memory_space<hbm>> -> memref<2x2000xi32, #tpu.memory_space<hbm>>
    tpu.wait_dma2 semaphore(%arg9 : memref<!tpu.dma_semaphore, #tpu.memory_space<semaphore_mem>>) src(%dma_wait3A_34 : memref<2x2000xi32, #tpu.memory_space<hbm>>) dst(%arg6 : memref<2x2000xi32, #tpu.memory_space<vmem>>)
    %dma_wait3A_35 = arith.constant 1 : i32
    %dma_wait3A_36 = arith.constant 0 : i32
    %dma_wait3A_37 = arith.constant 0 : i32
    %dma_wait3A_38 = tpu.memref_slice %arg2[%dma_wait3A_35, %dma_wait3A_36, %dma_wait3A_37] : memref<160x2x2000xi32, #tpu.memory_space<hbm>> -> memref<1x2x2000xi32, #tpu.memory_space<hbm>>
    %dma_wait3A_39 = tpu.memref_squeeze %dma_wait3A_38 : memref<1x2x2000xi32, #tpu.memory_space<hbm>> -> memref<2x2000xi32, #tpu.memory_space<hbm>>
    %dma_wait3A_40 = arith.constant 0 : i32
    %dma_wait3A_41 = arith.constant 0 : i32
    %dma_wait3A_42 = tpu.memref_slice %arg2[%dma_wait3A_35, %dma_wait3A_40, %dma_wait3A_41] : memref<160x2x2000xi32, #tpu.memory_space<hbm>> -> memref<1x2x2000xi32, #tpu.memory_space<hbm>>
    %dma_wait3A_43 = tpu.memref_squeeze %dma_wait3A_42 : memref<1x2x2000xi32, #tpu.memory_space<hbm>> -> memref<2x2000xi32, #tpu.memory_space<hbm>>
    tpu.wait_dma2 semaphore(%arg10 : memref<!tpu.dma_semaphore, #tpu.memory_space<semaphore_mem>>) src(%dma_wait3A_43 : memref<2x2000xi32, #tpu.memory_space<hbm>>) dst(%arg7 : memref<2x2000xi32, #tpu.memory_space<vmem>>)
    %mul3A_44 = arith.constant 5 : i32
    %mul3A_45 = arith.muli %add3A, %mul3A_44 : i32
    %scan3A_46 = arith.constant 0 : i32
    %scan3A_47 = arith.constant 0 : i32
    %scan3A_48 = arith.constant 5 : i32
    %scan3A_49 = arith.addi %scan3A_47, %scan3A_48 : i32
    %scan3A_50 = arith.constant 1 : i32
    %scan3A_51 = scf.for %scan3A_53 = %scan3A_47 to %scan3A_49 step %scan3A_50 iter_args(%scan3A_54 = %scan3A_46) -> (i32)  : i32 {
      %add3A_55 = arith.addi %mul3A_45, %scan3A_53 : i32
      "tpu.region"() ({
        %run_scoped3A = tpu.sem_alloc : memref<!tpu.dma_semaphore, #tpu.memory_space<semaphore_mem>>
        %dma_start3A_63 = arith.constant 0 : i32
        %dma_start3A_64 = arith.constant 0 : i32
        %dma_start3A_65 = tpu.memref_slice %arg2[%add3A_55, %dma_start3A_63, %dma_start3A_64] : memref<160x2x2000xi32, #tpu.memory_space<hbm>> -> memref<1x2x2000xi32, #tpu.memory_space<hbm>>
        %dma_start3A_66 = tpu.memref_squeeze %dma_start3A_65 : memref<1x2x2000xi32, #tpu.memory_space<hbm>> -> memref<2x2000xi32, #tpu.memory_space<hbm>>
        %dma_start3A_67 = arith.constant 0 : i32
        %dma_start3A_68 = arith.constant 0 : i32
        %dma_start3A_69 = tpu.memref_slice %arg2[%add3A_55, %dma_start3A_67, %dma_start3A_68] : memref<160x2x2000xi32, #tpu.memory_space<hbm>> -> memref<1x2x2000xi32, #tpu.memory_space<hbm>>
        %dma_start3A_70 = tpu.memref_squeeze %dma_start3A_69 : memref<1x2x2000xi32, #tpu.memory_space<hbm>> -> memref<2x2000xi32, #tpu.memory_space<hbm>>
        tpu.enqueue_dma source(%dma_start3A_70 : memref<2x2000xi32, #tpu.memory_space<hbm>>) target(%arg6 : memref<2x2000xi32, #tpu.memory_space<vmem>>) target_semaphore(%run_scoped3A : memref<!tpu.dma_semaphore, #tpu.memory_space<semaphore_mem>>)
        %dma_wait3A_71 = arith.constant 0 : i32
        %dma_wait3A_72 = arith.constant 0 : i32
        %dma_wait3A_73 = tpu.memref_slice %arg2[%add3A_55, %dma_wait3A_71, %dma_wait3A_72] : memref<160x2x2000xi32, #tpu.memory_space<hbm>> -> memref<1x2x2000xi32, #tpu.memory_space<hbm>>
        %dma_wait3A_74 = tpu.memref_squeeze %dma_wait3A_73 : memref<1x2x2000xi32, #tpu.memory_space<hbm>> -> memref<2x2000xi32, #tpu.memory_space<hbm>>
        %dma_wait3A_75 = arith.constant 0 : i32
        %dma_wait3A_76 = arith.constant 0 : i32
        %dma_wait3A_77 = tpu.memref_slice %arg2[%add3A_55, %dma_wait3A_75, %dma_wait3A_76] : memref<160x2x2000xi32, #tpu.memory_space<hbm>> -> memref<1x2x2000xi32, #tpu.memory_space<hbm>>
        %dma_wait3A_78 = tpu.memref_squeeze %dma_wait3A_77 : memref<1x2x2000xi32, #tpu.memory_space<hbm>> -> memref<2x2000xi32, #tpu.memory_space<hbm>>
        tpu.wait_dma2 semaphore(%run_scoped3A : memref<!tpu.dma_semaphore, #tpu.memory_space<semaphore_mem>>) src(%dma_wait3A_78 : memref<2x2000xi32, #tpu.memory_space<hbm>>) dst(%arg6 : memref<2x2000xi32, #tpu.memory_space<vmem>>)
        tpu.yield
      }) : () -> ()
      %parallel_loop3A_56 = arith.constant 0 : i32
      %parallel_loop3A_57 = arith.constant 125 : i32
      %parallel_loop3A_58 = arith.constant 1 : i32
      scf.for %parallel_loop3A_63 = %parallel_loop3A_56 to %parallel_loop3A_57 step %parallel_loop3A_58  : i32 {
        %parallel_loop3A_64 = arith.constant 16 : i32
        %parallel_loop3A_65 = arith.muli %parallel_loop3A_63, %parallel_loop3A_64 : i32
        %parallel_loop3A_66 = arith.constant 0 : i32
        %parallel_loop3A_67 = arith.index_cast %parallel_loop3A_66 : i32 to index
        %parallel_loop3A_68 = arith.index_cast %parallel_loop3A_65 : i32 to index
        %parallel_loop3A_69 = tpu.vector_load %arg6[%parallel_loop3A_67, %parallel_loop3A_68] {strides = array<i32>} : memref<2x2000xi32, #tpu.memory_space<vmem>>, vector<16xi32>,
        %parallel_loop3A_70 = arith.constant 16383 : i32
        %parallel_loop3A_71 = vector.broadcast %parallel_loop3A_70 : i32 to vector<16xi32>
        %parallel_loop3A_72 = arith.andi %parallel_loop3A_69, %parallel_loop3A_71 : vector<16xi32>
        %parallel_loop3A_73 = arith.constant 14 : i32
        %parallel_loop3A_74 = vector.broadcast %parallel_loop3A_73 : i32 to vector<16xi32>
        %parallel_loop3A_75 = arith.shrsi %parallel_loop3A_69, %parallel_loop3A_74 : vector<16xi32>
        %parallel_loop3A_76 = arith.constant 1 : i32
        %parallel_loop3A_77 = arith.index_cast %parallel_loop3A_76 : i32 to index
        %parallel_loop3A_78 = arith.index_cast %parallel_loop3A_65 : i32 to index
        %parallel_loop3A_79 = tpu.vector_load %arg6[%parallel_loop3A_77, %parallel_loop3A_78] {strides = array<i32>} : memref<2x2000xi32, #tpu.memory_space<vmem>>, vector<16xi32>,
        %parallel_loop3A_80 = vector.bitcast %parallel_loop3A_79 : vector<16xi32> to vector<16xf32>
        %parallel_loop3A_81 = tpu.vector_load_idx %arg4[%parallel_loop3A_72] : memref<10000xf32, #tpu.memory_space<vmem>>[vector<16xi32>], vector<16xf32>,
        %parallel_loop3A_82 = tpu.vector_load_idx %arg5[%parallel_loop3A_75] : memref<10000xf32, #tpu.memory_space<vmem>>[vector<16xi32>], vector<16xf32>,
        %parallel_loop3A_83 = arith.mulf %parallel_loop3A_81, %parallel_loop3A_82 : vector<16xf32>
        %parallel_loop3A_84 = arith.constant 9.99999993E-9 : f32
        %parallel_loop3A_85 = vector.broadcast %parallel_loop3A_84 : f32 to vector<16xf32>
        %parallel_loop3A_86 = arith.addf %parallel_loop3A_83, %parallel_loop3A_85 : vector<16xf32>
        %parallel_loop3A_87 = vector.bitcast %parallel_loop3A_86 : vector<16xf32> to vector<16xi32>
        %parallel_loop3A_88 = arith.constant 1 : i32
        %parallel_loop3A_89 = vector.broadcast %parallel_loop3A_88 : i32 to vector<16xi32>
        %parallel_loop3A_90 = arith.shrsi %parallel_loop3A_87, %parallel_loop3A_89 : vector<16xi32>
        %parallel_loop3A_91 = arith.constant 1597463007 : i32
        %parallel_loop3A_92 = vector.broadcast %parallel_loop3A_91 : i32 to vector<16xi32>
        %parallel_loop3A_93 = arith.subi %parallel_loop3A_92, %parallel_loop3A_90 : vector<16xi32>
        %parallel_loop3A_94 = vector.bitcast %parallel_loop3A_93 : vector<16xi32> to vector<16xf32>
        %parallel_loop3A_95 = arith.constant 5.000000e-01 : f32
        %parallel_loop3A_96 = vector.broadcast %parallel_loop3A_95 : f32 to vector<16xf32>
        %parallel_loop3A_97 = arith.mulf %parallel_loop3A_96, %parallel_loop3A_86 : vector<16xf32>
        %parallel_loop3A_98 = arith.mulf %parallel_loop3A_97, %parallel_loop3A_94 : vector<16xf32>
        %parallel_loop3A_99 = arith.mulf %parallel_loop3A_98, %parallel_loop3A_94 : vector<16xf32>
        %parallel_loop3A_100 = arith.constant 1.500000e+00 : f32
        %parallel_loop3A_101 = vector.broadcast %parallel_loop3A_100 : f32 to vector<16xf32>
        %parallel_loop3A_102 = arith.subf %parallel_loop3A_101, %parallel_loop3A_99 : vector<16xf32>
        %parallel_loop3A_103 = arith.mulf %parallel_loop3A_94, %parallel_loop3A_102 : vector<16xf32>
        %parallel_loop3A_104 = arith.constant 5.000000e-01 : f32
        %parallel_loop3A_105 = vector.broadcast %parallel_loop3A_104 : f32 to vector<16xf32>
        %parallel_loop3A_106 = arith.mulf %parallel_loop3A_105, %parallel_loop3A_86 : vector<16xf32>
        %parallel_loop3A_107 = arith.mulf %parallel_loop3A_106, %parallel_loop3A_103 : vector<16xf32>
        %parallel_loop3A_108 = arith.mulf %parallel_loop3A_107, %parallel_loop3A_103 : vector<16xf32>
        %parallel_loop3A_109 = arith.constant 1.500000e+00 : f32
        %parallel_loop3A_110 = vector.broadcast %parallel_loop3A_109 : f32 to vector<16xf32>
        %parallel_loop3A_111 = arith.subf %parallel_loop3A_110, %parallel_loop3A_108 : vector<16xf32>
        %parallel_loop3A_112 = arith.mulf %parallel_loop3A_103, %parallel_loop3A_111 : vector<16xf32>
        %parallel_loop3A_113 = arith.constant 5.000000e-01 : f32
        %parallel_loop3A_114 = vector.broadcast %parallel_loop3A_113 : f32 to vector<16xf32>
        %parallel_loop3A_115 = arith.mulf %parallel_loop3A_114, %parallel_loop3A_86 : vector<16xf32>
        %parallel_loop3A_116 = arith.mulf %parallel_loop3A_115, %parallel_loop3A_112 : vector<16xf32>
        %parallel_loop3A_117 = arith.mulf %parallel_loop3A_116, %parallel_loop3A_112 : vector<16xf32>
        %parallel_loop3A_118 = arith.constant 1.500000e+00 : f32
        %parallel_loop3A_119 = vector.broadcast %parallel_loop3A_118 : f32 to vector<16xf32>
        %parallel_loop3A_120 = arith.subf %parallel_loop3A_119, %parallel_loop3A_117 : vector<16xf32>
        %parallel_loop3A_121 = arith.mulf %parallel_loop3A_112, %parallel_loop3A_120 : vector<16xf32>
        %parallel_loop3A_122 = arith.mulf %parallel_loop3A_80, %parallel_loop3A_121 : vector<16xf32>
        %parallel_loop3A_123 = arith.index_cast %parallel_loop3A_65 : i32 to index
        %parallel_loop3A_124 = tpu.vector_load %arg8[%parallel_loop3A_123] {strides = array<i32>} : memref<2000xf32, #tpu.memory_space<vmem>>, vector<16xf32>,
        tpu.vector_store %arg8[%parallel_loop3A_123], %parallel_loop3A_122 {strides = array<i32>} : memref<2000xf32, #tpu.memory_space<vmem>>, vector<16xf32>,
      } {sc.loop_unroll_factor = 4 : i64, sc.parallel_access}
      %add3A_59 = arith.addi %mul3A_45, %scan3A_53 : i32
      %mul3A_60 = arith.constant 2000 : i32
      %mul3A_61 = arith.muli %add3A_59, %mul3A_60 : i32
      %multiple_of3A = tpu.assume_multiple %mul3A_61, 8 : i32
      "tpu.region"() ({
        %run_scoped3A = tpu.sem_alloc : memref<!tpu.dma_semaphore, #tpu.memory_space<semaphore_mem>>
        %dma_start3A_63 = tpu.memref_slice %arg3[%multiple_of3A] : memref<320000xf32, #tpu.memory_space<hbm>> -> memref<2000xf32, #tpu.memory_space<hbm>>
        %dma_start3A_64 = tpu.memref_slice %arg3[%multiple_of3A] : memref<320000xf32, #tpu.memory_space<hbm>> -> memref<2000xf32, #tpu.memory_space<hbm>>
        tpu.enqueue_dma source(%arg8 : memref<2000xf32, #tpu.memory_space<vmem>>) target(%dma_start3A_64 : memref<2000xf32, #tpu.memory_space<hbm>>) target_semaphore(%run_scoped3A : memref<!tpu.dma_semaphore, #tpu.memory_space<semaphore_mem>>)
        %dma_wait3A_65 = tpu.memref_slice %arg3[%multiple_of3A] : memref<320000xf32, #tpu.memory_space<hbm>> -> memref<2000xf32, #tpu.memory_space<hbm>>
        %dma_wait3A_66 = tpu.memref_slice %arg3[%multiple_of3A] : memref<320000xf32, #tpu.memory_space<hbm>> -> memref<2000xf32, #tpu.memory_space<hbm>>
        tpu.wait_dma2 semaphore(%run_scoped3A : memref<!tpu.dma_semaphore, #tpu.memory_space<semaphore_mem>>) src(%arg8 : memref<2000xf32, #tpu.memory_space<vmem>>) dst(%dma_wait3A_66 : memref<2000xf32, #tpu.memory_space<hbm>>)
        tpu.yield
      }) : () -> ()
      %scan3A_62 = arith.constant 0 : i32
      scf.yield %scan3A_62 : i32
    }
    %scan3A_52 = arith.constant 5 : i32
    return
  }
}

module attributes {stable_mosaic.version = 14 : i64} {
  func.func @_combine_body(%arg0: i32, %arg1: memref<4x31xf32, #tpu.memory_space<vmem>>, %arg2: memref<1024x128xf32, #tpu.memory_space<vmem>>, %arg3: memref<30x64x1024xi32, #tpu.memory_space<vmem>>, %arg4: memref<4x1024x128xf32, #tpu.memory_space<vmem>>) attributes {dimension_semantics = [#tpu.dimension_semantics<arbitrary>], iteration_bounds = array<i64: 10>, scalar_prefetch = 0 : i64, scratch_operands = 0 : i64, tpu.core_type = #tpu.core_type<tc>, window_params = [{pipeline_mode = #tpu.pipeline_mode<synchronous>, transform_indices = @transform_0, window_bounds = array<i64: 4, 31>}, {transform_indices = @transform_1, window_bounds = array<i64: 1024, 128>}, {transform_indices = @transform_2, window_bounds = array<i64: 30, 64, 1024>}, {transform_indices = @transform_3, window_bounds = array<i64: 4, 1024, 128>}]} {
    %get3A = arith.constant 0 : index
    %get3A_0 = arith.constant 0 : index
    %get3A_1 = vector.load %arg1[%get3A, %get3A_0] : memref<4x31xf32, #tpu.memory_space<vmem>>, vector<4x31xf32>
    %get3A_2 = arith.constant 0 : index
    %get3A_3 = arith.constant 0 : index
    %get3A_4 = arith.constant 0 : index
    %get3A_5 = vector.load %arg3[%get3A_2, %get3A_3, %get3A_4] : memref<30x64x1024xi32, #tpu.memory_space<vmem>>, vector<30x64x1024xi32>
    %shift_left3A = arith.constant 16 : i32
    %shift_left3A_6 = vector.broadcast %shift_left3A : i32 to vector<30x64x1024xi32>
    %shift_left3A_7 = arith.shli %get3A_5, %shift_left3A_6 : vector<30x64x1024xi32>
    %bitcast_convert_type3A = tpu.bitcast %shift_left3A_7 : vector<30x64x1024xi32> -> vector<30x64x1024xf32>
    %and3A = arith.constant -65536 : i32
    %and3A_8 = vector.broadcast %and3A : i32 to vector<30x64x1024xi32>
    %and3A_9 = arith.andi %get3A_5, %and3A_8 : vector<30x64x1024xi32>
    %bitcast_convert_type3A_10 = tpu.bitcast %and3A_9 : vector<30x64x1024xi32> -> vector<30x64x1024xf32>
    %broadcast_in_dim3A = arith.constant 0.000000e+00 : f32
    %broadcast_in_dim3A_11 = vector.broadcast %broadcast_in_dim3A : f32 to vector<4x64x1024xf32>
    %broadcast_in_dim3A_12 = arith.constant 0.000000e+00 : f32
    %broadcast_in_dim3A_13 = vector.broadcast %broadcast_in_dim3A_12 : f32 to vector<4x64x1024xf32>
    %slice3A = vector.extract_strided_slice %get3A_1 {offsets = [0, 1], sizes = [4, 1], strides = [1, 1]} : vector<4x31xf32> to vector<4x1xf32>
    %squeeze3A = vector.shape_cast %slice3A : vector<4x1xf32> to vector<4xf32>
    %broadcast_in_dim3A_14 = vector.shape_cast %squeeze3A : vector<4xf32> to vector<4x1x1xf32>
    %slice3A_15 = vector.extract_strided_slice %bitcast_convert_type3A {offsets = [0, 0, 0], sizes = [1, 64, 1024], strides = [1, 1, 1]} : vector<30x64x1024xf32> to vector<1x64x1024xf32>
    %squeeze3A_16 = vector.shape_cast %slice3A_15 : vector<1x64x1024xf32> to vector<64x1024xf32>
    %broadcast_in_dim3A_17 = vector.shape_cast %squeeze3A_16 : vector<64x1024xf32> to vector<1x64x1024xf32>
    %mul3A = vector.broadcast %broadcast_in_dim3A_14 : vector<4x1x1xf32> to vector<4x64x1024xf32>
    %mul3A_18 = vector.broadcast %broadcast_in_dim3A_17 : vector<1x64x1024xf32> to vector<4x64x1024xf32>
    %mul3A_19 = arith.mulf %mul3A, %mul3A_18 : vector<4x64x1024xf32>
    %add3A = arith.addf %broadcast_in_dim3A_11, %mul3A_19 : vector<4x64x1024xf32>
    %slice3A_20 = vector.extract_strided_slice %bitcast_convert_type3A_10 {offsets = [0, 0, 0], sizes = [1, 64, 1024], strides = [1, 1, 1]} : vector<30x64x1024xf32> to vector<1x64x1024xf32>
    %squeeze3A_21 = vector.shape_cast %slice3A_20 : vector<1x64x1024xf32> to vector<64x1024xf32>
    %broadcast_in_dim3A_22 = vector.shape_cast %squeeze3A_21 : vector<64x1024xf32> to vector<1x64x1024xf32>
    %mul3A_23 = vector.broadcast %broadcast_in_dim3A_14 : vector<4x1x1xf32> to vector<4x64x1024xf32>
    %mul3A_24 = vector.broadcast %broadcast_in_dim3A_22 : vector<1x64x1024xf32> to vector<4x64x1024xf32>
    %mul3A_25 = arith.mulf %mul3A_23, %mul3A_24 : vector<4x64x1024xf32>
    %add3A_26 = arith.addf %broadcast_in_dim3A_13, %mul3A_25 : vector<4x64x1024xf32>
    %slice3A_27 = vector.extract_strided_slice %get3A_1 {offsets = [0, 2], sizes = [4, 1], strides = [1, 1]} : vector<4x31xf32> to vector<4x1xf32>
    %squeeze3A_28 = vector.shape_cast %slice3A_27 : vector<4x1xf32> to vector<4xf32>
    %broadcast_in_dim3A_29 = vector.shape_cast %squeeze3A_28 : vector<4xf32> to vector<4x1x1xf32>
    %slice3A_30 = vector.extract_strided_slice %bitcast_convert_type3A {offsets = [1, 0, 0], sizes = [1, 64, 1024], strides = [1, 1, 1]} : vector<30x64x1024xf32> to vector<1x64x1024xf32>
    %squeeze3A_31 = vector.shape_cast %slice3A_30 : vector<1x64x1024xf32> to vector<64x1024xf32>
    %broadcast_in_dim3A_32 = vector.shape_cast %squeeze3A_31 : vector<64x1024xf32> to vector<1x64x1024xf32>
    %mul3A_33 = vector.broadcast %broadcast_in_dim3A_29 : vector<4x1x1xf32> to vector<4x64x1024xf32>
    %mul3A_34 = vector.broadcast %broadcast_in_dim3A_32 : vector<1x64x1024xf32> to vector<4x64x1024xf32>
    %mul3A_35 = arith.mulf %mul3A_33, %mul3A_34 : vector<4x64x1024xf32>
    %add3A_36 = arith.addf %add3A, %mul3A_35 : vector<4x64x1024xf32>
    %slice3A_37 = vector.extract_strided_slice %bitcast_convert_type3A_10 {offsets = [1, 0, 0], sizes = [1, 64, 1024], strides = [1, 1, 1]} : vector<30x64x1024xf32> to vector<1x64x1024xf32>
    %squeeze3A_38 = vector.shape_cast %slice3A_37 : vector<1x64x1024xf32> to vector<64x1024xf32>
    %broadcast_in_dim3A_39 = vector.shape_cast %squeeze3A_38 : vector<64x1024xf32> to vector<1x64x1024xf32>
    %mul3A_40 = vector.broadcast %broadcast_in_dim3A_29 : vector<4x1x1xf32> to vector<4x64x1024xf32>
    %mul3A_41 = vector.broadcast %broadcast_in_dim3A_39 : vector<1x64x1024xf32> to vector<4x64x1024xf32>
    %mul3A_42 = arith.mulf %mul3A_40, %mul3A_41 : vector<4x64x1024xf32>
    %add3A_43 = arith.addf %add3A_26, %mul3A_42 : vector<4x64x1024xf32>
    %slice3A_44 = vector.extract_strided_slice %get3A_1 {offsets = [0, 3], sizes = [4, 1], strides = [1, 1]} : vector<4x31xf32> to vector<4x1xf32>
    %squeeze3A_45 = vector.shape_cast %slice3A_44 : vector<4x1xf32> to vector<4xf32>
    %broadcast_in_dim3A_46 = vector.shape_cast %squeeze3A_45 : vector<4xf32> to vector<4x1x1xf32>
    %slice3A_47 = vector.extract_strided_slice %bitcast_convert_type3A {offsets = [2, 0, 0], sizes = [1, 64, 1024], strides = [1, 1, 1]} : vector<30x64x1024xf32> to vector<1x64x1024xf32>
    %squeeze3A_48 = vector.shape_cast %slice3A_47 : vector<1x64x1024xf32> to vector<64x1024xf32>
    %broadcast_in_dim3A_49 = vector.shape_cast %squeeze3A_48 : vector<64x1024xf32> to vector<1x64x1024xf32>
    %mul3A_50 = vector.broadcast %broadcast_in_dim3A_46 : vector<4x1x1xf32> to vector<4x64x1024xf32>
    %mul3A_51 = vector.broadcast %broadcast_in_dim3A_49 : vector<1x64x1024xf32> to vector<4x64x1024xf32>
    %mul3A_52 = arith.mulf %mul3A_50, %mul3A_51 : vector<4x64x1024xf32>
    %add3A_53 = arith.addf %add3A_36, %mul3A_52 : vector<4x64x1024xf32>
    %slice3A_54 = vector.extract_strided_slice %bitcast_convert_type3A_10 {offsets = [2, 0, 0], sizes = [1, 64, 1024], strides = [1, 1, 1]} : vector<30x64x1024xf32> to vector<1x64x1024xf32>
    %squeeze3A_55 = vector.shape_cast %slice3A_54 : vector<1x64x1024xf32> to vector<64x1024xf32>
    %broadcast_in_dim3A_56 = vector.shape_cast %squeeze3A_55 : vector<64x1024xf32> to vector<1x64x1024xf32>
    %mul3A_57 = vector.broadcast %broadcast_in_dim3A_46 : vector<4x1x1xf32> to vector<4x64x1024xf32>
    %mul3A_58 = vector.broadcast %broadcast_in_dim3A_56 : vector<1x64x1024xf32> to vector<4x64x1024xf32>
    %mul3A_59 = arith.mulf %mul3A_57, %mul3A_58 : vector<4x64x1024xf32>
    %add3A_60 = arith.addf %add3A_43, %mul3A_59 : vector<4x64x1024xf32>
    %slice3A_61 = vector.extract_strided_slice %get3A_1 {offsets = [0, 4], sizes = [4, 1], strides = [1, 1]} : vector<4x31xf32> to vector<4x1xf32>
    %squeeze3A_62 = vector.shape_cast %slice3A_61 : vector<4x1xf32> to vector<4xf32>
    %broadcast_in_dim3A_63 = vector.shape_cast %squeeze3A_62 : vector<4xf32> to vector<4x1x1xf32>
    %slice3A_64 = vector.extract_strided_slice %bitcast_convert_type3A {offsets = [3, 0, 0], sizes = [1, 64, 1024], strides = [1, 1, 1]} : vector<30x64x1024xf32> to vector<1x64x1024xf32>
    %squeeze3A_65 = vector.shape_cast %slice3A_64 : vector<1x64x1024xf32> to vector<64x1024xf32>
    %broadcast_in_dim3A_66 = vector.shape_cast %squeeze3A_65 : vector<64x1024xf32> to vector<1x64x1024xf32>
    %mul3A_67 = vector.broadcast %broadcast_in_dim3A_63 : vector<4x1x1xf32> to vector<4x64x1024xf32>
    %mul3A_68 = vector.broadcast %broadcast_in_dim3A_66 : vector<1x64x1024xf32> to vector<4x64x1024xf32>
    %mul3A_69 = arith.mulf %mul3A_67, %mul3A_68 : vector<4x64x1024xf32>
    %add3A_70 = arith.addf %add3A_53, %mul3A_69 : vector<4x64x1024xf32>
    %slice3A_71 = vector.extract_strided_slice %bitcast_convert_type3A_10 {offsets = [3, 0, 0], sizes = [1, 64, 1024], strides = [1, 1, 1]} : vector<30x64x1024xf32> to vector<1x64x1024xf32>
    %squeeze3A_72 = vector.shape_cast %slice3A_71 : vector<1x64x1024xf32> to vector<64x1024xf32>
    %broadcast_in_dim3A_73 = vector.shape_cast %squeeze3A_72 : vector<64x1024xf32> to vector<1x64x1024xf32>
    %mul3A_74 = vector.broadcast %broadcast_in_dim3A_63 : vector<4x1x1xf32> to vector<4x64x1024xf32>
    %mul3A_75 = vector.broadcast %broadcast_in_dim3A_73 : vector<1x64x1024xf32> to vector<4x64x1024xf32>
    %mul3A_76 = arith.mulf %mul3A_74, %mul3A_75 : vector<4x64x1024xf32>
    %add3A_77 = arith.addf %add3A_60, %mul3A_76 : vector<4x64x1024xf32>
    %slice3A_78 = vector.extract_strided_slice %get3A_1 {offsets = [0, 5], sizes = [4, 1], strides = [1, 1]} : vector<4x31xf32> to vector<4x1xf32>
    %squeeze3A_79 = vector.shape_cast %slice3A_78 : vector<4x1xf32> to vector<4xf32>
    %broadcast_in_dim3A_80 = vector.shape_cast %squeeze3A_79 : vector<4xf32> to vector<4x1x1xf32>
    %slice3A_81 = vector.extract_strided_slice %bitcast_convert_type3A {offsets = [4, 0, 0], sizes = [1, 64, 1024], strides = [1, 1, 1]} : vector<30x64x1024xf32> to vector<1x64x1024xf32>
    %squeeze3A_82 = vector.shape_cast %slice3A_81 : vector<1x64x1024xf32> to vector<64x1024xf32>
    %broadcast_in_dim3A_83 = vector.shape_cast %squeeze3A_82 : vector<64x1024xf32> to vector<1x64x1024xf32>
    %mul3A_84 = vector.broadcast %broadcast_in_dim3A_80 : vector<4x1x1xf32> to vector<4x64x1024xf32>
    %mul3A_85 = vector.broadcast %broadcast_in_dim3A_83 : vector<1x64x1024xf32> to vector<4x64x1024xf32>
    %mul3A_86 = arith.mulf %mul3A_84, %mul3A_85 : vector<4x64x1024xf32>
    %add3A_87 = arith.addf %add3A_70, %mul3A_86 : vector<4x64x1024xf32>
    %slice3A_88 = vector.extract_strided_slice %bitcast_convert_type3A_10 {offsets = [4, 0, 0], sizes = [1, 64, 1024], strides = [1, 1, 1]} : vector<30x64x1024xf32> to vector<1x64x1024xf32>
    %squeeze3A_89 = vector.shape_cast %slice3A_88 : vector<1x64x1024xf32> to vector<64x1024xf32>
    %broadcast_in_dim3A_90 = vector.shape_cast %squeeze3A_89 : vector<64x1024xf32> to vector<1x64x1024xf32>
    %mul3A_91 = vector.broadcast %broadcast_in_dim3A_80 : vector<4x1x1xf32> to vector<4x64x1024xf32>
    %mul3A_92 = vector.broadcast %broadcast_in_dim3A_90 : vector<1x64x1024xf32> to vector<4x64x1024xf32>
    %mul3A_93 = arith.mulf %mul3A_91, %mul3A_92 : vector<4x64x1024xf32>
    %add3A_94 = arith.addf %add3A_77, %mul3A_93 : vector<4x64x1024xf32>
    %slice3A_95 = vector.extract_strided_slice %get3A_1 {offsets = [0, 6], sizes = [4, 1], strides = [1, 1]} : vector<4x31xf32> to vector<4x1xf32>
    %squeeze3A_96 = vector.shape_cast %slice3A_95 : vector<4x1xf32> to vector<4xf32>
    %broadcast_in_dim3A_97 = vector.shape_cast %squeeze3A_96 : vector<4xf32> to vector<4x1x1xf32>
    %slice3A_98 = vector.extract_strided_slice %bitcast_convert_type3A {offsets = [5, 0, 0], sizes = [1, 64, 1024], strides = [1, 1, 1]} : vector<30x64x1024xf32> to vector<1x64x1024xf32>
    %squeeze3A_99 = vector.shape_cast %slice3A_98 : vector<1x64x1024xf32> to vector<64x1024xf32>
    %broadcast_in_dim3A_100 = vector.shape_cast %squeeze3A_99 : vector<64x1024xf32> to vector<1x64x1024xf32>
    %mul3A_101 = vector.broadcast %broadcast_in_dim3A_97 : vector<4x1x1xf32> to vector<4x64x1024xf32>
    %mul3A_102 = vector.broadcast %broadcast_in_dim3A_100 : vector<1x64x1024xf32> to vector<4x64x1024xf32>
    %mul3A_103 = arith.mulf %mul3A_101, %mul3A_102 : vector<4x64x1024xf32>
    %add3A_104 = arith.addf %add3A_87, %mul3A_103 : vector<4x64x1024xf32>
    %slice3A_105 = vector.extract_strided_slice %bitcast_convert_type3A_10 {offsets = [5, 0, 0], sizes = [1, 64, 1024], strides = [1, 1, 1]} : vector<30x64x1024xf32> to vector<1x64x1024xf32>
    %squeeze3A_106 = vector.shape_cast %slice3A_105 : vector<1x64x1024xf32> to vector<64x1024xf32>
    %broadcast_in_dim3A_107 = vector.shape_cast %squeeze3A_106 : vector<64x1024xf32> to vector<1x64x1024xf32>
    %mul3A_108 = vector.broadcast %broadcast_in_dim3A_97 : vector<4x1x1xf32> to vector<4x64x1024xf32>
    %mul3A_109 = vector.broadcast %broadcast_in_dim3A_107 : vector<1x64x1024xf32> to vector<4x64x1024xf32>
    %mul3A_110 = arith.mulf %mul3A_108, %mul3A_109 : vector<4x64x1024xf32>
    %add3A_111 = arith.addf %add3A_94, %mul3A_110 : vector<4x64x1024xf32>
    %slice3A_112 = vector.extract_strided_slice %get3A_1 {offsets = [0, 7], sizes = [4, 1], strides = [1, 1]} : vector<4x31xf32> to vector<4x1xf32>
    %squeeze3A_113 = vector.shape_cast %slice3A_112 : vector<4x1xf32> to vector<4xf32>
    %broadcast_in_dim3A_114 = vector.shape_cast %squeeze3A_113 : vector<4xf32> to vector<4x1x1xf32>
    %slice3A_115 = vector.extract_strided_slice %bitcast_convert_type3A {offsets = [6, 0, 0], sizes = [1, 64, 1024], strides = [1, 1, 1]} : vector<30x64x1024xf32> to vector<1x64x1024xf32>
    %squeeze3A_116 = vector.shape_cast %slice3A_115 : vector<1x64x1024xf32> to vector<64x1024xf32>
    %broadcast_in_dim3A_117 = vector.shape_cast %squeeze3A_116 : vector<64x1024xf32> to vector<1x64x1024xf32>
    %mul3A_118 = vector.broadcast %broadcast_in_dim3A_114 : vector<4x1x1xf32> to vector<4x64x1024xf32>
    %mul3A_119 = vector.broadcast %broadcast_in_dim3A_117 : vector<1x64x1024xf32> to vector<4x64x1024xf32>
    %mul3A_120 = arith.mulf %mul3A_118, %mul3A_119 : vector<4x64x1024xf32>
    %add3A_121 = arith.addf %add3A_104, %mul3A_120 : vector<4x64x1024xf32>
    %slice3A_122 = vector.extract_strided_slice %bitcast_convert_type3A_10 {offsets = [6, 0, 0], sizes = [1, 64, 1024], strides = [1, 1, 1]} : vector<30x64x1024xf32> to vector<1x64x1024xf32>
    %squeeze3A_123 = vector.shape_cast %slice3A_122 : vector<1x64x1024xf32> to vector<64x1024xf32>
    %broadcast_in_dim3A_124 = vector.shape_cast %squeeze3A_123 : vector<64x1024xf32> to vector<1x64x1024xf32>
    %mul3A_125 = vector.broadcast %broadcast_in_dim3A_114 : vector<4x1x1xf32> to vector<4x64x1024xf32>
    %mul3A_126 = vector.broadcast %broadcast_in_dim3A_124 : vector<1x64x1024xf32> to vector<4x64x1024xf32>
    %mul3A_127 = arith.mulf %mul3A_125, %mul3A_126 : vector<4x64x1024xf32>
    %add3A_128 = arith.addf %add3A_111, %mul3A_127 : vector<4x64x1024xf32>
    %slice3A_129 = vector.extract_strided_slice %get3A_1 {offsets = [0, 8], sizes = [4, 1], strides = [1, 1]} : vector<4x31xf32> to vector<4x1xf32>
    %squeeze3A_130 = vector.shape_cast %slice3A_129 : vector<4x1xf32> to vector<4xf32>
    %broadcast_in_dim3A_131 = vector.shape_cast %squeeze3A_130 : vector<4xf32> to vector<4x1x1xf32>
    %slice3A_132 = vector.extract_strided_slice %bitcast_convert_type3A {offsets = [7, 0, 0], sizes = [1, 64, 1024], strides = [1, 1, 1]} : vector<30x64x1024xf32> to vector<1x64x1024xf32>
    %squeeze3A_133 = vector.shape_cast %slice3A_132 : vector<1x64x1024xf32> to vector<64x1024xf32>
    %broadcast_in_dim3A_134 = vector.shape_cast %squeeze3A_133 : vector<64x1024xf32> to vector<1x64x1024xf32>
    %mul3A_135 = vector.broadcast %broadcast_in_dim3A_131 : vector<4x1x1xf32> to vector<4x64x1024xf32>
    %mul3A_136 = vector.broadcast %broadcast_in_dim3A_134 : vector<1x64x1024xf32> to vector<4x64x1024xf32>
    %mul3A_137 = arith.mulf %mul3A_135, %mul3A_136 : vector<4x64x1024xf32>
    %add3A_138 = arith.addf %add3A_121, %mul3A_137 : vector<4x64x1024xf32>
    %slice3A_139 = vector.extract_strided_slice %bitcast_convert_type3A_10 {offsets = [7, 0, 0], sizes = [1, 64, 1024], strides = [1, 1, 1]} : vector<30x64x1024xf32> to vector<1x64x1024xf32>
    %squeeze3A_140 = vector.shape_cast %slice3A_139 : vector<1x64x1024xf32> to vector<64x1024xf32>
    %broadcast_in_dim3A_141 = vector.shape_cast %squeeze3A_140 : vector<64x1024xf32> to vector<1x64x1024xf32>
    %mul3A_142 = vector.broadcast %broadcast_in_dim3A_131 : vector<4x1x1xf32> to vector<4x64x1024xf32>
    %mul3A_143 = vector.broadcast %broadcast_in_dim3A_141 : vector<1x64x1024xf32> to vector<4x64x1024xf32>
    %mul3A_144 = arith.mulf %mul3A_142, %mul3A_143 : vector<4x64x1024xf32>
    %add3A_145 = arith.addf %add3A_128, %mul3A_144 : vector<4x64x1024xf32>
    %slice3A_146 = vector.extract_strided_slice %get3A_1 {offsets = [0, 9], sizes = [4, 1], strides = [1, 1]} : vector<4x31xf32> to vector<4x1xf32>
    %squeeze3A_147 = vector.shape_cast %slice3A_146 : vector<4x1xf32> to vector<4xf32>
    %broadcast_in_dim3A_148 = vector.shape_cast %squeeze3A_147 : vector<4xf32> to vector<4x1x1xf32>
    %slice3A_149 = vector.extract_strided_slice %bitcast_convert_type3A {offsets = [8, 0, 0], sizes = [1, 64, 1024], strides = [1, 1, 1]} : vector<30x64x1024xf32> to vector<1x64x1024xf32>
    %squeeze3A_150 = vector.shape_cast %slice3A_149 : vector<1x64x1024xf32> to vector<64x1024xf32>
    %broadcast_in_dim3A_151 = vector.shape_cast %squeeze3A_150 : vector<64x1024xf32> to vector<1x64x1024xf32>
    %mul3A_152 = vector.broadcast %broadcast_in_dim3A_148 : vector<4x1x1xf32> to vector<4x64x1024xf32>
    %mul3A_153 = vector.broadcast %broadcast_in_dim3A_151 : vector<1x64x1024xf32> to vector<4x64x1024xf32>
    %mul3A_154 = arith.mulf %mul3A_152, %mul3A_153 : vector<4x64x1024xf32>
    %add3A_155 = arith.addf %add3A_138, %mul3A_154 : vector<4x64x1024xf32>
    %slice3A_156 = vector.extract_strided_slice %bitcast_convert_type3A_10 {offsets = [8, 0, 0], sizes = [1, 64, 1024], strides = [1, 1, 1]} : vector<30x64x1024xf32> to vector<1x64x1024xf32>
    %squeeze3A_157 = vector.shape_cast %slice3A_156 : vector<1x64x1024xf32> to vector<64x1024xf32>
    %broadcast_in_dim3A_158 = vector.shape_cast %squeeze3A_157 : vector<64x1024xf32> to vector<1x64x1024xf32>
    %mul3A_159 = vector.broadcast %broadcast_in_dim3A_148 : vector<4x1x1xf32> to vector<4x64x1024xf32>
    %mul3A_160 = vector.broadcast %broadcast_in_dim3A_158 : vector<1x64x1024xf32> to vector<4x64x1024xf32>
    %mul3A_161 = arith.mulf %mul3A_159, %mul3A_160 : vector<4x64x1024xf32>
    %add3A_162 = arith.addf %add3A_145, %mul3A_161 : vector<4x64x1024xf32>
    %slice3A_163 = vector.extract_strided_slice %get3A_1 {offsets = [0, 10], sizes = [4, 1], strides = [1, 1]} : vector<4x31xf32> to vector<4x1xf32>
    %squeeze3A_164 = vector.shape_cast %slice3A_163 : vector<4x1xf32> to vector<4xf32>
    %broadcast_in_dim3A_165 = vector.shape_cast %squeeze3A_164 : vector<4xf32> to vector<4x1x1xf32>
    %slice3A_166 = vector.extract_strided_slice %bitcast_convert_type3A {offsets = [9, 0, 0], sizes = [1, 64, 1024], strides = [1, 1, 1]} : vector<30x64x1024xf32> to vector<1x64x1024xf32>
    %squeeze3A_167 = vector.shape_cast %slice3A_166 : vector<1x64x1024xf32> to vector<64x1024xf32>
    %broadcast_in_dim3A_168 = vector.shape_cast %squeeze3A_167 : vector<64x1024xf32> to vector<1x64x1024xf32>
    %mul3A_169 = vector.broadcast %broadcast_in_dim3A_165 : vector<4x1x1xf32> to vector<4x64x1024xf32>
    %mul3A_170 = vector.broadcast %broadcast_in_dim3A_168 : vector<1x64x1024xf32> to vector<4x64x1024xf32>
    %mul3A_171 = arith.mulf %mul3A_169, %mul3A_170 : vector<4x64x1024xf32>
    %add3A_172 = arith.addf %add3A_155, %mul3A_171 : vector<4x64x1024xf32>
    %slice3A_173 = vector.extract_strided_slice %bitcast_convert_type3A_10 {offsets = [9, 0, 0], sizes = [1, 64, 1024], strides = [1, 1, 1]} : vector<30x64x1024xf32> to vector<1x64x1024xf32>
    %squeeze3A_174 = vector.shape_cast %slice3A_173 : vector<1x64x1024xf32> to vector<64x1024xf32>
    %broadcast_in_dim3A_175 = vector.shape_cast %squeeze3A_174 : vector<64x1024xf32> to vector<1x64x1024xf32>
    %mul3A_176 = vector.broadcast %broadcast_in_dim3A_165 : vector<4x1x1xf32> to vector<4x64x1024xf32>
    %mul3A_177 = vector.broadcast %broadcast_in_dim3A_175 : vector<1x64x1024xf32> to vector<4x64x1024xf32>
    %mul3A_178 = arith.mulf %mul3A_176, %mul3A_177 : vector<4x64x1024xf32>
    %add3A_179 = arith.addf %add3A_162, %mul3A_178 : vector<4x64x1024xf32>
    %slice3A_180 = vector.extract_strided_slice %get3A_1 {offsets = [0, 11], sizes = [4, 1], strides = [1, 1]} : vector<4x31xf32> to vector<4x1xf32>
    %squeeze3A_181 = vector.shape_cast %slice3A_180 : vector<4x1xf32> to vector<4xf32>
    %broadcast_in_dim3A_182 = vector.shape_cast %squeeze3A_181 : vector<4xf32> to vector<4x1x1xf32>
    %slice3A_183 = vector.extract_strided_slice %bitcast_convert_type3A {offsets = [10, 0, 0], sizes = [1, 64, 1024], strides = [1, 1, 1]} : vector<30x64x1024xf32> to vector<1x64x1024xf32>
    %squeeze3A_184 = vector.shape_cast %slice3A_183 : vector<1x64x1024xf32> to vector<64x1024xf32>
    %broadcast_in_dim3A_185 = vector.shape_cast %squeeze3A_184 : vector<64x1024xf32> to vector<1x64x1024xf32>
    %mul3A_186 = vector.broadcast %broadcast_in_dim3A_182 : vector<4x1x1xf32> to vector<4x64x1024xf32>
    %mul3A_187 = vector.broadcast %broadcast_in_dim3A_185 : vector<1x64x1024xf32> to vector<4x64x1024xf32>
    %mul3A_188 = arith.mulf %mul3A_186, %mul3A_187 : vector<4x64x1024xf32>
    %add3A_189 = arith.addf %add3A_172, %mul3A_188 : vector<4x64x1024xf32>
    %slice3A_190 = vector.extract_strided_slice %bitcast_convert_type3A_10 {offsets = [10, 0, 0], sizes = [1, 64, 1024], strides = [1, 1, 1]} : vector<30x64x1024xf32> to vector<1x64x1024xf32>
    %squeeze3A_191 = vector.shape_cast %slice3A_190 : vector<1x64x1024xf32> to vector<64x1024xf32>
    %broadcast_in_dim3A_192 = vector.shape_cast %squeeze3A_191 : vector<64x1024xf32> to vector<1x64x1024xf32>
    %mul3A_193 = vector.broadcast %broadcast_in_dim3A_182 : vector<4x1x1xf32> to vector<4x64x1024xf32>
    %mul3A_194 = vector.broadcast %broadcast_in_dim3A_192 : vector<1x64x1024xf32> to vector<4x64x1024xf32>
    %mul3A_195 = arith.mulf %mul3A_193, %mul3A_194 : vector<4x64x1024xf32>
    %add3A_196 = arith.addf %add3A_179, %mul3A_195 : vector<4x64x1024xf32>
    %slice3A_197 = vector.extract_strided_slice %get3A_1 {offsets = [0, 12], sizes = [4, 1], strides = [1, 1]} : vector<4x31xf32> to vector<4x1xf32>
    %squeeze3A_198 = vector.shape_cast %slice3A_197 : vector<4x1xf32> to vector<4xf32>
    %broadcast_in_dim3A_199 = vector.shape_cast %squeeze3A_198 : vector<4xf32> to vector<4x1x1xf32>
    %slice3A_200 = vector.extract_strided_slice %bitcast_convert_type3A {offsets = [11, 0, 0], sizes = [1, 64, 1024], strides = [1, 1, 1]} : vector<30x64x1024xf32> to vector<1x64x1024xf32>
    %squeeze3A_201 = vector.shape_cast %slice3A_200 : vector<1x64x1024xf32> to vector<64x1024xf32>
    %broadcast_in_dim3A_202 = vector.shape_cast %squeeze3A_201 : vector<64x1024xf32> to vector<1x64x1024xf32>
    %mul3A_203 = vector.broadcast %broadcast_in_dim3A_199 : vector<4x1x1xf32> to vector<4x64x1024xf32>
    %mul3A_204 = vector.broadcast %broadcast_in_dim3A_202 : vector<1x64x1024xf32> to vector<4x64x1024xf32>
    %mul3A_205 = arith.mulf %mul3A_203, %mul3A_204 : vector<4x64x1024xf32>
    %add3A_206 = arith.addf %add3A_189, %mul3A_205 : vector<4x64x1024xf32>
    %slice3A_207 = vector.extract_strided_slice %bitcast_convert_type3A_10 {offsets = [11, 0, 0], sizes = [1, 64, 1024], strides = [1, 1, 1]} : vector<30x64x1024xf32> to vector<1x64x1024xf32>
    %squeeze3A_208 = vector.shape_cast %slice3A_207 : vector<1x64x1024xf32> to vector<64x1024xf32>
    %broadcast_in_dim3A_209 = vector.shape_cast %squeeze3A_208 : vector<64x1024xf32> to vector<1x64x1024xf32>
    %mul3A_210 = vector.broadcast %broadcast_in_dim3A_199 : vector<4x1x1xf32> to vector<4x64x1024xf32>
    %mul3A_211 = vector.broadcast %broadcast_in_dim3A_209 : vector<1x64x1024xf32> to vector<4x64x1024xf32>
    %mul3A_212 = arith.mulf %mul3A_210, %mul3A_211 : vector<4x64x1024xf32>
    %add3A_213 = arith.addf %add3A_196, %mul3A_212 : vector<4x64x1024xf32>
    %slice3A_214 = vector.extract_strided_slice %get3A_1 {offsets = [0, 13], sizes = [4, 1], strides = [1, 1]} : vector<4x31xf32> to vector<4x1xf32>
    %squeeze3A_215 = vector.shape_cast %slice3A_214 : vector<4x1xf32> to vector<4xf32>
    %broadcast_in_dim3A_216 = vector.shape_cast %squeeze3A_215 : vector<4xf32> to vector<4x1x1xf32>
    %slice3A_217 = vector.extract_strided_slice %bitcast_convert_type3A {offsets = [12, 0, 0], sizes = [1, 64, 1024], strides = [1, 1, 1]} : vector<30x64x1024xf32> to vector<1x64x1024xf32>
    %squeeze3A_218 = vector.shape_cast %slice3A_217 : vector<1x64x1024xf32> to vector<64x1024xf32>
    %broadcast_in_dim3A_219 = vector.shape_cast %squeeze3A_218 : vector<64x1024xf32> to vector<1x64x1024xf32>
    %mul3A_220 = vector.broadcast %broadcast_in_dim3A_216 : vector<4x1x1xf32> to vector<4x64x1024xf32>
    %mul3A_221 = vector.broadcast %broadcast_in_dim3A_219 : vector<1x64x1024xf32> to vector<4x64x1024xf32>
    %mul3A_222 = arith.mulf %mul3A_220, %mul3A_221 : vector<4x64x1024xf32>
    %add3A_223 = arith.addf %add3A_206, %mul3A_222 : vector<4x64x1024xf32>
    %slice3A_224 = vector.extract_strided_slice %bitcast_convert_type3A_10 {offsets = [12, 0, 0], sizes = [1, 64, 1024], strides = [1, 1, 1]} : vector<30x64x1024xf32> to vector<1x64x1024xf32>
    %squeeze3A_225 = vector.shape_cast %slice3A_224 : vector<1x64x1024xf32> to vector<64x1024xf32>
    %broadcast_in_dim3A_226 = vector.shape_cast %squeeze3A_225 : vector<64x1024xf32> to vector<1x64x1024xf32>
    %mul3A_227 = vector.broadcast %broadcast_in_dim3A_216 : vector<4x1x1xf32> to vector<4x64x1024xf32>
    %mul3A_228 = vector.broadcast %broadcast_in_dim3A_226 : vector<1x64x1024xf32> to vector<4x64x1024xf32>
    %mul3A_229 = arith.mulf %mul3A_227, %mul3A_228 : vector<4x64x1024xf32>
    %add3A_230 = arith.addf %add3A_213, %mul3A_229 : vector<4x64x1024xf32>
    %slice3A_231 = vector.extract_strided_slice %get3A_1 {offsets = [0, 14], sizes = [4, 1], strides = [1, 1]} : vector<4x31xf32> to vector<4x1xf32>
    %squeeze3A_232 = vector.shape_cast %slice3A_231 : vector<4x1xf32> to vector<4xf32>
    %broadcast_in_dim3A_233 = vector.shape_cast %squeeze3A_232 : vector<4xf32> to vector<4x1x1xf32>
    %slice3A_234 = vector.extract_strided_slice %bitcast_convert_type3A {offsets = [13, 0, 0], sizes = [1, 64, 1024], strides = [1, 1, 1]} : vector<30x64x1024xf32> to vector<1x64x1024xf32>
    %squeeze3A_235 = vector.shape_cast %slice3A_234 : vector<1x64x1024xf32> to vector<64x1024xf32>
    %broadcast_in_dim3A_236 = vector.shape_cast %squeeze3A_235 : vector<64x1024xf32> to vector<1x64x1024xf32>
    %mul3A_237 = vector.broadcast %broadcast_in_dim3A_233 : vector<4x1x1xf32> to vector<4x64x1024xf32>
    %mul3A_238 = vector.broadcast %broadcast_in_dim3A_236 : vector<1x64x1024xf32> to vector<4x64x1024xf32>
    %mul3A_239 = arith.mulf %mul3A_237, %mul3A_238 : vector<4x64x1024xf32>
    %add3A_240 = arith.addf %add3A_223, %mul3A_239 : vector<4x64x1024xf32>
    %slice3A_241 = vector.extract_strided_slice %bitcast_convert_type3A_10 {offsets = [13, 0, 0], sizes = [1, 64, 1024], strides = [1, 1, 1]} : vector<30x64x1024xf32> to vector<1x64x1024xf32>
    %squeeze3A_242 = vector.shape_cast %slice3A_241 : vector<1x64x1024xf32> to vector<64x1024xf32>
    %broadcast_in_dim3A_243 = vector.shape_cast %squeeze3A_242 : vector<64x1024xf32> to vector<1x64x1024xf32>
    %mul3A_244 = vector.broadcast %broadcast_in_dim3A_233 : vector<4x1x1xf32> to vector<4x64x1024xf32>
    %mul3A_245 = vector.broadcast %broadcast_in_dim3A_243 : vector<1x64x1024xf32> to vector<4x64x1024xf32>
    %mul3A_246 = arith.mulf %mul3A_244, %mul3A_245 : vector<4x64x1024xf32>
    %add3A_247 = arith.addf %add3A_230, %mul3A_246 : vector<4x64x1024xf32>
    %slice3A_248 = vector.extract_strided_slice %get3A_1 {offsets = [0, 15], sizes = [4, 1], strides = [1, 1]} : vector<4x31xf32> to vector<4x1xf32>
    %squeeze3A_249 = vector.shape_cast %slice3A_248 : vector<4x1xf32> to vector<4xf32>
    %broadcast_in_dim3A_250 = vector.shape_cast %squeeze3A_249 : vector<4xf32> to vector<4x1x1xf32>
    %slice3A_251 = vector.extract_strided_slice %bitcast_convert_type3A {offsets = [14, 0, 0], sizes = [1, 64, 1024], strides = [1, 1, 1]} : vector<30x64x1024xf32> to vector<1x64x1024xf32>
    %squeeze3A_252 = vector.shape_cast %slice3A_251 : vector<1x64x1024xf32> to vector<64x1024xf32>
    %broadcast_in_dim3A_253 = vector.shape_cast %squeeze3A_252 : vector<64x1024xf32> to vector<1x64x1024xf32>
    %mul3A_254 = vector.broadcast %broadcast_in_dim3A_250 : vector<4x1x1xf32> to vector<4x64x1024xf32>
    %mul3A_255 = vector.broadcast %broadcast_in_dim3A_253 : vector<1x64x1024xf32> to vector<4x64x1024xf32>
    %mul3A_256 = arith.mulf %mul3A_254, %mul3A_255 : vector<4x64x1024xf32>
    %add3A_257 = arith.addf %add3A_240, %mul3A_256 : vector<4x64x1024xf32>
    %slice3A_258 = vector.extract_strided_slice %bitcast_convert_type3A_10 {offsets = [14, 0, 0], sizes = [1, 64, 1024], strides = [1, 1, 1]} : vector<30x64x1024xf32> to vector<1x64x1024xf32>
    %squeeze3A_259 = vector.shape_cast %slice3A_258 : vector<1x64x1024xf32> to vector<64x1024xf32>
    %broadcast_in_dim3A_260 = vector.shape_cast %squeeze3A_259 : vector<64x1024xf32> to vector<1x64x1024xf32>
    %mul3A_261 = vector.broadcast %broadcast_in_dim3A_250 : vector<4x1x1xf32> to vector<4x64x1024xf32>
    %mul3A_262 = vector.broadcast %broadcast_in_dim3A_260 : vector<1x64x1024xf32> to vector<4x64x1024xf32>
    %mul3A_263 = arith.mulf %mul3A_261, %mul3A_262 : vector<4x64x1024xf32>
    %add3A_264 = arith.addf %add3A_247, %mul3A_263 : vector<4x64x1024xf32>
    %slice3A_265 = vector.extract_strided_slice %get3A_1 {offsets = [0, 16], sizes = [4, 1], strides = [1, 1]} : vector<4x31xf32> to vector<4x1xf32>
    %squeeze3A_266 = vector.shape_cast %slice3A_265 : vector<4x1xf32> to vector<4xf32>
    %broadcast_in_dim3A_267 = vector.shape_cast %squeeze3A_266 : vector<4xf32> to vector<4x1x1xf32>
    %slice3A_268 = vector.extract_strided_slice %bitcast_convert_type3A {offsets = [15, 0, 0], sizes = [1, 64, 1024], strides = [1, 1, 1]} : vector<30x64x1024xf32> to vector<1x64x1024xf32>
    %squeeze3A_269 = vector.shape_cast %slice3A_268 : vector<1x64x1024xf32> to vector<64x1024xf32>
    %broadcast_in_dim3A_270 = vector.shape_cast %squeeze3A_269 : vector<64x1024xf32> to vector<1x64x1024xf32>
    %mul3A_271 = vector.broadcast %broadcast_in_dim3A_267 : vector<4x1x1xf32> to vector<4x64x1024xf32>
    %mul3A_272 = vector.broadcast %broadcast_in_dim3A_270 : vector<1x64x1024xf32> to vector<4x64x1024xf32>
    %mul3A_273 = arith.mulf %mul3A_271, %mul3A_272 : vector<4x64x1024xf32>
    %add3A_274 = arith.addf %add3A_257, %mul3A_273 : vector<4x64x1024xf32>
    %slice3A_275 = vector.extract_strided_slice %bitcast_convert_type3A_10 {offsets = [15, 0, 0], sizes = [1, 64, 1024], strides = [1, 1, 1]} : vector<30x64x1024xf32> to vector<1x64x1024xf32>
    %squeeze3A_276 = vector.shape_cast %slice3A_275 : vector<1x64x1024xf32> to vector<64x1024xf32>
    %broadcast_in_dim3A_277 = vector.shape_cast %squeeze3A_276 : vector<64x1024xf32> to vector<1x64x1024xf32>
    %mul3A_278 = vector.broadcast %broadcast_in_dim3A_267 : vector<4x1x1xf32> to vector<4x64x1024xf32>
    %mul3A_279 = vector.broadcast %broadcast_in_dim3A_277 : vector<1x64x1024xf32> to vector<4x64x1024xf32>
    %mul3A_280 = arith.mulf %mul3A_278, %mul3A_279 : vector<4x64x1024xf32>
    %add3A_281 = arith.addf %add3A_264, %mul3A_280 : vector<4x64x1024xf32>
    %slice3A_282 = vector.extract_strided_slice %get3A_1 {offsets = [0, 17], sizes = [4, 1], strides = [1, 1]} : vector<4x31xf32> to vector<4x1xf32>
    %squeeze3A_283 = vector.shape_cast %slice3A_282 : vector<4x1xf32> to vector<4xf32>
    %broadcast_in_dim3A_284 = vector.shape_cast %squeeze3A_283 : vector<4xf32> to vector<4x1x1xf32>
    %slice3A_285 = vector.extract_strided_slice %bitcast_convert_type3A {offsets = [16, 0, 0], sizes = [1, 64, 1024], strides = [1, 1, 1]} : vector<30x64x1024xf32> to vector<1x64x1024xf32>
    %squeeze3A_286 = vector.shape_cast %slice3A_285 : vector<1x64x1024xf32> to vector<64x1024xf32>
    %broadcast_in_dim3A_287 = vector.shape_cast %squeeze3A_286 : vector<64x1024xf32> to vector<1x64x1024xf32>
    %mul3A_288 = vector.broadcast %broadcast_in_dim3A_284 : vector<4x1x1xf32> to vector<4x64x1024xf32>
    %mul3A_289 = vector.broadcast %broadcast_in_dim3A_287 : vector<1x64x1024xf32> to vector<4x64x1024xf32>
    %mul3A_290 = arith.mulf %mul3A_288, %mul3A_289 : vector<4x64x1024xf32>
    %add3A_291 = arith.addf %add3A_274, %mul3A_290 : vector<4x64x1024xf32>
    %slice3A_292 = vector.extract_strided_slice %bitcast_convert_type3A_10 {offsets = [16, 0, 0], sizes = [1, 64, 1024], strides = [1, 1, 1]} : vector<30x64x1024xf32> to vector<1x64x1024xf32>
    %squeeze3A_293 = vector.shape_cast %slice3A_292 : vector<1x64x1024xf32> to vector<64x1024xf32>
    %broadcast_in_dim3A_294 = vector.shape_cast %squeeze3A_293 : vector<64x1024xf32> to vector<1x64x1024xf32>
    %mul3A_295 = vector.broadcast %broadcast_in_dim3A_284 : vector<4x1x1xf32> to vector<4x64x1024xf32>
    %mul3A_296 = vector.broadcast %broadcast_in_dim3A_294 : vector<1x64x1024xf32> to vector<4x64x1024xf32>
    %mul3A_297 = arith.mulf %mul3A_295, %mul3A_296 : vector<4x64x1024xf32>
    %add3A_298 = arith.addf %add3A_281, %mul3A_297 : vector<4x64x1024xf32>
    %slice3A_299 = vector.extract_strided_slice %get3A_1 {offsets = [0, 18], sizes = [4, 1], strides = [1, 1]} : vector<4x31xf32> to vector<4x1xf32>
    %squeeze3A_300 = vector.shape_cast %slice3A_299 : vector<4x1xf32> to vector<4xf32>
    %broadcast_in_dim3A_301 = vector.shape_cast %squeeze3A_300 : vector<4xf32> to vector<4x1x1xf32>
    %slice3A_302 = vector.extract_strided_slice %bitcast_convert_type3A {offsets = [17, 0, 0], sizes = [1, 64, 1024], strides = [1, 1, 1]} : vector<30x64x1024xf32> to vector<1x64x1024xf32>
    %squeeze3A_303 = vector.shape_cast %slice3A_302 : vector<1x64x1024xf32> to vector<64x1024xf32>
    %broadcast_in_dim3A_304 = vector.shape_cast %squeeze3A_303 : vector<64x1024xf32> to vector<1x64x1024xf32>
    %mul3A_305 = vector.broadcast %broadcast_in_dim3A_301 : vector<4x1x1xf32> to vector<4x64x1024xf32>
    %mul3A_306 = vector.broadcast %broadcast_in_dim3A_304 : vector<1x64x1024xf32> to vector<4x64x1024xf32>
    %mul3A_307 = arith.mulf %mul3A_305, %mul3A_306 : vector<4x64x1024xf32>
    %add3A_308 = arith.addf %add3A_291, %mul3A_307 : vector<4x64x1024xf32>
    %slice3A_309 = vector.extract_strided_slice %bitcast_convert_type3A_10 {offsets = [17, 0, 0], sizes = [1, 64, 1024], strides = [1, 1, 1]} : vector<30x64x1024xf32> to vector<1x64x1024xf32>
    %squeeze3A_310 = vector.shape_cast %slice3A_309 : vector<1x64x1024xf32> to vector<64x1024xf32>
    %broadcast_in_dim3A_311 = vector.shape_cast %squeeze3A_310 : vector<64x1024xf32> to vector<1x64x1024xf32>
    %mul3A_312 = vector.broadcast %broadcast_in_dim3A_301 : vector<4x1x1xf32> to vector<4x64x1024xf32>
    %mul3A_313 = vector.broadcast %broadcast_in_dim3A_311 : vector<1x64x1024xf32> to vector<4x64x1024xf32>
    %mul3A_314 = arith.mulf %mul3A_312, %mul3A_313 : vector<4x64x1024xf32>
    %add3A_315 = arith.addf %add3A_298, %mul3A_314 : vector<4x64x1024xf32>
    %slice3A_316 = vector.extract_strided_slice %get3A_1 {offsets = [0, 19], sizes = [4, 1], strides = [1, 1]} : vector<4x31xf32> to vector<4x1xf32>
    %squeeze3A_317 = vector.shape_cast %slice3A_316 : vector<4x1xf32> to vector<4xf32>
    %broadcast_in_dim3A_318 = vector.shape_cast %squeeze3A_317 : vector<4xf32> to vector<4x1x1xf32>
    %slice3A_319 = vector.extract_strided_slice %bitcast_convert_type3A {offsets = [18, 0, 0], sizes = [1, 64, 1024], strides = [1, 1, 1]} : vector<30x64x1024xf32> to vector<1x64x1024xf32>
    %squeeze3A_320 = vector.shape_cast %slice3A_319 : vector<1x64x1024xf32> to vector<64x1024xf32>
    %broadcast_in_dim3A_321 = vector.shape_cast %squeeze3A_320 : vector<64x1024xf32> to vector<1x64x1024xf32>
    %mul3A_322 = vector.broadcast %broadcast_in_dim3A_318 : vector<4x1x1xf32> to vector<4x64x1024xf32>
    %mul3A_323 = vector.broadcast %broadcast_in_dim3A_321 : vector<1x64x1024xf32> to vector<4x64x1024xf32>
    %mul3A_324 = arith.mulf %mul3A_322, %mul3A_323 : vector<4x64x1024xf32>
    %add3A_325 = arith.addf %add3A_308, %mul3A_324 : vector<4x64x1024xf32>
    %slice3A_326 = vector.extract_strided_slice %bitcast_convert_type3A_10 {offsets = [18, 0, 0], sizes = [1, 64, 1024], strides = [1, 1, 1]} : vector<30x64x1024xf32> to vector<1x64x1024xf32>
    %squeeze3A_327 = vector.shape_cast %slice3A_326 : vector<1x64x1024xf32> to vector<64x1024xf32>
    %broadcast_in_dim3A_328 = vector.shape_cast %squeeze3A_327 : vector<64x1024xf32> to vector<1x64x1024xf32>
    %mul3A_329 = vector.broadcast %broadcast_in_dim3A_318 : vector<4x1x1xf32> to vector<4x64x1024xf32>
    %mul3A_330 = vector.broadcast %broadcast_in_dim3A_328 : vector<1x64x1024xf32> to vector<4x64x1024xf32>
    %mul3A_331 = arith.mulf %mul3A_329, %mul3A_330 : vector<4x64x1024xf32>
    %add3A_332 = arith.addf %add3A_315, %mul3A_331 : vector<4x64x1024xf32>
    %slice3A_333 = vector.extract_strided_slice %get3A_1 {offsets = [0, 20], sizes = [4, 1], strides = [1, 1]} : vector<4x31xf32> to vector<4x1xf32>
    %squeeze3A_334 = vector.shape_cast %slice3A_333 : vector<4x1xf32> to vector<4xf32>
    %broadcast_in_dim3A_335 = vector.shape_cast %squeeze3A_334 : vector<4xf32> to vector<4x1x1xf32>
    %slice3A_336 = vector.extract_strided_slice %bitcast_convert_type3A {offsets = [19, 0, 0], sizes = [1, 64, 1024], strides = [1, 1, 1]} : vector<30x64x1024xf32> to vector<1x64x1024xf32>
    %squeeze3A_337 = vector.shape_cast %slice3A_336 : vector<1x64x1024xf32> to vector<64x1024xf32>
    %broadcast_in_dim3A_338 = vector.shape_cast %squeeze3A_337 : vector<64x1024xf32> to vector<1x64x1024xf32>
    %mul3A_339 = vector.broadcast %broadcast_in_dim3A_335 : vector<4x1x1xf32> to vector<4x64x1024xf32>
    %mul3A_340 = vector.broadcast %broadcast_in_dim3A_338 : vector<1x64x1024xf32> to vector<4x64x1024xf32>
    %mul3A_341 = arith.mulf %mul3A_339, %mul3A_340 : vector<4x64x1024xf32>
    %add3A_342 = arith.addf %add3A_325, %mul3A_341 : vector<4x64x1024xf32>
    %slice3A_343 = vector.extract_strided_slice %bitcast_convert_type3A_10 {offsets = [19, 0, 0], sizes = [1, 64, 1024], strides = [1, 1, 1]} : vector<30x64x1024xf32> to vector<1x64x1024xf32>
    %squeeze3A_344 = vector.shape_cast %slice3A_343 : vector<1x64x1024xf32> to vector<64x1024xf32>
    %broadcast_in_dim3A_345 = vector.shape_cast %squeeze3A_344 : vector<64x1024xf32> to vector<1x64x1024xf32>
    %mul3A_346 = vector.broadcast %broadcast_in_dim3A_335 : vector<4x1x1xf32> to vector<4x64x1024xf32>
    %mul3A_347 = vector.broadcast %broadcast_in_dim3A_345 : vector<1x64x1024xf32> to vector<4x64x1024xf32>
    %mul3A_348 = arith.mulf %mul3A_346, %mul3A_347 : vector<4x64x1024xf32>
    %add3A_349 = arith.addf %add3A_332, %mul3A_348 : vector<4x64x1024xf32>
    %slice3A_350 = vector.extract_strided_slice %get3A_1 {offsets = [0, 21], sizes = [4, 1], strides = [1, 1]} : vector<4x31xf32> to vector<4x1xf32>
    %squeeze3A_351 = vector.shape_cast %slice3A_350 : vector<4x1xf32> to vector<4xf32>
    %broadcast_in_dim3A_352 = vector.shape_cast %squeeze3A_351 : vector<4xf32> to vector<4x1x1xf32>
    %slice3A_353 = vector.extract_strided_slice %bitcast_convert_type3A {offsets = [20, 0, 0], sizes = [1, 64, 1024], strides = [1, 1, 1]} : vector<30x64x1024xf32> to vector<1x64x1024xf32>
    %squeeze3A_354 = vector.shape_cast %slice3A_353 : vector<1x64x1024xf32> to vector<64x1024xf32>
    %broadcast_in_dim3A_355 = vector.shape_cast %squeeze3A_354 : vector<64x1024xf32> to vector<1x64x1024xf32>
    %mul3A_356 = vector.broadcast %broadcast_in_dim3A_352 : vector<4x1x1xf32> to vector<4x64x1024xf32>
    %mul3A_357 = vector.broadcast %broadcast_in_dim3A_355 : vector<1x64x1024xf32> to vector<4x64x1024xf32>
    %mul3A_358 = arith.mulf %mul3A_356, %mul3A_357 : vector<4x64x1024xf32>
    %add3A_359 = arith.addf %add3A_342, %mul3A_358 : vector<4x64x1024xf32>
    %slice3A_360 = vector.extract_strided_slice %bitcast_convert_type3A_10 {offsets = [20, 0, 0], sizes = [1, 64, 1024], strides = [1, 1, 1]} : vector<30x64x1024xf32> to vector<1x64x1024xf32>
    %squeeze3A_361 = vector.shape_cast %slice3A_360 : vector<1x64x1024xf32> to vector<64x1024xf32>
    %broadcast_in_dim3A_362 = vector.shape_cast %squeeze3A_361 : vector<64x1024xf32> to vector<1x64x1024xf32>
    %mul3A_363 = vector.broadcast %broadcast_in_dim3A_352 : vector<4x1x1xf32> to vector<4x64x1024xf32>
    %mul3A_364 = vector.broadcast %broadcast_in_dim3A_362 : vector<1x64x1024xf32> to vector<4x64x1024xf32>
    %mul3A_365 = arith.mulf %mul3A_363, %mul3A_364 : vector<4x64x1024xf32>
    %add3A_366 = arith.addf %add3A_349, %mul3A_365 : vector<4x64x1024xf32>
    %slice3A_367 = vector.extract_strided_slice %get3A_1 {offsets = [0, 22], sizes = [4, 1], strides = [1, 1]} : vector<4x31xf32> to vector<4x1xf32>
    %squeeze3A_368 = vector.shape_cast %slice3A_367 : vector<4x1xf32> to vector<4xf32>
    %broadcast_in_dim3A_369 = vector.shape_cast %squeeze3A_368 : vector<4xf32> to vector<4x1x1xf32>
    %slice3A_370 = vector.extract_strided_slice %bitcast_convert_type3A {offsets = [21, 0, 0], sizes = [1, 64, 1024], strides = [1, 1, 1]} : vector<30x64x1024xf32> to vector<1x64x1024xf32>
    %squeeze3A_371 = vector.shape_cast %slice3A_370 : vector<1x64x1024xf32> to vector<64x1024xf32>
    %broadcast_in_dim3A_372 = vector.shape_cast %squeeze3A_371 : vector<64x1024xf32> to vector<1x64x1024xf32>
    %mul3A_373 = vector.broadcast %broadcast_in_dim3A_369 : vector<4x1x1xf32> to vector<4x64x1024xf32>
    %mul3A_374 = vector.broadcast %broadcast_in_dim3A_372 : vector<1x64x1024xf32> to vector<4x64x1024xf32>
    %mul3A_375 = arith.mulf %mul3A_373, %mul3A_374 : vector<4x64x1024xf32>
    %add3A_376 = arith.addf %add3A_359, %mul3A_375 : vector<4x64x1024xf32>
    %slice3A_377 = vector.extract_strided_slice %bitcast_convert_type3A_10 {offsets = [21, 0, 0], sizes = [1, 64, 1024], strides = [1, 1, 1]} : vector<30x64x1024xf32> to vector<1x64x1024xf32>
    %squeeze3A_378 = vector.shape_cast %slice3A_377 : vector<1x64x1024xf32> to vector<64x1024xf32>
    %broadcast_in_dim3A_379 = vector.shape_cast %squeeze3A_378 : vector<64x1024xf32> to vector<1x64x1024xf32>
    %mul3A_380 = vector.broadcast %broadcast_in_dim3A_369 : vector<4x1x1xf32> to vector<4x64x1024xf32>
    %mul3A_381 = vector.broadcast %broadcast_in_dim3A_379 : vector<1x64x1024xf32> to vector<4x64x1024xf32>
    %mul3A_382 = arith.mulf %mul3A_380, %mul3A_381 : vector<4x64x1024xf32>
    %add3A_383 = arith.addf %add3A_366, %mul3A_382 : vector<4x64x1024xf32>
    %slice3A_384 = vector.extract_strided_slice %get3A_1 {offsets = [0, 23], sizes = [4, 1], strides = [1, 1]} : vector<4x31xf32> to vector<4x1xf32>
    %squeeze3A_385 = vector.shape_cast %slice3A_384 : vector<4x1xf32> to vector<4xf32>
    %broadcast_in_dim3A_386 = vector.shape_cast %squeeze3A_385 : vector<4xf32> to vector<4x1x1xf32>
    %slice3A_387 = vector.extract_strided_slice %bitcast_convert_type3A {offsets = [22, 0, 0], sizes = [1, 64, 1024], strides = [1, 1, 1]} : vector<30x64x1024xf32> to vector<1x64x1024xf32>
    %squeeze3A_388 = vector.shape_cast %slice3A_387 : vector<1x64x1024xf32> to vector<64x1024xf32>
    %broadcast_in_dim3A_389 = vector.shape_cast %squeeze3A_388 : vector<64x1024xf32> to vector<1x64x1024xf32>
    %mul3A_390 = vector.broadcast %broadcast_in_dim3A_386 : vector<4x1x1xf32> to vector<4x64x1024xf32>
    %mul3A_391 = vector.broadcast %broadcast_in_dim3A_389 : vector<1x64x1024xf32> to vector<4x64x1024xf32>
    %mul3A_392 = arith.mulf %mul3A_390, %mul3A_391 : vector<4x64x1024xf32>
    %add3A_393 = arith.addf %add3A_376, %mul3A_392 : vector<4x64x1024xf32>
    %slice3A_394 = vector.extract_strided_slice %bitcast_convert_type3A_10 {offsets = [22, 0, 0], sizes = [1, 64, 1024], strides = [1, 1, 1]} : vector<30x64x1024xf32> to vector<1x64x1024xf32>
    %squeeze3A_395 = vector.shape_cast %slice3A_394 : vector<1x64x1024xf32> to vector<64x1024xf32>
    %broadcast_in_dim3A_396 = vector.shape_cast %squeeze3A_395 : vector<64x1024xf32> to vector<1x64x1024xf32>
    %mul3A_397 = vector.broadcast %broadcast_in_dim3A_386 : vector<4x1x1xf32> to vector<4x64x1024xf32>
    %mul3A_398 = vector.broadcast %broadcast_in_dim3A_396 : vector<1x64x1024xf32> to vector<4x64x1024xf32>
    %mul3A_399 = arith.mulf %mul3A_397, %mul3A_398 : vector<4x64x1024xf32>
    %add3A_400 = arith.addf %add3A_383, %mul3A_399 : vector<4x64x1024xf32>
    %slice3A_401 = vector.extract_strided_slice %get3A_1 {offsets = [0, 24], sizes = [4, 1], strides = [1, 1]} : vector<4x31xf32> to vector<4x1xf32>
    %squeeze3A_402 = vector.shape_cast %slice3A_401 : vector<4x1xf32> to vector<4xf32>
    %broadcast_in_dim3A_403 = vector.shape_cast %squeeze3A_402 : vector<4xf32> to vector<4x1x1xf32>
    %slice3A_404 = vector.extract_strided_slice %bitcast_convert_type3A {offsets = [23, 0, 0], sizes = [1, 64, 1024], strides = [1, 1, 1]} : vector<30x64x1024xf32> to vector<1x64x1024xf32>
    %squeeze3A_405 = vector.shape_cast %slice3A_404 : vector<1x64x1024xf32> to vector<64x1024xf32>
    %broadcast_in_dim3A_406 = vector.shape_cast %squeeze3A_405 : vector<64x1024xf32> to vector<1x64x1024xf32>
    %mul3A_407 = vector.broadcast %broadcast_in_dim3A_403 : vector<4x1x1xf32> to vector<4x64x1024xf32>
    %mul3A_408 = vector.broadcast %broadcast_in_dim3A_406 : vector<1x64x1024xf32> to vector<4x64x1024xf32>
    %mul3A_409 = arith.mulf %mul3A_407, %mul3A_408 : vector<4x64x1024xf32>
    %add3A_410 = arith.addf %add3A_393, %mul3A_409 : vector<4x64x1024xf32>
    %slice3A_411 = vector.extract_strided_slice %bitcast_convert_type3A_10 {offsets = [23, 0, 0], sizes = [1, 64, 1024], strides = [1, 1, 1]} : vector<30x64x1024xf32> to vector<1x64x1024xf32>
    %squeeze3A_412 = vector.shape_cast %slice3A_411 : vector<1x64x1024xf32> to vector<64x1024xf32>
    %broadcast_in_dim3A_413 = vector.shape_cast %squeeze3A_412 : vector<64x1024xf32> to vector<1x64x1024xf32>
    %mul3A_414 = vector.broadcast %broadcast_in_dim3A_403 : vector<4x1x1xf32> to vector<4x64x1024xf32>
    %mul3A_415 = vector.broadcast %broadcast_in_dim3A_413 : vector<1x64x1024xf32> to vector<4x64x1024xf32>
    %mul3A_416 = arith.mulf %mul3A_414, %mul3A_415 : vector<4x64x1024xf32>
    %add3A_417 = arith.addf %add3A_400, %mul3A_416 : vector<4x64x1024xf32>
    %slice3A_418 = vector.extract_strided_slice %get3A_1 {offsets = [0, 25], sizes = [4, 1], strides = [1, 1]} : vector<4x31xf32> to vector<4x1xf32>
    %squeeze3A_419 = vector.shape_cast %slice3A_418 : vector<4x1xf32> to vector<4xf32>
    %broadcast_in_dim3A_420 = vector.shape_cast %squeeze3A_419 : vector<4xf32> to vector<4x1x1xf32>
    %slice3A_421 = vector.extract_strided_slice %bitcast_convert_type3A {offsets = [24, 0, 0], sizes = [1, 64, 1024], strides = [1, 1, 1]} : vector<30x64x1024xf32> to vector<1x64x1024xf32>
    %squeeze3A_422 = vector.shape_cast %slice3A_421 : vector<1x64x1024xf32> to vector<64x1024xf32>
    %broadcast_in_dim3A_423 = vector.shape_cast %squeeze3A_422 : vector<64x1024xf32> to vector<1x64x1024xf32>
    %mul3A_424 = vector.broadcast %broadcast_in_dim3A_420 : vector<4x1x1xf32> to vector<4x64x1024xf32>
    %mul3A_425 = vector.broadcast %broadcast_in_dim3A_423 : vector<1x64x1024xf32> to vector<4x64x1024xf32>
    %mul3A_426 = arith.mulf %mul3A_424, %mul3A_425 : vector<4x64x1024xf32>
    %add3A_427 = arith.addf %add3A_410, %mul3A_426 : vector<4x64x1024xf32>
    %slice3A_428 = vector.extract_strided_slice %bitcast_convert_type3A_10 {offsets = [24, 0, 0], sizes = [1, 64, 1024], strides = [1, 1, 1]} : vector<30x64x1024xf32> to vector<1x64x1024xf32>
    %squeeze3A_429 = vector.shape_cast %slice3A_428 : vector<1x64x1024xf32> to vector<64x1024xf32>
    %broadcast_in_dim3A_430 = vector.shape_cast %squeeze3A_429 : vector<64x1024xf32> to vector<1x64x1024xf32>
    %mul3A_431 = vector.broadcast %broadcast_in_dim3A_420 : vector<4x1x1xf32> to vector<4x64x1024xf32>
    %mul3A_432 = vector.broadcast %broadcast_in_dim3A_430 : vector<1x64x1024xf32> to vector<4x64x1024xf32>
    %mul3A_433 = arith.mulf %mul3A_431, %mul3A_432 : vector<4x64x1024xf32>
    %add3A_434 = arith.addf %add3A_417, %mul3A_433 : vector<4x64x1024xf32>
    %slice3A_435 = vector.extract_strided_slice %get3A_1 {offsets = [0, 26], sizes = [4, 1], strides = [1, 1]} : vector<4x31xf32> to vector<4x1xf32>
    %squeeze3A_436 = vector.shape_cast %slice3A_435 : vector<4x1xf32> to vector<4xf32>
    %broadcast_in_dim3A_437 = vector.shape_cast %squeeze3A_436 : vector<4xf32> to vector<4x1x1xf32>
    %slice3A_438 = vector.extract_strided_slice %bitcast_convert_type3A {offsets = [25, 0, 0], sizes = [1, 64, 1024], strides = [1, 1, 1]} : vector<30x64x1024xf32> to vector<1x64x1024xf32>
    %squeeze3A_439 = vector.shape_cast %slice3A_438 : vector<1x64x1024xf32> to vector<64x1024xf32>
    %broadcast_in_dim3A_440 = vector.shape_cast %squeeze3A_439 : vector<64x1024xf32> to vector<1x64x1024xf32>
    %mul3A_441 = vector.broadcast %broadcast_in_dim3A_437 : vector<4x1x1xf32> to vector<4x64x1024xf32>
    %mul3A_442 = vector.broadcast %broadcast_in_dim3A_440 : vector<1x64x1024xf32> to vector<4x64x1024xf32>
    %mul3A_443 = arith.mulf %mul3A_441, %mul3A_442 : vector<4x64x1024xf32>
    %add3A_444 = arith.addf %add3A_427, %mul3A_443 : vector<4x64x1024xf32>
    %slice3A_445 = vector.extract_strided_slice %bitcast_convert_type3A_10 {offsets = [25, 0, 0], sizes = [1, 64, 1024], strides = [1, 1, 1]} : vector<30x64x1024xf32> to vector<1x64x1024xf32>
    %squeeze3A_446 = vector.shape_cast %slice3A_445 : vector<1x64x1024xf32> to vector<64x1024xf32>
    %broadcast_in_dim3A_447 = vector.shape_cast %squeeze3A_446 : vector<64x1024xf32> to vector<1x64x1024xf32>
    %mul3A_448 = vector.broadcast %broadcast_in_dim3A_437 : vector<4x1x1xf32> to vector<4x64x1024xf32>
    %mul3A_449 = vector.broadcast %broadcast_in_dim3A_447 : vector<1x64x1024xf32> to vector<4x64x1024xf32>
    %mul3A_450 = arith.mulf %mul3A_448, %mul3A_449 : vector<4x64x1024xf32>
    %add3A_451 = arith.addf %add3A_434, %mul3A_450 : vector<4x64x1024xf32>
    %slice3A_452 = vector.extract_strided_slice %get3A_1 {offsets = [0, 27], sizes = [4, 1], strides = [1, 1]} : vector<4x31xf32> to vector<4x1xf32>
    %squeeze3A_453 = vector.shape_cast %slice3A_452 : vector<4x1xf32> to vector<4xf32>
    %broadcast_in_dim3A_454 = vector.shape_cast %squeeze3A_453 : vector<4xf32> to vector<4x1x1xf32>
    %slice3A_455 = vector.extract_strided_slice %bitcast_convert_type3A {offsets = [26, 0, 0], sizes = [1, 64, 1024], strides = [1, 1, 1]} : vector<30x64x1024xf32> to vector<1x64x1024xf32>
    %squeeze3A_456 = vector.shape_cast %slice3A_455 : vector<1x64x1024xf32> to vector<64x1024xf32>
    %broadcast_in_dim3A_457 = vector.shape_cast %squeeze3A_456 : vector<64x1024xf32> to vector<1x64x1024xf32>
    %mul3A_458 = vector.broadcast %broadcast_in_dim3A_454 : vector<4x1x1xf32> to vector<4x64x1024xf32>
    %mul3A_459 = vector.broadcast %broadcast_in_dim3A_457 : vector<1x64x1024xf32> to vector<4x64x1024xf32>
    %mul3A_460 = arith.mulf %mul3A_458, %mul3A_459 : vector<4x64x1024xf32>
    %add3A_461 = arith.addf %add3A_444, %mul3A_460 : vector<4x64x1024xf32>
    %slice3A_462 = vector.extract_strided_slice %bitcast_convert_type3A_10 {offsets = [26, 0, 0], sizes = [1, 64, 1024], strides = [1, 1, 1]} : vector<30x64x1024xf32> to vector<1x64x1024xf32>
    %squeeze3A_463 = vector.shape_cast %slice3A_462 : vector<1x64x1024xf32> to vector<64x1024xf32>
    %broadcast_in_dim3A_464 = vector.shape_cast %squeeze3A_463 : vector<64x1024xf32> to vector<1x64x1024xf32>
    %mul3A_465 = vector.broadcast %broadcast_in_dim3A_454 : vector<4x1x1xf32> to vector<4x64x1024xf32>
    %mul3A_466 = vector.broadcast %broadcast_in_dim3A_464 : vector<1x64x1024xf32> to vector<4x64x1024xf32>
    %mul3A_467 = arith.mulf %mul3A_465, %mul3A_466 : vector<4x64x1024xf32>
    %add3A_468 = arith.addf %add3A_451, %mul3A_467 : vector<4x64x1024xf32>
    %slice3A_469 = vector.extract_strided_slice %get3A_1 {offsets = [0, 28], sizes = [4, 1], strides = [1, 1]} : vector<4x31xf32> to vector<4x1xf32>
    %squeeze3A_470 = vector.shape_cast %slice3A_469 : vector<4x1xf32> to vector<4xf32>
    %broadcast_in_dim3A_471 = vector.shape_cast %squeeze3A_470 : vector<4xf32> to vector<4x1x1xf32>
    %slice3A_472 = vector.extract_strided_slice %bitcast_convert_type3A {offsets = [27, 0, 0], sizes = [1, 64, 1024], strides = [1, 1, 1]} : vector<30x64x1024xf32> to vector<1x64x1024xf32>
    %squeeze3A_473 = vector.shape_cast %slice3A_472 : vector<1x64x1024xf32> to vector<64x1024xf32>
    %broadcast_in_dim3A_474 = vector.shape_cast %squeeze3A_473 : vector<64x1024xf32> to vector<1x64x1024xf32>
    %mul3A_475 = vector.broadcast %broadcast_in_dim3A_471 : vector<4x1x1xf32> to vector<4x64x1024xf32>
    %mul3A_476 = vector.broadcast %broadcast_in_dim3A_474 : vector<1x64x1024xf32> to vector<4x64x1024xf32>
    %mul3A_477 = arith.mulf %mul3A_475, %mul3A_476 : vector<4x64x1024xf32>
    %add3A_478 = arith.addf %add3A_461, %mul3A_477 : vector<4x64x1024xf32>
    %slice3A_479 = vector.extract_strided_slice %bitcast_convert_type3A_10 {offsets = [27, 0, 0], sizes = [1, 64, 1024], strides = [1, 1, 1]} : vector<30x64x1024xf32> to vector<1x64x1024xf32>
    %squeeze3A_480 = vector.shape_cast %slice3A_479 : vector<1x64x1024xf32> to vector<64x1024xf32>
    %broadcast_in_dim3A_481 = vector.shape_cast %squeeze3A_480 : vector<64x1024xf32> to vector<1x64x1024xf32>
    %mul3A_482 = vector.broadcast %broadcast_in_dim3A_471 : vector<4x1x1xf32> to vector<4x64x1024xf32>
    %mul3A_483 = vector.broadcast %broadcast_in_dim3A_481 : vector<1x64x1024xf32> to vector<4x64x1024xf32>
    %mul3A_484 = arith.mulf %mul3A_482, %mul3A_483 : vector<4x64x1024xf32>
    %add3A_485 = arith.addf %add3A_468, %mul3A_484 : vector<4x64x1024xf32>
    %slice3A_486 = vector.extract_strided_slice %get3A_1 {offsets = [0, 29], sizes = [4, 1], strides = [1, 1]} : vector<4x31xf32> to vector<4x1xf32>
    %squeeze3A_487 = vector.shape_cast %slice3A_486 : vector<4x1xf32> to vector<4xf32>
    %broadcast_in_dim3A_488 = vector.shape_cast %squeeze3A_487 : vector<4xf32> to vector<4x1x1xf32>
    %slice3A_489 = vector.extract_strided_slice %bitcast_convert_type3A {offsets = [28, 0, 0], sizes = [1, 64, 1024], strides = [1, 1, 1]} : vector<30x64x1024xf32> to vector<1x64x1024xf32>
    %squeeze3A_490 = vector.shape_cast %slice3A_489 : vector<1x64x1024xf32> to vector<64x1024xf32>
    %broadcast_in_dim3A_491 = vector.shape_cast %squeeze3A_490 : vector<64x1024xf32> to vector<1x64x1024xf32>
    %mul3A_492 = vector.broadcast %broadcast_in_dim3A_488 : vector<4x1x1xf32> to vector<4x64x1024xf32>
    %mul3A_493 = vector.broadcast %broadcast_in_dim3A_491 : vector<1x64x1024xf32> to vector<4x64x1024xf32>
    %mul3A_494 = arith.mulf %mul3A_492, %mul3A_493 : vector<4x64x1024xf32>
    %add3A_495 = arith.addf %add3A_478, %mul3A_494 : vector<4x64x1024xf32>
    %slice3A_496 = vector.extract_strided_slice %bitcast_convert_type3A_10 {offsets = [28, 0, 0], sizes = [1, 64, 1024], strides = [1, 1, 1]} : vector<30x64x1024xf32> to vector<1x64x1024xf32>
    %squeeze3A_497 = vector.shape_cast %slice3A_496 : vector<1x64x1024xf32> to vector<64x1024xf32>
    %broadcast_in_dim3A_498 = vector.shape_cast %squeeze3A_497 : vector<64x1024xf32> to vector<1x64x1024xf32>
    %mul3A_499 = vector.broadcast %broadcast_in_dim3A_488 : vector<4x1x1xf32> to vector<4x64x1024xf32>
    %mul3A_500 = vector.broadcast %broadcast_in_dim3A_498 : vector<1x64x1024xf32> to vector<4x64x1024xf32>
    %mul3A_501 = arith.mulf %mul3A_499, %mul3A_500 : vector<4x64x1024xf32>
    %add3A_502 = arith.addf %add3A_485, %mul3A_501 : vector<4x64x1024xf32>
    %slice3A_503 = vector.extract_strided_slice %get3A_1 {offsets = [0, 30], sizes = [4, 1], strides = [1, 1]} : vector<4x31xf32> to vector<4x1xf32>
    %squeeze3A_504 = vector.shape_cast %slice3A_503 : vector<4x1xf32> to vector<4xf32>
    %broadcast_in_dim3A_505 = vector.shape_cast %squeeze3A_504 : vector<4xf32> to vector<4x1x1xf32>
    %slice3A_506 = vector.extract_strided_slice %bitcast_convert_type3A {offsets = [29, 0, 0], sizes = [1, 64, 1024], strides = [1, 1, 1]} : vector<30x64x1024xf32> to vector<1x64x1024xf32>
    %squeeze3A_507 = vector.shape_cast %slice3A_506 : vector<1x64x1024xf32> to vector<64x1024xf32>
    %broadcast_in_dim3A_508 = vector.shape_cast %squeeze3A_507 : vector<64x1024xf32> to vector<1x64x1024xf32>
    %mul3A_509 = vector.broadcast %broadcast_in_dim3A_505 : vector<4x1x1xf32> to vector<4x64x1024xf32>
    %mul3A_510 = vector.broadcast %broadcast_in_dim3A_508 : vector<1x64x1024xf32> to vector<4x64x1024xf32>
    %mul3A_511 = arith.mulf %mul3A_509, %mul3A_510 : vector<4x64x1024xf32>
    %add3A_512 = arith.addf %add3A_495, %mul3A_511 : vector<4x64x1024xf32>
    %slice3A_513 = vector.extract_strided_slice %bitcast_convert_type3A_10 {offsets = [29, 0, 0], sizes = [1, 64, 1024], strides = [1, 1, 1]} : vector<30x64x1024xf32> to vector<1x64x1024xf32>
    %squeeze3A_514 = vector.shape_cast %slice3A_513 : vector<1x64x1024xf32> to vector<64x1024xf32>
    %broadcast_in_dim3A_515 = vector.shape_cast %squeeze3A_514 : vector<64x1024xf32> to vector<1x64x1024xf32>
    %mul3A_516 = vector.broadcast %broadcast_in_dim3A_505 : vector<4x1x1xf32> to vector<4x64x1024xf32>
    %mul3A_517 = vector.broadcast %broadcast_in_dim3A_515 : vector<1x64x1024xf32> to vector<4x64x1024xf32>
    %mul3A_518 = arith.mulf %mul3A_516, %mul3A_517 : vector<4x64x1024xf32>
    %add3A_519 = arith.addf %add3A_502, %mul3A_518 : vector<4x64x1024xf32>
    %transpose3A = tpu.transpose %add3A_512, [0, 2, 1] : vector<4x64x1024xf32> -> vector<4x1024x64xf32>
    %transpose3A_520 = tpu.transpose %add3A_519, [0, 2, 1] : vector<4x64x1024xf32> -> vector<4x1024x64xf32>
    %concatenate3A = tpu.concatenate %transpose3A, %transpose3A_520 in 2 : vector<4x1024x64xf32>, vector<4x1024x64xf32> -> vector<4x1024x128xf32>
    %slice3A_521 = vector.extract_strided_slice %get3A_1 {offsets = [0, 0], sizes = [4, 1], strides = [1, 1]} : vector<4x31xf32> to vector<4x1xf32>
    %squeeze3A_522 = vector.shape_cast %slice3A_521 : vector<4x1xf32> to vector<4xf32>
    %broadcast_in_dim3A_523 = vector.shape_cast %squeeze3A_522 : vector<4xf32> to vector<4x1x1xf32>
    %get3A_524 = arith.constant 0 : index
    %get3A_525 = arith.constant 0 : index
    %get3A_526 = vector.load %arg2[%get3A_524, %get3A_525] : memref<1024x128xf32, #tpu.memory_space<vmem>>, vector<1024x128xf32>
    %broadcast_in_dim3A_527 = vector.shape_cast %get3A_526 : vector<1024x128xf32> to vector<1x1024x128xf32>
    %mul3A_528 = vector.broadcast %broadcast_in_dim3A_523 : vector<4x1x1xf32> to vector<4x1024x128xf32>
    %mul3A_529 = vector.broadcast %broadcast_in_dim3A_527 : vector<1x1024x128xf32> to vector<4x1024x128xf32>
    %mul3A_530 = arith.mulf %mul3A_528, %mul3A_529 : vector<4x1024x128xf32>
    %add3A_531 = arith.addf %concatenate3A, %mul3A_530 : vector<4x1024x128xf32>
    %swap3A = arith.constant 0 : index
    %swap3A_532 = arith.constant 0 : index
    %swap3A_533 = arith.constant 0 : index
    %swap3A_534 = vector.load %arg4[%swap3A, %swap3A_532, %swap3A_533] : memref<4x1024x128xf32, #tpu.memory_space<vmem>>, vector<4x1024x128xf32>
    tpu.vector_store %arg4[%swap3A, %swap3A_532, %swap3A_533], %add3A_531 {strides = array<i32>} : memref<4x1024x128xf32, #tpu.memory_space<vmem>>, vector<4x1024x128xf32>,
    return
  }
  func.func @transform_0(%arg0: i32) -> (i32, i32) {
    %c0_i32 = arith.constant 0 : i32
    %c0_i32_0 = arith.constant 0 : i32
    %c0_i32_1 = arith.constant 0 : i32
    return %c0_i32, %c0_i32_0 : i32, i32
  }
  func.func @transform_1(%arg0: i32) -> (i32, i32) {
    %c0_i32 = arith.constant 0 : i32
    %c0_i32_0 = arith.constant 0 : i32
    return %arg0, %c0_i32 : i32, i32
  }
  func.func @transform_2(%arg0: i32) -> (i32, i32, i32) {
    %c0_i32 = arith.constant 0 : i32
    %c0_i32_0 = arith.constant 0 : i32
    %c0_i32_1 = arith.constant 0 : i32
    return %c0_i32, %c0_i32_0, %arg0 : i32, i32, i32
  }
  func.func @transform_3(%arg0: i32) -> (i32, i32, i32) {
    %c0_i32 = arith.constant 0 : i32
    %c0_i32_0 = arith.constant 0 : i32
    %c0_i32_1 = arith.constant 0 : i32
    return %c0_i32, %arg0, %c0_i32_0 : i32, i32, i32
  }
}

</mosaic_0001>

<sc_bundles>
// kernel: kernel.5.cloned.1.call-start
scs
__scs_entry_jumppad:
0x0: {  	(pc) =	sbr.rel $0x88, $3  }
0x1: {  	(tag) =	ssettag $0x0;
	lr =	simm.s32 $0x1  }
0x2: {  	[smem:$0x3F9E] =	sst lr;
	_ =	strace $0xD0000000  }
0x3: {  	_ = 	snop  }
0x4: {  	_ = 	snop  }
0x5: {  	_ = 	snop  }
0x6: {  	_ = 	snop  }
0x7: {  	_ = 	snop  }
__scs_overlays_trampoline_lowered:
0x8: {  	[smem:$0x3FAD] =	sst s0  }
0x9: {  	[smem:$0x3FAE] =	sst s1  }
0xa: {  	[smem:$0x3FAF] =	sst s2  }
0xb: {  	[smem:$0x3FB0] =	sst s3  }
0xc: {  	[smem:$0x3FB1] =	sst s4  }
0xd: {  	[smem:$0x3FB2] =	sst s5  }
0xe: {  	[smem:$0x3FB3] =	sst s6  }
0xf: {  	[smem:$0x3FB4] =	sst s7  }
0x10: {  	[smem:$0x3FB5] =	sst s8  }
0x11: {  	[smem:$0x3FB6] =	sst s9;
	s0 =	simm.s32 @!p0 $0x0  }
0x12: {  	s1 =	sld [smem:$0x3F9C];
	s0 =	simm.s32 @p0 $0x1  }
0x13: {  	[smem:$0x3FB7] =	sst s0;
	s0 =	simm.s32 @!p1 $0x0  }
0x14: {  	s2 =	sld [smem:$0x3F9B];
	s0 =	simm.s32 @p1 $0x1  }
0x15: {  	[smem:$0x3FB8] =	sst s0;
	s0 =	simm.s32 @!p2 $0x0  }
0x16: {  	s3 =	sld [smem:$0x3FDB];
	s0 =	simm.s32 @p2 $0x1  }
0x17: {  	s4 =	simm.s32 $0x1BF5;
	[smem:$0x3FBA] =	sst s0  }
0x18: {  	s0 =	sld [smem:$0x3F9D];
	_ =	swait.ge [sflag:s4], $0x0  }
0x19: {  	s7 =	sld [smem:$0x3F9E]  }
0x1a: {  	s8 =	sadd.s32 $0xFFFFE003, lr  }
0x1b: {  	s9 =	sadd.s32 $0xFFFFFEF7, lr;
	s5 =	simm.s32 $0xFFFFFFFF;
	p2 =	slt.u32 s8, $0xFFFFF086  }
0x1c: {  	p1 =	slt.u32 s9, $0xF7A;
	s5 =	simm.s32 @!p2 $0x0  }
0x1d: {  	s5 =	simm.s32 @p1 $0x1;
	p0 =	seq.s32 s7, s2  }
0x1e: {  	s7 =	smul.u32 @!p0 $0xF7A, s2;
	p2 =	seq.s32 @!p0 s5, $0x0  }
0x1f: {  	s9 =	smul.u32 $0xF7A, s1;
	s8 =	simm.s32 @!p0 $0x1BF5;
	p2 =	por !p2, p0  }
0x20: {  	[sflag:s8] =	ssyncset.s32 @!p0 $0xFFFFF086;
	s6 =	sadd.s32 @!p0 s3, s7;
	s7 =	simm.s32 @!p0 $0x108  }
0x21: {  	s3 =	sadd.s32 s3, s9;
	s6 =	sadd.s32 @!p0 $0x88, s6;
	s7 =	simm.s32 @p2 $0x1082  }
0x22: {  	[simem:s7], [sflag:s8] =	dma.local @!p0 [hbm:s6], $0xF7A  }
0x23: {  	s9 =	sor.u32 $0xD0000000, s2;
	s6 =	simm.s32 $0x108;
	_ =	swait.ge @!p0 [sflag:s8], $0x0  }
0x24: {  	s3 =	sadd.s32 $0x88, s3;
	s6 =	simm.s32 @!p1 $0x1082;
	[sflag:s4] =	ssyncset.s32 $0xFFFFF086  }
0x25: {  	[simem:s6], [sflag:s4] =	dma.local [hbm:s3], $0xF7A  }
0x26: {  	[smem:$0x3F9E] =	sst s1;
	(tag) =	ssettag s2;
	_ =	strace s9  }
0x27: {  	s1 =	sld [smem:$0x3FAE]  }
0x28: {  	s2 =	sld [smem:$0x3FAF]  }
0x29: {  	s4 =	sld [smem:$0x3FB1]  }
0x2a: {  	p0 =	seq.s32 s5, $0x0;
	s5 =	sld [smem:$0x3FB2]  }
0x2b: {  	s6 =	sld [smem:$0x3FB3]  }
0x2c: {  	s7 =	sld [smem:$0x3FB4]  }
0x2d: {  	s3 =	simm.s32 $0x108;
	s8 =	sld [smem:$0x3FB5]  }
0x2e: {  	s3 =	simm.s32 @!p0 $0x1082;
	s9 =	sld [smem:$0x3FB6]  }
0x2f: {  	lr =	sadd.s32 s0, s3;
	s0 =	sld [smem:$0x3FAD]  }
0x30: {  	s3 =	sld [smem:$0x3FB0]  }
0x31: {  	[smem:$0x3FB9] =	sst s10  }
0x32: {  	s10 =	sld [smem:$0x3FB7];
	_ =	sdelay $0x3  }
0x33: {  	p0 =	seq.s32 s10, $0x1;
	s10 =	sld [smem:$0x3FB9];
	_ =	sdelay $0x3  }
0x34: {  	[smem:$0x3FB9] =	sst s10  }
0x35: {  	s10 =	sld [smem:$0x3FB8];
	_ =	sdelay $0x3  }
0x36: {  	p1 =	seq.s32 s10, $0x1;
	s10 =	sld [smem:$0x3FB9];
	_ =	sdelay $0x3  }
0x37: {  	[smem:$0x3FB9] =	sst s10  }
0x38: {  	s10 =	sld [smem:$0x3FBA]  }
0x39: {  	_ = 	snop;
	(pc) =	sbr.ind lr, $3  }
0x3a: {  	_ = 	snop  }
0x3b: {  	_ = 	snop  }
0x3c: {  	p2 =	seq.s32 s10, $0x1;
	s10 =	sld [smem:$0x3FB9]  }
0x3d: {  	_ =	shalt  }
0x3e: {  	_ =	shalt  }
0x3f: {  	_ =	shalt  }
0x40: {  	_ =	shalt  }
0x41: {  	_ =	shalt  }
0x42: {  	_ =	shalt  }
0x43: {  	_ =	shalt  }
0x44: {  	_ =	shalt  }
0x45: {  	_ =	shalt  }
0x46: {  	_ =	shalt  }
0x47: {  	_ =	shalt  }
0x48: {  	_ =	shalt  }
0x49: {  	_ =	shalt  }
0x4a: {  	_ =	shalt  }
0x4b: {  	_ =	shalt  }
0x4c: {  	_ =	shalt  }
0x4d: {  	_ =	shalt  }
0x4e: {  	_ =	shalt  }
0x4f: {  	_ =	shalt  }
0x50: {  	_ =	shalt  }
0x51: {  	_ =	shalt  }
0x52: {  	_ =	shalt  }
0x53: {  	_ =	shalt  }
0x54: {  	_ =	shalt  }
0x55: {  	_ =	shalt  }
0x56: {  	_ =	shalt  }
0x57: {  	_ =	shalt  }
0x58: {  	_ =	shalt  }
0x59: {  	_ =	shalt  }
0x5a: {  	_ =	shalt  }
0x5b: {  	_ =	shalt  }
0x5c: {  	_ =	shalt  }
0x5d: {  	_ =	shalt  }
0x5e: {  	_ =	shalt  }
0x5f: {  	_ =	shalt  }
0x60: {  	_ =	shalt  }
0x61: {  	_ =	shalt  }
0x62: {  	_ =	shalt  }
0x63: {  	_ =	shalt  }
0x64: {  	_ =	shalt  }
0x65: {  	_ =	shalt  }
0x66: {  	_ =	shalt  }
0x67: {  	_ =	shalt  }
0x68: {  	_ =	shalt  }
0x69: {  	_ =	shalt  }
0x6a: {  	_ =	shalt  }
0x6b: {  	_ =	shalt  }
0x6c: {  	_ =	shalt  }
0x6d: {  	_ =	shalt  }
0x6e: {  	_ =	shalt  }
0x6f: {  	_ =	shalt  }
0x70: {  	_ =	shalt  }
0x71: {  	_ =	shalt  }
0x72: {  	_ =	shalt  }
0x73: {  	_ =	shalt  }
0x74: {  	_ =	shalt  }
0x75: {  	_ =	shalt  }
0x76: {  	_ =	shalt  }
0x77: {  	_ =	shalt  }
0x78: {  	_ =	shalt  }
0x79: {  	_ =	shalt  }
0x7a: {  	_ =	shalt  }
0x7b: {  	_ =	shalt  }
0x7c: {  	_ =	shalt  }
0x7d: {  	_ =	shalt  }
0x7e: {  	_ =	shalt  }
0x7f: {  	_ =	shalt  }
0x80: {  	_ =	shalt  }
0x81: {  	_ =	shalt  }
0x82: {  	_ =	shalt  }
0x83: {  	_ =	shalt  }
0x84: {  	_ =	shalt  }
0x85: {  	_ =	shalt  }
0x86: {  	_ =	shalt  }
0x87: {  	_ =	shalt  }
.Lfunc_end0:
.L_simem_size_0:
called_computation_lowered:
.L_overlay_start_0:
0x88: {  	s2 =	sld [smem:$0x3FD9]  }
0x89: {  	s3 =	sld [smem:$0x3FFE];
	_ =	sdelay $0x1  }
0x8a: {  	s1 =	srdreg.scid  }
0x8b: {  	s0 =	sand.u32 $0x1, s1  }
0x8c: {  	s16 =	sshll.u32 s0, $0xA;
	s2 =	sadd.s32 s3, s2  }
0x8d: {  	s2 =	sadd.s32 s2, s16  }
0x8e: {  	[smem:$0x3FC5] =	sst s2  }
0x8f: {  	_ = 	snop  }
0x90: {  	(tm) =	ssettm $0x1  }
0x91: {  	s17 =	sld [smem:$0x3FFB];
	_ =	sdelay $0x3  }
0x92: {  	_ =	strace s17  }
0x93: {  	s2 =	sld [smem:$0x3FFC];
	_ =	sdelay $0x3  }
0x94: {  	_ =	strace s2  }
0x95: {  	s2 =	sld [smem:$0x3FFD];
	_ =	sdelay $0x3  }
0x96: {  	_ =	strace s2  }
0x97: {  	_ =	strace $0x8FFFFFFF  }
0x98: {  	s18 =	sld [smem:$0x3FDB];
	_ =	sdelay $0x1  }
0x99: {  	s19 =	simm.s32 $_scs_section_size  }
0x9a: {  	s4 =	simm.s32 $_size__tile_overlayer_lowered;
	s5 =	simm.s32 $_tile_overlayer_lowered  }
0x9b: {  	s22 =	simm.s32 $0x1BFF;
	s21 =	sshll.u32 s5, $0x1;
	s2 =	sadd.s32 s19, s18  }
0x9c: {  	s6 =	simm.s32 $0x0;
	s20 =	sshll.u32 s4, $0x1;
	s4 =	sadd.s32 s21, s2  }
0x9d: {  	[timem:s6], [sflag:s22] =	dma.local [hbm:s4], s20  }
0x9e: {  	_ =	swait.ge [sflag:s22], s20  }
0x9f: {  	s3 =	ssub.s32 $0x0, s20;
	[sflag:s22] =	ssyncset.done $0x0  }
0xa0: {  	[sflag:s22] =	ssyncadd.s32 s3;
	_ =	sdelay $0x1  }
0xa1: {  	s23 =	simm.s32 $0x1B8B  }
0xa2: {  	_ =	swait.ge [sflag:s23], $0x1  }
0xa3: {  	[sflag:s23] =	ssyncset.done $0x0  }
0xa4: {  	s25 =	simm.s32 $0x1B8E;
	s24 =	sld [smem:$0x3FFE];
	[sflag:s23] =	ssyncadd.s32 $0xFFFFFFFF  }
0xa5: {  	s26 =	simm.s32 $execute0_lowered;
	[smem:$0x3FD2] =	sst s25  }
0xa6: {  	s4 =	sshll.u32 s26, $0x1;
	_ =	strace $0x80000046;
	[dreg:$0x1] =	wrdreg $0xFFFFFFFF  }
0xa7: {  	s28 =	simm.s32 $_size_execute0_lowered;
	s2 =	sadd.s32 s2, s4;
	[dreg:$0x0] =	wrdreg $0x0  }
0xa8: {  	s4 =	sshll.u32 s28, $0x1;
	[dreg:$0x2] =	wrdreg s2  }
0xa9: {  	[dreg:$0x3] =	wrdreg s4  }
0xaa: {  	[dreg:$0x4] =	wrdreg $0xC0  }
0xab: {  	_ =	task [dreg:s6], $0x5FFFF  }
0xac: {  	[dreg:$0x1] =	wrdreg $0xFFFFFFFF  }
0xad: {  	[dreg:$0x0] =	wrdreg $0x60  }
0xae: {  	[dreg:$0x2] =	wrdreg s24  }
0xaf: {  	[dreg:$0x3] =	wrdreg $0x9  }
0xb0: {  	_ =	task.clear_ibuf [dreg:s6], $0x4FFFF;
	_ =	strace $0x90000046  }
0xb1: {  	s29 =	simm.s32 $0x9;
	_ =	strace $0x80000048  }
0xb2: {  	_ =	swait.ge [sflag:s29], $0x1  }
0xb3: {  	[sflag:s29] =	ssyncadd.s32 $0xFFFFFFFF  }
0xb4: {  	_ =	strace $0x90000048  }
0xb5: {  	_ =	sfence  }
0xb6: {  	s30 =	sld [smem:$0x0];
	_ =	sdelay $0x2  }
0xb7: {  	s31 =	sshll.u32 s1, $0xD;
	s1 =	sshrl.u32 s1, $0x2  }
0xb8: {  	s3 =	sand.u32 $0x4000, s31;
	s1 =	sadd.s32 s1, s30  }
0xb9: {  	s0 =	sor.u32 s3, s0;
	s1 =	sshll.u32 s1, $0x11  }
0xba: {  	s0 =	sor.u32 s1, s0  }
0xbb: {  	s0 =	sadd.s32 $0x8F2B, s0  }
0xbc: {  	[sflag:s0] =	ssyncadd.remote.s32 $0x1  }
0xbd: {  	_ =	sfence.sel $0xFFFF  }
0xbe: {  	[dreg:$0x0] =	wrdreg $0xFFFFFFFF;
	(pc) =	sbr.abs _section_cstart, $3  }
0xbf: {  	[dreg:$0x1] =	wrdreg $0xFFFFFFFF  }
0xc0: {  	_ =	task.clear_ibuf [dreg:s6], $0x2FFFF;
	_ =	strace $0x9FFFFFFF  }
0xc1: {  	(tm) =	ssettm $0x7FFFFFFF  }
tec
execute0_lowered:
.L_overlay_start_1:
0x0: {  	(tag) =	ssettag $0x1  }
0x1: {  	s5 =	rddreg [dreg:$0x0]  }
0x2: {  	s0 =	rddreg [dreg:$0x1]  }
0x3: {  	s2 =	simm.s32 $0x0;
	s3 =	srdreg.scid;
	s1 =	stileid.u32  }
0x4: {  	s10 =	simm.s32 $0x1;
	s11 =	simm.s32 $0x2710;
	s12 =	simm.s32 $0x2  }
0x5: {  	s13 =	simm.s32 $0x3;
	s14 =	simm.s32 $0x6D60;
	s15 =	simm.s32 $0x0  }
0x6: {  	[smem:$0x7FF] =	sst s2;
	s6 =	sand.u32 $0x1, s3;
	s3 =	sadd.s32 $0x1000, s5  }
0x7: {  	s8 =	sshll.u32 s1, $0x1;
	s4 =	sadd.s32 $0x14A00, s5;
	s7 =	ssub.s32 $0x2, s6  }
0x8: {  	s5 =	sadd.s32 $0x11F4, s5;
	_ =	strace $0x80000047;
	s9 =	sshrl.u32 s7, $0x1  }
0x9: {  	s6 =	sor.u32 s6, s8;
	s8 =	simm.s32 $0x4E20;
	s7 =	ssub.s32 s7, s9  }
0xa: {  	v0 =	vimm.f32 $0.0e+00;
	s6 =	smul.u32 $0x5, s6;
	s9 =	simm.s32 $0x5DC0;
	s7 =	smax.u32 s7, $0x1  }
.LBB2_1:
0xb: {  	s16 =	simm.s32 $0x20  }
0xc: {  	[tilespmem:s16+$0xFFFFFFF0] =	vst v0  }
0xd: {  	[tilespmem:s16+$0xFFFFFFE0] =	vst v0  }
0xe: {  	[tilespmem:s16+$0x0] =	vst v0  }
0xf: {  	s17 =	simm.s32 $0x2730;
	[tilespmem:s16+$0x10] =	vst v0  }
0x10: {  	[tilespmem:s17+$0xFFFFFFE0] =	vst v0  }
0x11: {  	[tilespmem:s17+$0x10] =	vst v0  }
0x12: {  	s18 =	simm.s32 $0x0;
	[tilespmem:s17+$0x0] =	vst v0  }
.LBB2_2:
0x13: {  	s18 =	sadd.s32 $0x4, s18;
	[tilespmem:s17+$0xFFFFFFF0] =	vst v0;
	s16 =	sadd.s32 $0x40, s16;
	s17 =	sadd.s32 $0x40, s17  }
0x14: {  	[tilespmem:s16+$0xFFFFFFF0] =	vst v0;
	p0 =	slt.u32 s18, $0x26C  }
0x15: {  	[tilespmem:s16+$0xFFFFFFE0] =	vst v0  }
.Ltmp0:
0x16: {  	[tilespmem:s17+$0xFFFFFFE0] =	vst v0;
	(pc) =	sbr.rel @p0 .LBB2_2-.Ltmp0, $4  }
0x17: {  	[tilespmem:s16+$0x0] =	vst v0  }
0x18: {  	[tilespmem:s16+$0x10] =	vst v0  }
0x19: {  	[tilespmem:s17+$0x10] =	vst v0  }
0x1a: {  	[tilespmem:s17+$0x0] =	vst v0  }
0x1b: {  	[tilespmem:s17+$0xFFFFFFF0] =	vst v0  }
0x1c: {  	[tilespmem:$0x2700] =	vst v0  }
0x1d: {  	s16 =	simm.s32 $0x0;
	[tilespmem:$0x4E10] =	vst v0  }
0x1e: {  	[tilespmem:s8], [sflag:$0x1] =	stream.linear.gather [hbm4b:s3+s16], $0xFA0, $0x38;
	[tilespmem:$0x7530] =	vst v63  }
0x1f: {  	s17 =	simm.s32 $0x0  }
0x20: {  	[tilespmem:s9], [sflag:$0x2] =	stream.linear.gather [hbm4b:s5+s16], $0xFA0, $0x38;
	[tilespmem:$0x7530] =	vst v63  }
.LBB2_4:
0x21: {  	_ =	swait.ge [sflag:s10], $0xFA0  }
0x22: {  	[sflag:s10] =	ssyncset.done $0x0  }
0x23: {  	s18 =	simm.s32 $0x55F0;
	[sflag:s10] =	ssyncadd.s32 $0xFFFFF060  }
0x24: {  	v2 =	vld [tilespmem:s18+$0x10]  }
0x25: {  	v1 =	vld [tilespmem:s18+$0x20]  }
0x26: {  	v3 =	vld [tilespmem:s18+$0x30]  }
0x27: {  	v4 =	vld [tilespmem:s18+$0x0]  }
0x28: {  	v12 =	vld [tilespmem:s18+$0x50]  }
0x29: {  	v5 =	vld [tilespmem:s18+$0xFFFFF830]  }
0x2a: {  	v8 =	vld [tilespmem:s18+$0xFFFFF8A0]  }
0x2b: {  	v6 =	vld [tilespmem:s18+$0x60]  }
0x2c: {  	v7 =	vld [tilespmem:s18+$0x70]  }
0x2d: {  	v9 =	vld [tilespmem:s18+$0xFFFFF890]  }
0x2e: {  	v11 =	vld [tilespmem:s18+$0xFFFFF880];
	v10 =	vand.u32 $0x3FFF, v5  }
0x2f: {  	v13 =	vld [tilespmem:s18+$0xFFFFF870];
	v16 =	vand.u32 $0x3FFF, v8  }
0x30: {  	v14 =	vld [tilespmem:s18+$0xFFFFF860];
	v5 =	vshra.s32 v5, $0xE  }
0x31: {  	v15 =	vld [tilespmem:s18+$0xFFFFF850]  }
0x32: {  	v17 =	vld [tilespmem:s18+$0xFFFFF840];
	v18 =	vand.u32 $0x3FFF, v9  }
0x33: {  	[tilespmem:v10+s16+$0x0] =	vst.idx.add.f32.msk $0xffff, v4;
	v10 =	vand.u32 $0x3FFF, v11  }
0x34: {  	v8 =	vshra.s32 v8, $0xE;
	[tilespmem:v16+s16+$0x0] =	vst.idx.add.f32.msk $0xffff, v7  }
0x35: {  	v9 =	vshra.s32 v9, $0xE;
	[tilespmem:v5+s11+$0x0] =	vst.idx.add.f32.msk $0xffff, v4  }
0x36: {  	v19 =	vand.u32 $0x3FFF, v13;
	v4 =	vld [tilespmem:s18+$0x40]  }
0x37: {  	v63 =	vshra.s32 v11, $0xE;
	[tilespmem:v18+s16+$0x0] =	vst.idx.add.f32.msk $0xffff, v6  }
0x38: {  	[tilespmem:v10+s16+$0x0] =	vst.idx.add.f32.msk $0xffff, v12;
	v10 =	vand.u32 $0x3FFF, v14  }
0x39: {  	[tilespmem:v8+s11+$0x0] =	vst.idx.add.f32.msk $0xffff, v7;
	v5 =	vshra.s32 v13, $0xE  }
0x3a: {  	[tilespmem:v9+s11+$0x0] =	vst.idx.add.f32.msk $0xffff, v6;
	v7 =	vshra.s32 v14, $0xE  }
0x3b: {  	v6 =	vand.u32 $0x3FFF, v15;
	[tilespmem:v19+s16+$0x0] =	vst.idx.add.f32.msk $0xffff, v4  }
0x3c: {  	s19 =	simm.s32 $0x0;
	s20 =	simm.s32 $0x0;
	v11 =	vshra.s32 v15, $0xE;
	v8 =	vand.u32 $0x3FFF, v17;
	v9 =	vshra.s32 v17, $0xE;
	[tilespmem:v63+s11+$0x0] =	vst.idx.add.f32.msk $0xffff, v12  }
.LBB2_5:
0x3d: {  	s19 =	sadd.s32 $0x8, s19;
	[tilespmem:v10+s20+$0x0] =	vst.idx.add.f32.msk $0xffff, v3;
	s18 =	sadd.s32 $0x80, s18  }
0x3e: {  	p0 =	slt.u32 s19, $0x70;
	[tilespmem:v5+s11+$0x0] =	vst.idx.add.f32.msk $0xffff, v4  }
0x3f: {  	[tilespmem:v7+s11+$0x0] =	vst.idx.add.f32.msk $0xffff, v3  }
0x40: {  	[tilespmem:v6+s20+$0x0] =	vst.idx.add.f32.msk $0xffff, v1  }
0x41: {  	[tilespmem:v8+s20+$0x0] =	vst.idx.add.f32.msk $0xffff, v2  }
0x42: {  	[tilespmem:v9+s11+$0x0] =	vst.idx.add.f32.msk $0xffff, v2  }
0x43: {  	[tilespmem:v11+s11+$0x0] =	vst.idx.add.f32.msk $0xffff, v1  }
0x44: {  	v2 =	vld [tilespmem:s18+$0x10]  }
0x45: {  	v1 =	vld [tilespmem:s18+$0x20]  }
0x46: {  	v3 =	vld [tilespmem:s18+$0x30]  }
0x47: {  	v4 =	vld [tilespmem:s18+$0x0]  }
0x48: {  	v12 =	vld [tilespmem:s18+$0x50]  }
0x49: {  	v5 =	vld [tilespmem:s18+$0xFFFFF830]  }
0x4a: {  	v11 =	vld [tilespmem:s18+$0x60]  }
0x4b: {  	v13 =	vld [tilespmem:s18+$0x70]  }
0x4c: {  	v6 =	vld [tilespmem:s18+$0xFFFFF8A0]  }
0x4d: {  	v7 =	vld [tilespmem:s18+$0xFFFFF890]  }
0x4e: {  	v8 =	vand.u32 $0x3FFF, v5;
	v9 =	vld [tilespmem:s18+$0xFFFFF880]  }
0x4f: {  	v5 =	vshra.s32 v5, $0xE;
	v10 =	vld [tilespmem:s18+$0xFFFFF870]  }
0x50: {  	v14 =	vld [tilespmem:s18+$0xFFFFF860]  }
0x51: {  	v15 =	vld [tilespmem:s18+$0xFFFFF850];
	v16 =	vand.u32 $0x3FFF, v6  }
0x52: {  	s20 =	simm.s32 $0x0;
	v19 =	vshra.s32 v6, $0xE;
	v17 =	vld [tilespmem:s18+$0xFFFFF840];
	v18 =	vand.u32 $0x3FFF, v7  }
0x53: {  	v21 =	vshra.s32 v7, $0xE;
	[tilespmem:v8+s20+$0x0] =	vst.idx.add.f32.msk $0xffff, v4;
	v20 =	vand.u32 $0x3FFF, v9  }
0x54: {  	v23 =	vshra.s32 v9, $0xE;
	[tilespmem:v5+s11+$0x0] =	vst.idx.add.f32.msk $0xffff, v4;
	v5 =	vshra.s32 v10, $0xE;
	v22 =	vand.u32 $0x3FFF, v10  }
0x55: {  	v10 =	vand.u32 $0x3FFF, v14;
	v4 =	vld [tilespmem:s18+$0x40]  }
0x56: {  	v7 =	vshra.s32 v14, $0xE;
	v6 =	vand.u32 $0x3FFF, v15;
	[tilespmem:v16+s20+$0x0] =	vst.idx.add.f32.msk $0xffff, v13  }
0x57: {  	v8 =	vand.u32 $0x3FFF, v17;
	[tilespmem:v18+s20+$0x0] =	vst.idx.add.f32.msk $0xffff, v11  }
.Ltmp1:
0x58: {  	v9 =	vshra.s32 v17, $0xE;
	[tilespmem:v19+s11+$0x0] =	vst.idx.add.f32.msk $0xffff, v13;
	(pc) =	sbr.rel @p0 .LBB2_5-.Ltmp1, $4  }
0x59: {  	[tilespmem:v20+s20+$0x0] =	vst.idx.add.f32.msk $0xffff, v12  }
0x5a: {  	[tilespmem:v21+s11+$0x0] =	vst.idx.add.f32.msk $0xffff, v11  }
0x5b: {  	v11 =	vshra.s32 v15, $0xE;
	[tilespmem:v22+s20+$0x0] =	vst.idx.add.f32.msk $0xffff, v4  }
0x5c: {  	[tilespmem:v23+s11+$0x0] =	vst.idx.add.f32.msk $0xffff, v12  }
0x5d: {  	_ =	sdelay $0x3  }
0x5e: {  	[tilespmem:v10+s20+$0x0] =	vst.idx.add.f32.msk $0xffff, v3  }
0x5f: {  	[tilespmem:v5+s11+$0x0] =	vst.idx.add.f32.msk $0xffff, v4  }
0x60: {  	[tilespmem:v6+s20+$0x0] =	vst.idx.add.f32.msk $0xffff, v1  }
0x61: {  	[tilespmem:v8+s20+$0x0] =	vst.idx.add.f32.msk $0xffff, v2  }
0x62: {  	[tilespmem:v7+s11+$0x0] =	vst.idx.add.f32.msk $0xffff, v3  }
0x63: {  	[tilespmem:v9+s11+$0x0] =	vst.idx.add.f32.msk $0xffff, v2  }
0x64: {  	[tilespmem:v11+s11+$0x0] =	vst.idx.add.f32.msk $0xffff, v1  }
.LBB2_7:
0x65: {  	s18 =	sshra.s32 s20, $0x2  }
0x66: {  	v1 =	vld [tilespmem:s18+$0x55A0];
	_ =	sdelay $0x4  }
0x67: {  	v2 =	vld [tilespmem:s18+$0x5D70];
	v3 =	vand.u32 $0x3FFF, v1  }
0x68: {  	p0 =	sne.s32 s20, $0x100;
	v1 =	vshra.s32 v1, $0xE  }
.Ltmp2:
0x69: {  	_ = 	snop;
	(pc) =	sbr.rel @p0 .LBB2_7-.Ltmp2, $3  }
0x6a: {  	_ =	sdelay $0x1  }
0x6b: {  	[tilespmem:v3+s2+$0x0] =	vst.idx.add.f32.msk $0xffff, v2  }
0x6c: {  	s20 =	sadd.s32 $0x40, s20;
	[tilespmem:v1+s11+$0x0] =	vst.idx.add.f32.msk $0xffff, v2  }
0x6d: {  	s18 =	sshll.u32 s17, $0x1  }
0x6e: {  	s19 =	sadd.s32 $0x2, s18  }
0x6f: {  	s20 =	smul.u32 $0x1F4, s19  }
0x70: {  	p0 =	seq.s32 s19, $0xA0  }
0x71: {  	s20 =	simm.s32 @p0 $0x0  }
0x72: {  	s31 =	sadd.s32 s3, s20  }
0x73: {  	[tilespmem:s8], [sflag:$0x1] =	stream.linear.gather [hbm4b:s31+s2], $0xFA0, $0x38;
	[tilespmem:$0x7530] =	vst v63  }
0x74: {  	_ =	swait.ge [sflag:s12], $0xFA0  }
0x75: {  	[sflag:s12] =	ssyncset.done $0x0  }
0x76: {  	s20 =	simm.s32 $0x6590;
	[sflag:s12] =	ssyncadd.s32 $0xFFFFF060  }
0x77: {  	v2 =	vld [tilespmem:s20+$0x10]  }
0x78: {  	v1 =	vld [tilespmem:s20+$0x20]  }
0x79: {  	v3 =	vld [tilespmem:s20+$0x30]  }
0x7a: {  	v4 =	vld [tilespmem:s20+$0x0]  }
0x7b: {  	v12 =	vld [tilespmem:s20+$0x50]  }
0x7c: {  	v5 =	vld [tilespmem:s20+$0xFFFFF830]  }
0x7d: {  	v8 =	vld [tilespmem:s20+$0xFFFFF8A0]  }
0x7e: {  	v6 =	vld [tilespmem:s20+$0x60]  }
0x7f: {  	v7 =	vld [tilespmem:s20+$0x70]  }
0x80: {  	v9 =	vld [tilespmem:s20+$0xFFFFF890]  }
0x81: {  	v11 =	vld [tilespmem:s20+$0xFFFFF880];
	v10 =	vand.u32 $0x3FFF, v5  }
0x82: {  	v13 =	vld [tilespmem:s20+$0xFFFFF870];
	v16 =	vand.u32 $0x3FFF, v8  }
0x83: {  	v14 =	vld [tilespmem:s20+$0xFFFFF860];
	v5 =	vshra.s32 v5, $0xE  }
0x84: {  	v15 =	vld [tilespmem:s20+$0xFFFFF850]  }
0x85: {  	s19 =	simm.s32 $0x0;
	v17 =	vld [tilespmem:s20+$0xFFFFF840];
	v18 =	vand.u32 $0x3FFF, v9  }
0x86: {  	[tilespmem:v10+s19+$0x0] =	vst.idx.add.f32.msk $0xffff, v4;
	v10 =	vand.u32 $0x3FFF, v11  }
0x87: {  	v8 =	vshra.s32 v8, $0xE;
	[tilespmem:v16+s19+$0x0] =	vst.idx.add.f32.msk $0xffff, v7  }
0x88: {  	v9 =	vshra.s32 v9, $0xE;
	[tilespmem:v5+s11+$0x0] =	vst.idx.add.f32.msk $0xffff, v4  }
0x89: {  	v19 =	vand.u32 $0x3FFF, v13;
	v4 =	vld [tilespmem:s20+$0x40]  }
0x8a: {  	v63 =	vshra.s32 v11, $0xE;
	[tilespmem:v18+s19+$0x0] =	vst.idx.add.f32.msk $0xffff, v6  }
0x8b: {  	[tilespmem:v10+s19+$0x0] =	vst.idx.add.f32.msk $0xffff, v12;
	v10 =	vand.u32 $0x3FFF, v14  }
0x8c: {  	[tilespmem:v8+s11+$0x0] =	vst.idx.add.f32.msk $0xffff, v7;
	v5 =	vshra.s32 v13, $0xE  }
0x8d: {  	[tilespmem:v9+s11+$0x0] =	vst.idx.add.f32.msk $0xffff, v6;
	v7 =	vshra.s32 v14, $0xE  }
0x8e: {  	v6 =	vand.u32 $0x3FFF, v15;
	[tilespmem:v19+s19+$0x0] =	vst.idx.add.f32.msk $0xffff, v4  }
0x8f: {  	s21 =	simm.s32 $0x0;
	v11 =	vshra.s32 v15, $0xE;
	v8 =	vand.u32 $0x3FFF, v17;
	v9 =	vshra.s32 v17, $0xE;
	[tilespmem:v63+s11+$0x0] =	vst.idx.add.f32.msk $0xffff, v12  }
.LBB2_9:
0x90: {  	s21 =	sadd.s32 $0x8, s21;
	[tilespmem:v10+s19+$0x0] =	vst.idx.add.f32.msk $0xffff, v3;
	s20 =	sadd.s32 $0x80, s20  }
0x91: {  	p0 =	slt.u32 s21, $0x70;
	[tilespmem:v5+s11+$0x0] =	vst.idx.add.f32.msk $0xffff, v4  }
0x92: {  	[tilespmem:v7+s11+$0x0] =	vst.idx.add.f32.msk $0xffff, v3  }
0x93: {  	[tilespmem:v6+s19+$0x0] =	vst.idx.add.f32.msk $0xffff, v1  }
0x94: {  	[tilespmem:v8+s19+$0x0] =	vst.idx.add.f32.msk $0xffff, v2  }
0x95: {  	[tilespmem:v9+s11+$0x0] =	vst.idx.add.f32.msk $0xffff, v2  }
0x96: {  	[tilespmem:v11+s11+$0x0] =	vst.idx.add.f32.msk $0xffff, v1  }
0x97: {  	v2 =	vld [tilespmem:s20+$0x10]  }
0x98: {  	v1 =	vld [tilespmem:s20+$0x20]  }
0x99: {  	v3 =	vld [tilespmem:s20+$0x30]  }
0x9a: {  	v4 =	vld [tilespmem:s20+$0x0]  }
0x9b: {  	v12 =	vld [tilespmem:s20+$0x50]  }
0x9c: {  	v5 =	vld [tilespmem:s20+$0xFFFFF830]  }
0x9d: {  	v11 =	vld [tilespmem:s20+$0x60]  }
0x9e: {  	v13 =	vld [tilespmem:s20+$0x70]  }
0x9f: {  	v6 =	vld [tilespmem:s20+$0xFFFFF8A0]  }
0xa0: {  	v7 =	vld [tilespmem:s20+$0xFFFFF890]  }
0xa1: {  	v8 =	vand.u32 $0x3FFF, v5;
	v9 =	vld [tilespmem:s20+$0xFFFFF880]  }
0xa2: {  	v5 =	vshra.s32 v5, $0xE;
	v10 =	vld [tilespmem:s20+$0xFFFFF870]  }
0xa3: {  	v14 =	vld [tilespmem:s20+$0xFFFFF860]  }
0xa4: {  	v15 =	vld [tilespmem:s20+$0xFFFFF850];
	v16 =	vand.u32 $0x3FFF, v6  }
0xa5: {  	v19 =	vshra.s32 v6, $0xE;
	v17 =	vld [tilespmem:s20+$0xFFFFF840];
	v18 =	vand.u32 $0x3FFF, v7  }
0xa6: {  	v21 =	vshra.s32 v7, $0xE;
	[tilespmem:v8+s19+$0x0] =	vst.idx.add.f32.msk $0xffff, v4;
	v20 =	vand.u32 $0x3FFF, v9  }
0xa7: {  	v23 =	vshra.s32 v9, $0xE;
	[tilespmem:v5+s11+$0x0] =	vst.idx.add.f32.msk $0xffff, v4;
	v5 =	vshra.s32 v10, $0xE;
	v22 =	vand.u32 $0x3FFF, v10  }
0xa8: {  	v10 =	vand.u32 $0x3FFF, v14;
	v4 =	vld [tilespmem:s20+$0x40]  }
0xa9: {  	v7 =	vshra.s32 v14, $0xE;
	v6 =	vand.u32 $0x3FFF, v15;
	[tilespmem:v16+s19+$0x0] =	vst.idx.add.f32.msk $0xffff, v13  }
0xaa: {  	v8 =	vand.u32 $0x3FFF, v17;
	[tilespmem:v18+s19+$0x0] =	vst.idx.add.f32.msk $0xffff, v11  }
.Ltmp3:
0xab: {  	v9 =	vshra.s32 v17, $0xE;
	[tilespmem:v19+s11+$0x0] =	vst.idx.add.f32.msk $0xffff, v13;
	(pc) =	sbr.rel @p0 .LBB2_9-.Ltmp3, $4  }
0xac: {  	[tilespmem:v20+s19+$0x0] =	vst.idx.add.f32.msk $0xffff, v12  }
0xad: {  	[tilespmem:v21+s11+$0x0] =	vst.idx.add.f32.msk $0xffff, v11  }
0xae: {  	v11 =	vshra.s32 v15, $0xE;
	[tilespmem:v22+s19+$0x0] =	vst.idx.add.f32.msk $0xffff, v4  }
0xaf: {  	[tilespmem:v23+s11+$0x0] =	vst.idx.add.f32.msk $0xffff, v12  }
0xb0: {  	_ =	sdelay $0x3  }
0xb1: {  	[tilespmem:v10+s19+$0x0] =	vst.idx.add.f32.msk $0xffff, v3  }
0xb2: {  	[tilespmem:v5+s11+$0x0] =	vst.idx.add.f32.msk $0xffff, v4  }
0xb3: {  	[tilespmem:v6+s19+$0x0] =	vst.idx.add.f32.msk $0xffff, v1  }
0xb4: {  	[tilespmem:v8+s19+$0x0] =	vst.idx.add.f32.msk $0xffff, v2  }
0xb5: {  	[tilespmem:v7+s11+$0x0] =	vst.idx.add.f32.msk $0xffff, v3  }
0xb6: {  	[tilespmem:v9+s11+$0x0] =	vst.idx.add.f32.msk $0xffff, v2  }
0xb7: {  	[tilespmem:v11+s11+$0x0] =	vst.idx.add.f32.msk $0xffff, v1  }
.LBB2_11:
0xb8: {  	s20 =	sshra.s32 s19, $0x2  }
0xb9: {  	v1 =	vld [tilespmem:s20+$0x6540];
	_ =	sdelay $0x4  }
0xba: {  	v2 =	vld [tilespmem:s20+$0x6D10];
	v3 =	vand.u32 $0x3FFF, v1  }
0xbb: {  	p0 =	sne.s32 s19, $0x100;
	v1 =	vshra.s32 v1, $0xE  }
.Ltmp4:
0xbc: {  	_ = 	snop;
	(pc) =	sbr.rel @p0 .LBB2_11-.Ltmp4, $3  }
0xbd: {  	_ =	sdelay $0x1  }
0xbe: {  	[tilespmem:v3+s2+$0x0] =	vst.idx.add.f32.msk $0xffff, v2  }
0xbf: {  	s19 =	sadd.s32 $0x40, s19;
	[tilespmem:v1+s11+$0x0] =	vst.idx.add.f32.msk $0xffff, v2  }
0xc0: {  	s18 =	sadd.s32 $0x3, s18  }
0xc1: {  	s19 =	smulhi.u32 $0x66666667, s18;
	_ =	sdelay $0x1  }
0xc2: {  	s19 =	sshrl.u32 s19, $0x6  }
0xc3: {  	s17 =	sadd.s32 $0x1, s17;
	s19 =	smul.u32 $0xA0, s19  }
0xc4: {  	p0 =	sne.s32 s17, $0x50  }
.Ltmp5:
0xc5: {  	s18 =	ssub.s32 s18, s19;
	(pc) =	sbr.rel @p0 .LBB2_4-.Ltmp5, $3  }
0xc6: {  	s18 =	smul.u32 $0x1F4, s18;
	_ =	sdelay $0x1  }
0xc7: {  	s18 =	sadd.s32 s3, s18  }
0xc8: {  	[tilespmem:s9], [sflag:$0x2] =	stream.linear.gather [hbm4b:s18+s2], $0xFA0, $0x38;
	[tilespmem:$0x7530] =	vst v63  }
0xc9: {  	_ =	swait.ge [sflag:s10], $0xFA0  }
0xca: {  	[sflag:s10] =	ssyncset.done $0x0  }
0xcb: {  	[sflag:s10] =	ssyncadd.s32 $0xFFFFF060  }
0xcc: {  	_ =	swait.ge [sflag:s12], $0xFA0  }
0xcd: {  	[sflag:s12] =	ssyncset.done $0x0  }
0xce: {  	s16 =	simm.s32 $0x0;
	[sflag:s12] =	ssyncadd.s32 $0xFFFFF060  }
.LBB2_14:
0xcf: {  	s17 =	sadd.s32 s6, s16  }
0xd0: {  	s18 =	smul.u32 $0x1F4, s17;
	_ =	sdelay $0x1  }
0xd1: {  	s18 =	sadd.s32 s3, s18  }
0xd2: {  	[tilespmem:s8], [sflag:$0x3] =	stream.linear.gather [hbm4b:s18+s2], $0xFA0, $0x38;
	[tilespmem:$0x7530] =	vst v63  }
0xd3: {  	_ =	swait.ge [sflag:s13], $0xFA0  }
0xd4: {  	[sflag:s13] =	ssyncset.done $0x0  }
0xd5: {  	s21 =	simm.s32 $0x5620;
	[sflag:s13] =	ssyncadd.s32 $0xFFFFF060  }
0xd6: {  	v1 =	vld [tilespmem:s21+$0xFFFFF800];
	_ =	sdelay $0x1  }
0xd7: {  	v2 =	vld [tilespmem:s21+$0xFFFFF820]  }
0xd8: {  	v3 =	vld [tilespmem:s21+$0xFFFFF810];
	_ =	sdelay $0x1  }
0xd9: {  	v5 =	vshra.s32 v1, $0xE  }
0xda: {  	v1 =	vand.u32 $0x3FFF, v1  }
0xdb: {  	v4 =	vld [tilespmem:s21+$0xFFFFF830];
	v6 =	vand.u32 $0x3FFF, v2  }
0xdc: {  	v7 =	vshra.s32 v3, $0xE  }
0xdd: {  	v3 =	vand.u32 $0x3FFF, v3  }
0xde: {  	v2 =	vshra.s32 v2, $0xE;
	v5 =	vld.idx.msk [tilespmem:v5+s11+$0x0], $0xffff  }
0xdf: {  	v1 =	vld.idx.msk [tilespmem:v1+s2+$0x0], $0xffff  }
0xe0: {  	v8 =	vand.u32 $0x3FFF, v4;
	v6 =	vld.idx.msk [tilespmem:v6+s2+$0x0], $0xffff  }
0xe1: {  	v4 =	vshra.s32 v4, $0xE;
	v7 =	vld.idx.msk [tilespmem:v7+s11+$0x0], $0xffff  }
0xe2: {  	v3 =	vld.idx.msk [tilespmem:v3+s2+$0x0], $0xffff  }
0xe3: {  	s18 =	simm.s32 $0x5660;
	v2 =	vld.idx.msk [tilespmem:v2+s11+$0x0], $0xffff  }
0xe4: {  	v9 =	vld [tilespmem:s18+$0xFFFFF810]  }
0xe5: {  	v8 =	vld.idx.msk [tilespmem:v8+s2+$0x0], $0xffff  }
0xe6: {  	v4 =	vld.idx.msk [tilespmem:v4+s11+$0x0], $0xffff  }
0xe7: {  	v1 =	vmul.f32 v5, v1  }
0xe8: {  	v3 =	vmul.f32 v7, v3;
	v2 =	vmul.f32 v2, v6  }
0xe9: {  	v17 =	vshra.s32 v9, $0xE;
	v5 =	vld [tilespmem:s18+$0xFFFFF800];
	v1 =	vadd.f32 $9.999999930e-09, v1  }
0xea: {  	v9 =	vand.u32 $0x3FFF, v9;
	v3 =	vadd.f32 $9.999999930e-09, v3;
	v2 =	vadd.f32 $9.999999930e-09, v2  }
0xeb: {  	v4 =	vmul.f32 v4, v8;
	v7 =	vld [tilespmem:s18+$0xFFFFF820];
	v6 =	vshra.s32 v1, $0x1;
	v1 =	vmul.f32 $5.000000000e-01, v1  }
0xec: {  	v8 =	vshra.s32 v3, $0x1;
	v3 =	vmul.f32 $5.000000000e-01, v3;
	v10 =	vmul.f32 $5.000000000e-01, v2  }
0xed: {  	v2 =	vshra.s32 v2, $0x1;
	v6 =	vsub.s32 $0x5F3759DF, v6;
	v8 =	vsub.s32 $0x5F3759DF, v8  }
0xee: {  	v14 =	vshra.s32 v5, $0xE;
	v5 =	vand.u32 $0x3FFF, v5;
	v11 =	vmul.f32 v6, v1  }
0xef: {  	s19 =	simm.s32 $0x56A0;
	v15 =	vld [tilespmem:s18+$0xFFFFF830];
	v4 =	vadd.f32 $9.999999930e-09, v4;
	v2 =	vsub.s32 $0x5F3759DF, v2;
	v12 =	vmul.f32 v8, v3  }
0xf0: {  	v21 =	vld [tilespmem:s19+$0xFFFFF820];
	v16 =	vand.u32 $0x3FFF, v7;
	v18 =	vmul.f32 v2, v10;
	v11 =	vmul.f32 v6, v11  }
0xf1: {  	v17 =	vld.idx.msk [tilespmem:v17+s11+$0x0], $0xffff;
	v7 =	vshra.s32 v7, $0xE;
	v12 =	vmul.f32 v8, v12  }
0xf2: {  	v9 =	vld.idx.msk [tilespmem:v9+s2+$0x0], $0xffff;
	v13 =	vshra.s32 v4, $0x1;
	v18 =	vmul.f32 v2, v18;
	v11 =	vsub.f32 $1.500000000e+00, v11  }
0xf3: {  	v4 =	vmul.f32 $5.000000000e-01, v4;
	v13 =	vsub.s32 $0x5F3759DF, v13;
	v12 =	vsub.f32 $1.500000000e+00, v12;
	v5 =	vld.idx.msk [tilespmem:v5+s2+$0x0], $0xffff  }
0xf4: {  	v18 =	vsub.f32 $1.500000000e+00, v18;
	v6 =	vmul.f32 v6, v11;
	v11 =	vld.idx.msk [tilespmem:v14+s11+$0x0], $0xffff;
	v14 =	vand.u32 $0x3FFF, v15  }
0xf5: {  	v16 =	vld.idx.msk [tilespmem:v16+s2+$0x0], $0xffff;
	v8 =	vmul.f32 v8, v12;
	v12 =	vshra.s32 v15, $0xE;
	v15 =	vmul.f32 v13, v4  }
0xf6: {  	v18 =	vmul.f32 v2, v18;
	v2 =	vld.idx.msk [tilespmem:v7+s11+$0x0], $0xffff;
	v19 =	vmul.f32 v6, v1  }
0xf7: {  	v9 =	vmul.f32 v17, v9;
	v20 =	vmul.f32 v8, v3  }
0xf8: {  	v15 =	vmul.f32 v13, v15;
	v19 =	vmul.f32 v19, v6  }
0xf9: {  	v26 =	vshra.s32 v21, $0xE;
	v9 =	vadd.f32 $9.999999930e-09, v9;
	v20 =	vmul.f32 v20, v8;
	v7 =	vld.idx.msk [tilespmem:v14+s2+$0x0], $0xffff  }
0xfa: {  	v14 =	vsub.f32 $1.500000000e+00, v15;
	v5 =	vmul.f32 v11, v5;
	v12 =	vld.idx.msk [tilespmem:v12+s11+$0x0], $0xffff;
	v11 =	vsub.f32 $1.500000000e+00, v19  }
0xfb: {  	v2 =	vmul.f32 v2, v16;
	v15 =	vsub.f32 $1.500000000e+00, v20;
	v19 =	vmul.f32 v18, v10  }
0xfc: {  	v13 =	vmul.f32 v13, v14;
	v5 =	vadd.f32 $9.999999930e-09, v5;
	v6 =	vmul.f32 v11, v6  }
0xfd: {  	v2 =	vadd.f32 $9.999999930e-09, v2;
	v11 =	vmul.f32 v19, v18;
	v8 =	vmul.f32 v15, v8  }
0xfe: {  	v14 =	vshra.s32 v5, $0x1;
	v15 =	vmul.f32 v13, v4;
	v20 =	vmul.f32 $5.000000000e-01, v5  }
0xff: {  	v16 =	vld [tilespmem:s19+$0xFFFFF800];
	v14 =	vsub.s32 $0x5F3759DF, v14;
	v7 =	vmul.f32 v12, v7;
	v12 =	vshra.s32 v9, $0x1  }
0x100: {  	v9 =	vmul.f32 $5.000000000e-01, v9;
	v3 =	vmul.f32 v8, v3;
	v11 =	vsub.f32 $1.500000000e+00, v11  }
0x101: {  	v5 =	vmul.f32 v15, v13;
	v12 =	vsub.s32 $0x5F3759DF, v12;
	v15 =	vmul.f32 v6, v1  }
0x102: {  	v1 =	vmul.f32 $5.000000000e-01, v2;
	v22 =	vmul.f32 v14, v20;
	v2 =	vshra.s32 v2, $0x1  }
0x103: {  	v23 =	vld [tilespmem:s19+$0xFFFFF810];
	v7 =	vadd.f32 $9.999999930e-09, v7;
	v17 =	vmul.f32 v12, v9;
	v24 =	vsub.s32 $0x5F3759DF, v2  }
0x104: {  	v11 =	vmul.f32 v11, v18;
	v18 =	vshra.s32 v16, $0xE;
	v16 =	vand.u32 $0x3FFF, v16  }
0x105: {  	v3 =	vmul.f32 v3, v8;
	v5 =	vsub.f32 $1.500000000e+00, v5;
	v22 =	vmul.f32 v14, v22  }
0x106: {  	v25 =	vld [tilespmem:s19+$0xFFFFF830];
	v15 =	vmul.f32 v15, v6;
	v19 =	vshra.s32 v7, $0x1;
	v17 =	vmul.f32 v12, v17  }
0x107: {  	v2 =	vmul.f32 $5.000000000e-01, v7;
	v10 =	vmul.f32 v11, v10;
	v3 =	vsub.f32 $1.500000000e+00, v3  }
0x108: {  	v22 =	vsub.f32 $1.500000000e+00, v22;
	v27 =	vmul.f32 v5, v13;
	v13 =	vshra.s32 v23, $0xE  }
0x109: {  	v23 =	vand.u32 $0x3FFF, v23;
	v7 =	vsub.f32 $1.500000000e+00, v17;
	v17 =	vmul.f32 v24, v1  }
0x10a: {  	v19 =	vsub.s32 $0x5F3759DF, v19;
	v58 =	vmul.f32 v3, v8;
	v14 =	vmul.f32 v14, v22;
	v22 =	vld [tilespmem:s21+$0xFFFFFFE0]  }
0x10b: {  	v18 =	vld.idx.msk [tilespmem:v18+s11+$0x0], $0xffff;
	v4 =	vmul.f32 v27, v4;
	v5 =	vmul.f32 v24, v17;
	v17 =	vand.u32 $0x3FFF, v25  }
0x10c: {  	v21 =	vand.u32 $0x3FFF, v21;
	v16 =	vld.idx.msk [tilespmem:v16+s2+$0x0], $0xffff;
	v12 =	vmul.f32 v12, v7;
	v7 =	vmul.f32 v19, v2  }
0x10d: {  	v28 =	vmul.f32 v14, v20;
	v4 =	vmul.f32 v4, v27;
	v5 =	vsub.f32 $1.500000000e+00, v5;
	v13 =	vld.idx.msk [tilespmem:v13+s11+$0x0], $0xffff  }
0x10e: {  	v25 =	vshra.s32 v25, $0xE;
	v29 =	vmul.f32 v12, v9;
	v30 =	vmul.f32 v19, v7;
	v23 =	vld.idx.msk [tilespmem:v23+s2+$0x0], $0xffff  }
0x10f: {  	v56 =	vmul.f32 v28, v14;
	v7 =	vmul.f32 v24, v5  }
0x110: {  	v5 =	vmul.f32 v10, v11;
	v10 =	vsub.f32 $1.500000000e+00, v15;
	v15 =	vld.idx.msk [tilespmem:v17+s2+$0x0], $0xffff;
	v17 =	vsub.f32 $1.500000000e+00, v30  }
0x111: {  	v21 =	vld.idx.msk [tilespmem:v21+s2+$0x0], $0xffff;
	v61 =	vsub.f32 $1.500000000e+00, v4;
	v29 =	vmul.f32 v29, v12;
	v3 =	vmul.f32 v18, v16  }
0x112: {  	v26 =	vld.idx.msk [tilespmem:v26+s11+$0x0], $0xffff;
	v57 =	vmul.f32 v7, v1;
	v5 =	vsub.f32 $1.500000000e+00, v5;
	v8 =	vmul.f32 v19, v17  }
0x113: {  	v16 =	vsub.f32 $1.500000000e+00, v56;
	v59 =	vld.idx.msk [tilespmem:v25+s11+$0x0], $0xffff;
	v13 =	vmul.f32 v13, v23;
	v23 =	vmul.f32 v58, v22  }
0x114: {  	v18 =	vsub.f32 $1.500000000e+00, v29;
	v22 =	vmul.f32 v61, v27;
	v60 =	vmul.f32 v5, v11  }
0x115: {  	v11 =	vadd.f32 $9.999999930e-09, v3;
	v3 =	vmul.f32 v16, v14;
	v14 =	vmul.f32 v57, v7  }
0x116: {  	v5 =	vmul.f32 v18, v12;
	v12 =	vmul.f32 v10, v6  }
0x117: {  	v62 =	vld [tilespmem:s21+$0xFFFFFFF0];
	v6 =	vmul.f32 v26, v21;
	v16 =	vmul.f32 v8, v2;
	v63 =	vadd.f32 $9.999999930e-09, v13  }
0x118: {  	v21 =	vld [tilespmem:s21+$0x0];
	v4 =	vshra.s32 v11, $0x1;
	v15 =	vmul.f32 v59, v15;
	v13 =	vsub.f32 $1.500000000e+00, v14  }
0x119: {  	v10 =	vsub.s32 $0x5F3759DF, v4;
	v4 =	vmul.f32 $5.000000000e-01, v11;
	v18 =	vmul.f32 v16, v8  }
0x11a: {  	v19 =	vadd.f32 $9.999999930e-09, v6;
	v16 =	vmul.f32 v5, v9;
	v11 =	vmul.f32 v3, v20;
	v20 =	vld [tilespmem:s21+$0xFFFFFFD0]  }
0x11b: {  	s22 =	simm.s32 $0x6D80;
	s23 =	simm.s32 $0x8;
	v9 =	vshra.s32 v63, $0x1;
	v6 =	vmul.f32 $5.000000000e-01, v63;
	v17 =	vadd.f32 $9.999999930e-09, v15  }
0x11c: {  	s20 =	simm.s32 $0x6DC0;
	s24 =	simm.s32 $0x56E0;
	[tilespmem:s22+$0xFFFFFFF0] =	vst v23;
	v14 =	vmul.f32 v60, v62;
	s21 =	simm.s32 $0x6DC0;
	v15 =	vsub.s32 $0x5F3759DF, v9;
	v9 =	vmul.f32 $5.000000000e-01, v19  }
.LBB2_15:
0x11d: {  	v23 =	vld [tilespmem:s24+$0xFFFFF800];
	s23 =	sadd.s32 $0x4, s23;
	v24 =	vmul.f32 v15, v6;
	v25 =	vshra.s32 v17, $0x1;
	s20 =	sadd.s32 $0x40, s20;
	v21 =	vmul.f32 v22, v21  }
0x11e: {  	v26 =	vmul.f32 v10, v4;
	v19 =	vshra.s32 v19, $0x1;
	v22 =	vld [tilespmem:s24+$0xFFFFF820];
	p0 =	slt.u32 s23, $0x78;
	v25 =	vsub.s32 $0x5F3759DF, v25;
	[tilespmem:s22+$0x0] =	vst v14  }
0x11f: {  	v18 =	vsub.f32 $1.500000000e+00, v18;
	v12 =	vmul.f32 v12, v20;
	v14 =	vld [tilespmem:s24+$0xFFFFF830];
	v24 =	vmul.f32 v15, v24;
	[tilespmem:s22+$0x10] =	vst v21  }
0x120: {  	v17 =	vmul.f32 $5.000000000e-01, v17;
	v19 =	vsub.s32 $0x5F3759DF, v19;
	v21 =	vmul.f32 v10, v26;
	v20 =	vld [tilespmem:s24+$0xFFFFF810]  }
0x121: {  	v13 =	vmul.f32 v13, v7;
	v26 =	vmul.f32 v19, v9;
	v24 =	vsub.f32 $1.500000000e+00, v24;
	[tilespmem:s22+$0xFFFFFFE0] =	vst v12;
	s22 =	smov.u32 s21;
	s21 =	smov.u32 s20  }
0x122: {  	v16 =	vmul.f32 v16, v5;
	v7 =	vshra.s32 v23, $0xE;
	v12 =	vand.u32 $0x3FFF, v23  }
0x123: {  	v27 =	vmul.f32 v18, v8;
	v23 =	vshra.s32 v22, $0xE;
	v22 =	vand.u32 $0x3FFF, v22  }
0x124: {  	v18 =	vsub.f32 $1.500000000e+00, v21;
	v8 =	vshra.s32 v14, $0xE;
	v14 =	vand.u32 $0x3FFF, v14  }
0x125: {  	v26 =	vmul.f32 v19, v26;
	v21 =	vshra.s32 v20, $0xE;
	v20 =	vand.u32 $0x3FFF, v20  }
0x126: {  	v10 =	vmul.f32 v10, v18;
	v15 =	vmul.f32 v15, v24;
	v18 =	vld [tilespmem:s18+$0xFFFFFFE0]  }
0x127: {  	v11 =	vmul.f32 v11, v3;
	v24 =	vld.idx.msk [tilespmem:v7+s11+$0x0], $0xffff;
	v7 =	vmul.f32 v25, v17  }
0x128: {  	v26 =	vsub.f32 $1.500000000e+00, v26;
	v28 =	vmul.f32 v10, v4;
	v29 =	vmul.f32 v15, v6;
	v12 =	vld.idx.msk [tilespmem:v12+s2+$0x0], $0xffff  }
0x129: {  	v16 =	vsub.f32 $1.500000000e+00, v16;
	v31 =	vmul.f32 v13, v1;
	v1 =	vmovc v9;
	v22 =	vld.idx.msk [tilespmem:v22+s2+$0x0], $0xffff;
	v30 =	vmul.f32 v25, v7  }
0x12a: {  	v11 =	vsub.f32 $1.500000000e+00, v11;
	v9 =	vld.idx.msk [tilespmem:v21+s11+$0x0], $0xffff;
	v21 =	vmul.f32 v29, v15;
	v29 =	vmul.f32 v27, v2;
	v2 =	vmovc v17  }
0x12b: {  	v7 =	vmul.f32 v19, v26;
	v19 =	vmul.f32 v31, v13;
	v14 =	vld.idx.msk [tilespmem:v14+s2+$0x0], $0xffff;
	v17 =	vsub.f32 $1.500000000e+00, v30  }
0x12c: {  	v26 =	vmul.f32 v28, v10;
	v20 =	vld.idx.msk [tilespmem:v20+s2+$0x0], $0xffff;
	v21 =	vsub.f32 $1.500000000e+00, v21;
	v28 =	vmul.f32 v29, v27  }
0x12d: {  	v16 =	vmul.f32 v16, v5;
	v5 =	vsub.f32 $1.500000000e+00, v19;
	v29 =	vmul.f32 v7, v1;
	v23 =	vld.idx.msk [tilespmem:v23+s11+$0x0], $0xffff  }
0x12e: {  	v12 =	vmul.f32 v24, v12;
	v24 =	vsub.f32 $1.500000000e+00, v26;
	v19 =	vld.idx.msk [tilespmem:v8+s11+$0x0], $0xffff;
	v26 =	vsub.f32 $1.500000000e+00, v28  }
0x12f: {  	v8 =	vmul.f32 v25, v17;
	v25 =	vmul.f32 v5, v13  }
0x130: {  	v13 =	vmul.f32 v29, v7;
	v17 =	vadd.f32 $9.999999930e-09, v12;
	v10 =	vmul.f32 v24, v10  }
0x131: {  	v5 =	vmul.f32 v21, v15;
	v15 =	vmul.f32 v8, v2  }
0x132: {  	v12 =	vmul.f32 v11, v3;
	v21 =	vshra.s32 v17, $0x1;
	v9 =	vmul.f32 v9, v20;
	v3 =	vmovc v10  }
0x133: {  	v16 =	vmul.f32 v16, v18;
	v10 =	vsub.s32 $0x5F3759DF, v21;
	v11 =	vmul.f32 v23, v22;
	v23 =	vld [tilespmem:s18+$0xFFFFFFF0]  }
.Ltmp6:
0x134: {  	v13 =	vsub.f32 $1.500000000e+00, v13;
	v9 =	vadd.f32 $9.999999930e-09, v9;
	v14 =	vmul.f32 v19, v14;
	v21 =	vld [tilespmem:s18+$0x0];
	(pc) =	sbr.rel @p0 .LBB2_15-.Ltmp6, $4  }
0x135: {  	v24 =	vmul.f32 $5.000000000e-01, v17;
	v18 =	vmul.f32 v15, v8;
	v19 =	vadd.f32 $9.999999930e-09, v11;
	v20 =	vld [tilespmem:s18+$0xFFFFFFD0];
	[tilespmem:s22+$0xFFFFFFF0] =	vst v16;
	s18 =	smov.u32 s19;
	s19 =	smov.u32 s24  }
0x136: {  	v22 =	vmul.f32 v26, v27;
	v17 =	vadd.f32 $9.999999930e-09, v14;
	v16 =	vmul.f32 v5, v6  }
0x137: {  	v11 =	vmul.f32 v3, v4;
	v4 =	vmovc v24;
	v14 =	vshra.s32 v9, $0x1;
	v6 =	vmul.f32 $5.000000000e-01, v9  }
0x138: {  	s24 =	sadd.s32 $0x40, s24;
	v15 =	vsub.s32 $0x5F3759DF, v14;
	v9 =	vmul.f32 $5.000000000e-01, v19;
	v14 =	vmul.f32 v25, v23  }
0x139: {  	v23 =	vmul.f32 v15, v6;
	v21 =	vmul.f32 v22, v21  }
0x13a: {  	v24 =	vshra.s32 v17, $0x1;
	v30 =	vmul.f32 v10, v4;
	v32 =	vmul.f32 $5.000000000e-01, v17  }
0x13b: {  	v19 =	vshra.s32 v19, $0x1;
	v7 =	vmul.f32 v13, v7;
	v34 =	vmul.f32 v16, v5  }
0x13c: {  	v18 =	vsub.f32 $1.500000000e+00, v18;
	v11 =	vmul.f32 v11, v3;
	v12 =	vmul.f32 v12, v20  }
0x13d: {  	v19 =	vsub.s32 $0x5F3759DF, v19;
	v23 =	vmul.f32 v15, v23;
	v31 =	vmul.f32 v10, v30  }
0x13e: {  	v24 =	vsub.s32 $0x5F3759DF, v24;
	v33 =	vmul.f32 v19, v9;
	v8 =	vmul.f32 v18, v8  }
0x13f: {  	v36 =	vmul.f32 v24, v32;
	v1 =	vmul.f32 v7, v1  }
0x140: {  	v13 =	vsub.f32 $1.500000000e+00, v34;
	v23 =	vsub.f32 $1.500000000e+00, v23;
	v37 =	vmul.f32 v19, v33  }
0x141: {  	v35 =	vsub.f32 $1.500000000e+00, v31;
	v40 =	vmul.f32 v24, v36;
	v2 =	vmul.f32 v8, v2  }
0x142: {  	v1 =	vmul.f32 v1, v7;
	v38 =	vmul.f32 v15, v23;
	v20 =	vsub.f32 $1.500000000e+00, v37  }
0x143: {  	v45 =	vmul.f32 v13, v5;
	v39 =	vmul.f32 v10, v35;
	v16 =	vsub.f32 $1.500000000e+00, v40  }
0x144: {  	v41 =	vmul.f32 v38, v6;
	v19 =	vmul.f32 v19, v20  }
0x145: {  	v42 =	vmul.f32 v39, v4;
	v16 =	vmul.f32 v24, v16  }
0x146: {  	v49 =	vld [tilespmem:s18+$0xFFFFFFF0];
	v11 =	vsub.f32 $1.500000000e+00, v11;
	v18 =	vmul.f32 v41, v38;
	v20 =	vmul.f32 v19, v9  }
0x147: {  	v1 =	vsub.f32 $1.500000000e+00, v1;
	v22 =	vmul.f32 v42, v39;
	v43 =	vmul.f32 v16, v32  }
0x148: {  	v3 =	vmul.f32 v11, v3;
	v18 =	vsub.f32 $1.500000000e+00, v18;
	v20 =	vmul.f32 v20, v19  }
0x149: {  	v1 =	vmul.f32 v1, v7;
	v22 =	vsub.f32 $1.500000000e+00, v22;
	v23 =	vmul.f32 v43, v16  }
0x14a: {  	v2 =	vmul.f32 v2, v8;
	v46 =	vsub.f32 $1.500000000e+00, v20;
	v47 =	vmul.f32 v18, v38  }
0x14b: {  	v1 =	vmul.f32 v1, v49;
	v10 =	vmul.f32 v22, v39;
	v48 =	vsub.f32 $1.500000000e+00, v23  }
0x14c: {  	v53 =	vld [tilespmem:s18+$0xFFFFFFD0];
	v7 =	vmul.f32 v46, v19;
	v50 =	vmul.f32 v47, v6  }
0x14d: {  	v51 =	vld [tilespmem:s18+$0x0];
	v15 =	vmul.f32 v48, v16;
	v54 =	vmul.f32 v10, v4  }
0x14e: {  	v44 =	vld [tilespmem:s18+$0xFFFFFFE0];
	v2 =	vsub.f32 $1.500000000e+00, v2;
	v52 =	vmul.f32 v7, v9;
	v6 =	vmul.f32 v50, v47  }
0x14f: {  	v55 =	vld [tilespmem:s19+$0xFFFFFFE0];
	[tilespmem:s22+$0x0] =	vst v14;
	v17 =	vmul.f32 v15, v32;
	v4 =	vmul.f32 v54, v10  }
0x150: {  	v61 =	vld [tilespmem:s19+$0xFFFFFFD0];
	[tilespmem:s22+$0x10] =	vst v21;
	v2 =	vmul.f32 v2, v8;
	v9 =	vmul.f32 v52, v7;
	v6 =	vsub.f32 $1.500000000e+00, v6  }
0x151: {  	v57 =	vld [tilespmem:s19+$0xFFFFFFF0];
	[tilespmem:s21+$0x0] =	vst v1;
	v1 =	vmul.f32 v3, v53;
	v56 =	vmul.f32 v17, v15;
	v3 =	vsub.f32 $1.500000000e+00, v4  }
0x152: {  	v58 =	vld [tilespmem:s19+$0x0];
	[tilespmem:s22+$0xFFFFFFE0] =	vst v12;
	v2 =	vmul.f32 v2, v51;
	v9 =	vsub.f32 $1.500000000e+00, v9;
	v59 =	vmul.f32 v6, v47  }
0x153: {  	v5 =	vmul.f32 v45, v44;
	[tilespmem:s21+$0xFFFFFFE0] =	vst v1;
	v60 =	vsub.f32 $1.500000000e+00, v56;
	v1 =	vmul.f32 v3, v10  }
0x154: {  	[tilespmem:s21+$0x10] =	vst v2;
	v62 =	vmul.f32 v9, v7;
	v2 =	vmul.f32 v59, v55  }
0x155: {  	s31 =	sadd.s32 $0x40, s20;
	[tilespmem:s21+$0xFFFFFFF0] =	vst v5;
	v63 =	vmul.f32 v60, v15;
	v1 =	vmul.f32 v1, v61  }
0x156: {  	v3 =	vmul.f32 v62, v57;
	[tilespmem:s31+$0xFFFFFFF0] =	vst v2  }
0x157: {  	v2 =	vmul.f32 v63, v58;
	[tilespmem:s31+$0xFFFFFFE0] =	vst v1  }
0x158: {  	[tilespmem:s31+$0x0] =	vst v3  }
0x159: {  	[tilespmem:s31+$0x10] =	vst v2  }
0x15a: {  	v1 =	vld [tilespmem:$0x55E0];
	_ =	sdelay $0x4  }
0x15b: {  	v2 =	vand.u32 $0x3FFF, v1  }
0x15c: {  	v1 =	vshra.s32 v1, $0xE;
	_ =	sdelay $0x3  }
0x15d: {  	v2 =	vld.idx.msk [tilespmem:v2+s2+$0x0], $0xffff  }
0x15e: {  	v1 =	vld.idx.msk [tilespmem:v1+s11+$0x0], $0xffff;
	_ =	sdelay $0x4  }
0x15f: {  	v1 =	vmul.f32 v1, v2;
	_ =	sdelay $0x1  }
0x160: {  	v1 =	vadd.f32 $9.999999930e-09, v1;
	_ =	sdelay $0x1  }
0x161: {  	v2 =	vshra.s32 v1, $0x1;
	v1 =	vmul.f32 $5.000000000e-01, v1  }
0x162: {  	v2 =	vsub.s32 $0x5F3759DF, v2  }
0x163: {  	v3 =	vmul.f32 v2, v1;
	_ =	sdelay $0x1  }
0x164: {  	v3 =	vmul.f32 v2, v3;
	_ =	sdelay $0x1  }
0x165: {  	v3 =	vsub.f32 $1.500000000e+00, v3;
	_ =	sdelay $0x1  }
0x166: {  	v2 =	vmul.f32 v2, v3;
	_ =	sdelay $0x1  }
0x167: {  	v3 =	vmul.f32 v2, v1;
	_ =	sdelay $0x1  }
0x168: {  	v3 =	vmul.f32 v3, v2;
	_ =	sdelay $0x1  }
0x169: {  	v3 =	vsub.f32 $1.500000000e+00, v3;
	_ =	sdelay $0x1  }
0x16a: {  	v2 =	vmul.f32 v3, v2;
	_ =	sdelay $0x1  }
0x16b: {  	v1 =	vmul.f32 v2, v1;
	_ =	sdelay $0x1  }
0x16c: {  	v1 =	vmul.f32 v1, v2  }
0x16d: {  	v3 =	vld [tilespmem:$0x5DB0]  }
0x16e: {  	v1 =	vsub.f32 $1.500000000e+00, v1;
	_ =	sdelay $0x1  }
0x16f: {  	v1 =	vmul.f32 v1, v2;
	_ =	sdelay $0x1  }
0x170: {  	s17 =	smul.u32 $0xFA, s17;
	s16 =	sadd.s32 $0x1, s16;
	v1 =	vmul.f32 v1, v3  }
0x171: {  	p0 =	sne.s32 s16, $0x5  }
.Ltmp7:
0x172: {  	s17 =	sadd.s32 s4, s17;
	[tilespmem:$0x7520] =	vst v1;
	(pc) =	sbr.rel @p0 .LBB2_14-.Ltmp7, $4  }
0x173: {  	[hbm4b:s17+s2] =	stream.linear.scatter [tilespmem:s14], [sflag:$0x3], $0x7D0, $0x38;
	[tilespmem:$0x7530] =	vst v63  }
0x174: {  	_ =	swait.ge [sflag:s13], $0x7D0  }
0x175: {  	[sflag:s13] =	ssyncset.done $0x0  }
0x176: {  	[sflag:s13] =	ssyncadd.s32 $0xFFFFF830  }
0x177: {  	s15 =	sadd.s32 $0x1, s15  }
0x178: {  	p0 =	sne.s32 s15, s7  }
.Ltmp8:
0x179: {  	_ = 	snop;
	(pc) =	sbr.rel @p0 .LBB2_1-.Ltmp8, $1  }
0x17a: {  	_ =	sdelay $0x3  }
0x17b: {  	_ =	sfence.sel $0x180000  }
0x17c: {  	[bflag:$0x0] =	sbarrier.arrive $0xFFFF  }
0x17d: {  	p0 =	sne.s32 s1, $0x0;
	_ =	strace $0x90000047  }
0x17e: {  	s0 =	sadd.s32 @!p0 $0x100000, s0;
	[bflag:$0x2] =	sbarrier.arrive $0xFFFF  }
0x17f: {  	[sflag:s0] =	ssyncadd.tile.s32 @!p0 $0x1;
	_ =	shalt  }
.Lfunc_end2:
_tile_overlayer_lowered:
.L_overlay_start_2:
0x180: {  	(tag) =	ssettag $0x2  }
0x181: {  	s0 =	rddreg [dreg:$0x0];
	s2 =	stileid.u32  }
0x182: {  	s1 =	rddreg [dreg:$0x1];
	p0 =	sne.s32 s2, $0x0  }
0x183: {  	s3 =	rddreg [dreg:$0x2];
	[bflag:$0x3] =	sbarrier.arrive $0xFFFF;
	s2 =	simm.s32 @!p0 $0x1C03  }
0x184: {  	[timem:s3], [sflag:s2] =	dma.local @!p0 [hbm:s0], s1  }
0x185: {  	s0 =	simm.s32 @!p0 $0x3  }
0x186: {  	_ =	swait.ge @!p0 [sflag:s0], s1  }
0x187: {  	s1 =	ssub.s32 @!p0 $0x0, s1;
	[sflag:s0] =	ssyncset.done @!p0 $0x0  }
0x188: {  	[sflag:s0] =	ssyncadd.s32 @!p0 s1  }
0x189: {  	[bflag:$0x3] =	sbarrier.arrive $0xFFFF  }
0x18a: {  	_ =	shalt  }

// kernel: kernel.8.cloned.1.call-start
scs
__scs_entry_jumppad:
0x0: {  	(pc) =	sbr.rel $0x88, $3  }
0x1: {  	(tag) =	ssettag $0x0;
	lr =	simm.s32 $0x1  }
0x2: {  	[smem:$0x3F9E] =	sst lr;
	_ =	strace $0xD0000000  }
0x3: {  	_ = 	snop  }
0x4: {  	_ = 	snop  }
0x5: {  	_ = 	snop  }
0x6: {  	_ = 	snop  }
0x7: {  	_ = 	snop  }
__scs_overlays_trampoline_lowered:
0x8: {  	[smem:$0x3FAD] =	sst s0  }
0x9: {  	[smem:$0x3FAE] =	sst s1  }
0xa: {  	[smem:$0x3FAF] =	sst s2  }
0xb: {  	[smem:$0x3FB0] =	sst s3  }
0xc: {  	[smem:$0x3FB1] =	sst s4  }
0xd: {  	[smem:$0x3FB2] =	sst s5  }
0xe: {  	[smem:$0x3FB3] =	sst s6  }
0xf: {  	[smem:$0x3FB4] =	sst s7  }
0x10: {  	[smem:$0x3FB5] =	sst s8  }
0x11: {  	[smem:$0x3FB6] =	sst s9;
	s0 =	simm.s32 @!p0 $0x0  }
0x12: {  	s1 =	sld [smem:$0x3F9C];
	s0 =	simm.s32 @p0 $0x1  }
0x13: {  	[smem:$0x3FB7] =	sst s0;
	s0 =	simm.s32 @!p1 $0x0  }
0x14: {  	s2 =	sld [smem:$0x3F9B];
	s0 =	simm.s32 @p1 $0x1  }
0x15: {  	[smem:$0x3FB8] =	sst s0;
	s0 =	simm.s32 @!p2 $0x0  }
0x16: {  	s3 =	sld [smem:$0x3FDB];
	s0 =	simm.s32 @p2 $0x1  }
0x17: {  	s4 =	simm.s32 $0x1BF5;
	[smem:$0x3FBA] =	sst s0  }
0x18: {  	s0 =	sld [smem:$0x3F9D];
	_ =	swait.ge [sflag:s4], $0x0  }
0x19: {  	s7 =	sld [smem:$0x3F9E]  }
0x1a: {  	s8 =	sadd.s32 $0xFFFFE003, lr  }
0x1b: {  	s9 =	sadd.s32 $0xFFFFFEF7, lr;
	s5 =	simm.s32 $0xFFFFFFFF;
	p2 =	slt.u32 s8, $0xFFFFF086  }
0x1c: {  	p1 =	slt.u32 s9, $0xF7A;
	s5 =	simm.s32 @!p2 $0x0  }
0x1d: {  	s5 =	simm.s32 @p1 $0x1;
	p0 =	seq.s32 s7, s2  }
0x1e: {  	s7 =	smul.u32 @!p0 $0xF7A, s2;
	p2 =	seq.s32 @!p0 s5, $0x0  }
0x1f: {  	s9 =	smul.u32 $0xF7A, s1;
	s8 =	simm.s32 @!p0 $0x1BF5;
	p2 =	por !p2, p0  }
0x20: {  	[sflag:s8] =	ssyncset.s32 @!p0 $0xFFFFF086;
	s6 =	sadd.s32 @!p0 s3, s7;
	s7 =	simm.s32 @!p0 $0x108  }
0x21: {  	s3 =	sadd.s32 s3, s9;
	s6 =	sadd.s32 @!p0 $0x88, s6;
	s7 =	simm.s32 @p2 $0x1082  }
0x22: {  	[simem:s7], [sflag:s8] =	dma.local @!p0 [hbm:s6], $0xF7A  }
0x23: {  	s9 =	sor.u32 $0xD0000000, s2;
	s6 =	simm.s32 $0x108;
	_ =	swait.ge @!p0 [sflag:s8], $0x0  }
0x24: {  	s3 =	sadd.s32 $0x88, s3;
	s6 =	simm.s32 @!p1 $0x1082;
	[sflag:s4] =	ssyncset.s32 $0xFFFFF086  }
0x25: {  	[simem:s6], [sflag:s4] =	dma.local [hbm:s3], $0xF7A  }
0x26: {  	[smem:$0x3F9E] =	sst s1;
	(tag) =	ssettag s2;
	_ =	strace s9  }
0x27: {  	s1 =	sld [smem:$0x3FAE]  }
0x28: {  	s2 =	sld [smem:$0x3FAF]  }
0x29: {  	s4 =	sld [smem:$0x3FB1]  }
0x2a: {  	p0 =	seq.s32 s5, $0x0;
	s5 =	sld [smem:$0x3FB2]  }
0x2b: {  	s6 =	sld [smem:$0x3FB3]  }
0x2c: {  	s7 =	sld [smem:$0x3FB4]  }
0x2d: {  	s3 =	simm.s32 $0x108;
	s8 =	sld [smem:$0x3FB5]  }
0x2e: {  	s3 =	simm.s32 @!p0 $0x1082;
	s9 =	sld [smem:$0x3FB6]  }
0x2f: {  	lr =	sadd.s32 s0, s3;
	s0 =	sld [smem:$0x3FAD]  }
0x30: {  	s3 =	sld [smem:$0x3FB0]  }
0x31: {  	[smem:$0x3FB9] =	sst s10  }
0x32: {  	s10 =	sld [smem:$0x3FB7];
	_ =	sdelay $0x3  }
0x33: {  	p0 =	seq.s32 s10, $0x1;
	s10 =	sld [smem:$0x3FB9];
	_ =	sdelay $0x3  }
0x34: {  	[smem:$0x3FB9] =	sst s10  }
0x35: {  	s10 =	sld [smem:$0x3FB8];
	_ =	sdelay $0x3  }
0x36: {  	p1 =	seq.s32 s10, $0x1;
	s10 =	sld [smem:$0x3FB9];
	_ =	sdelay $0x3  }
0x37: {  	[smem:$0x3FB9] =	sst s10  }
0x38: {  	s10 =	sld [smem:$0x3FBA]  }
0x39: {  	_ = 	snop;
	(pc) =	sbr.ind lr, $3  }
0x3a: {  	_ = 	snop  }
0x3b: {  	_ = 	snop  }
0x3c: {  	p2 =	seq.s32 s10, $0x1;
	s10 =	sld [smem:$0x3FB9]  }
0x3d: {  	_ =	shalt  }
0x3e: {  	_ =	shalt  }
0x3f: {  	_ =	shalt  }
0x40: {  	_ =	shalt  }
0x41: {  	_ =	shalt  }
0x42: {  	_ =	shalt  }
0x43: {  	_ =	shalt  }
0x44: {  	_ =	shalt  }
0x45: {  	_ =	shalt  }
0x46: {  	_ =	shalt  }
0x47: {  	_ =	shalt  }
0x48: {  	_ =	shalt  }
0x49: {  	_ =	shalt  }
0x4a: {  	_ =	shalt  }
0x4b: {  	_ =	shalt  }
0x4c: {  	_ =	shalt  }
0x4d: {  	_ =	shalt  }
0x4e: {  	_ =	shalt  }
0x4f: {  	_ =	shalt  }
0x50: {  	_ =	shalt  }
0x51: {  	_ =	shalt  }
0x52: {  	_ =	shalt  }
0x53: {  	_ =	shalt  }
0x54: {  	_ =	shalt  }
0x55: {  	_ =	shalt  }
0x56: {  	_ =	shalt  }
0x57: {  	_ =	shalt  }
0x58: {  	_ =	shalt  }
0x59: {  	_ =	shalt  }
0x5a: {  	_ =	shalt  }
0x5b: {  	_ =	shalt  }
0x5c: {  	_ =	shalt  }
0x5d: {  	_ =	shalt  }
0x5e: {  	_ =	shalt  }
0x5f: {  	_ =	shalt  }
0x60: {  	_ =	shalt  }
0x61: {  	_ =	shalt  }
0x62: {  	_ =	shalt  }
0x63: {  	_ =	shalt  }
0x64: {  	_ =	shalt  }
0x65: {  	_ =	shalt  }
0x66: {  	_ =	shalt  }
0x67: {  	_ =	shalt  }
0x68: {  	_ =	shalt  }
0x69: {  	_ =	shalt  }
0x6a: {  	_ =	shalt  }
0x6b: {  	_ =	shalt  }
0x6c: {  	_ =	shalt  }
0x6d: {  	_ =	shalt  }
0x6e: {  	_ =	shalt  }
0x6f: {  	_ =	shalt  }
0x70: {  	_ =	shalt  }
0x71: {  	_ =	shalt  }
0x72: {  	_ =	shalt  }
0x73: {  	_ =	shalt  }
0x74: {  	_ =	shalt  }
0x75: {  	_ =	shalt  }
0x76: {  	_ =	shalt  }
0x77: {  	_ =	shalt  }
0x78: {  	_ =	shalt  }
0x79: {  	_ =	shalt  }
0x7a: {  	_ =	shalt  }
0x7b: {  	_ =	shalt  }
0x7c: {  	_ =	shalt  }
0x7d: {  	_ =	shalt  }
0x7e: {  	_ =	shalt  }
0x7f: {  	_ =	shalt  }
0x80: {  	_ =	shalt  }
0x81: {  	_ =	shalt  }
0x82: {  	_ =	shalt  }
0x83: {  	_ =	shalt  }
0x84: {  	_ =	shalt  }
0x85: {  	_ =	shalt  }
0x86: {  	_ =	shalt  }
0x87: {  	_ =	shalt  }
.Lfunc_end0:
.L_simem_size_0:
called_computation.1_lowered:
.L_overlay_start_0:
0x88: {  	s2 =	sld [smem:$0x3FD9]  }
0x89: {  	s3 =	sld [smem:$0x3FFE];
	_ =	sdelay $0x1  }
0x8a: {  	s1 =	srdreg.scid  }
0x8b: {  	s0 =	sand.u32 $0x1, s1  }
0x8c: {  	s17 =	sshll.u32 s0, $0xA;
	s2 =	sadd.s32 s3, s2  }
0x8d: {  	s2 =	sadd.s32 s2, s17  }
0x8e: {  	[smem:$0x3FC5] =	sst s2  }
0x8f: {  	_ = 	snop  }
0x90: {  	s2 =	sld [smem:$0x3FD0];
	(tm) =	ssettm $0x1  }
0x91: {  	s18 =	sld [smem:$0x3FFB];
	_ =	sdelay $0x3  }
0x92: {  	_ =	strace s18  }
0x93: {  	s3 =	sld [smem:$0x3FFC];
	_ =	sdelay $0x3  }
0x94: {  	_ =	strace s3  }
0x95: {  	s3 =	sld [smem:$0x3FFD];
	_ =	sdelay $0x3  }
0x96: {  	_ =	strace s3  }
0x97: {  	_ =	strace $0x8FFFFFFF  }
0x98: {  	s19 =	sld [smem:$0x3FDB];
	_ =	sdelay $0x1  }
0x99: {  	s4 =	simm.s32 $_scs_section_size  }
0x9a: {  	s5 =	simm.s32 $_size__tile_overlayer_lowered;
	s6 =	simm.s32 $_tile_overlayer_lowered  }
0x9b: {  	s22 =	simm.s32 $0x1BFF;
	s21 =	sshll.u32 s6, $0x1;
	s3 =	sadd.s32 s4, s19  }
0x9c: {  	s7 =	simm.s32 $0x0;
	s20 =	sshll.u32 s5, $0x1;
	s5 =	sadd.s32 s21, s3  }
0x9d: {  	[timem:s7], [sflag:s22] =	dma.local [hbm:s5], s20  }
0x9e: {  	_ =	swait.ge [sflag:s22], s20  }
0x9f: {  	s4 =	ssub.s32 $0x0, s20;
	[sflag:s22] =	ssyncset.done $0x0  }
0xa0: {  	[sflag:s22] =	ssyncadd.s32 s4;
	_ =	sdelay $0x1  }
0xa1: {  	s23 =	simm.s32 $0x1B8B  }
0xa2: {  	_ =	swait.ge [sflag:s23], $0x1  }
0xa3: {  	[sflag:s23] =	ssyncset.done $0x0  }
0xa4: {  	s25 =	simm.s32 $0x1B8E;
	s24 =	sld [smem:$0x3FFE];
	[sflag:s23] =	ssyncadd.s32 $0xFFFFFFFF  }
0xa5: {  	s26 =	simm.s32 $execute0_lowered;
	[smem:$0x3FD2] =	sst s25  }
0xa6: {  	s5 =	sshll.u32 s26, $0x1;
	_ =	strace $0x80000049;
	[dreg:$0x1] =	wrdreg $0xFFFFFFFF  }
0xa7: {  	s28 =	simm.s32 $_size_execute0_lowered;
	s3 =	sadd.s32 s3, s5;
	[dreg:$0x0] =	wrdreg $0x0  }
0xa8: {  	s5 =	sshll.u32 s28, $0x1;
	[dreg:$0x2] =	wrdreg s3  }
0xa9: {  	[dreg:$0x3] =	wrdreg s5  }
0xaa: {  	[dreg:$0x4] =	wrdreg $0xC0  }
0xab: {  	_ =	task [dreg:s7], $0x5FFFF  }
0xac: {  	[dreg:$0x1] =	wrdreg $0xFFFFFFFF  }
0xad: {  	[dreg:$0x0] =	wrdreg $0x60  }
0xae: {  	[dreg:$0x2] =	wrdreg s2  }
0xaf: {  	[dreg:$0x3] =	wrdreg s24  }
0xb0: {  	[dreg:$0x4] =	wrdreg $0x9  }
0xb1: {  	_ =	task.clear_ibuf [dreg:s7], $0x5FFFF;
	_ =	strace $0x90000049  }
0xb2: {  	s29 =	simm.s32 $0x9;
	_ =	strace $0x8000004B  }
0xb3: {  	_ =	swait.ge [sflag:s29], $0x1  }
0xb4: {  	[sflag:s29] =	ssyncadd.s32 $0xFFFFFFFF  }
0xb5: {  	_ =	strace $0x9000004B  }
0xb6: {  	_ =	sfence  }
0xb7: {  	s30 =	sld [smem:$0x0];
	_ =	sdelay $0x2  }
0xb8: {  	s31 =	sshll.u32 s1, $0xD;
	s1 =	sshrl.u32 s1, $0x2  }
0xb9: {  	s3 =	sand.u32 $0x4000, s31;
	s1 =	sadd.s32 s1, s30  }
0xba: {  	s0 =	sor.u32 s3, s0;
	s1 =	sshll.u32 s1, $0x11  }
0xbb: {  	s0 =	sor.u32 s1, s0  }
0xbc: {  	s0 =	sadd.s32 $0x8F2B, s0  }
0xbd: {  	[sflag:s0] =	ssyncadd.remote.s32 $0x1  }
0xbe: {  	_ =	sfence.sel $0xFFFF  }
0xbf: {  	[dreg:$0x0] =	wrdreg $0xFFFFFFFF;
	(pc) =	sbr.abs _section_cstart, $3  }
0xc0: {  	[dreg:$0x1] =	wrdreg $0xFFFFFFFF  }
0xc1: {  	_ =	task.clear_ibuf [dreg:s7], $0x2FFFF;
	_ =	strace $0x9FFFFFFF  }
0xc2: {  	(tm) =	ssettm $0x7FFFFFFF  }
0xc3: {  	_ =	shalt  }
tec
execute0_lowered:
.L_overlay_start_1:
0x0: {  	(tag) =	ssettag $0x1  }
0x1: {  	s1 =	srdreg.scid;
	s5 =	rddreg [dreg:$0x0]  }
0x2: {  	s0 =	stileid.u32;
	s6 =	rddreg [dreg:$0x1]  }
0x3: {  	s2 =	simm.s32 $0x0;
	s11 =	simm.s32 $0x186A0;
	s12 =	simm.s32 $0x1A5E0  }
0x4: {  	s13 =	simm.s32 $0x1;
	s14 =	simm.s32 $0xEA60;
	s15 =	simm.s32 $0x13880  }
0x5: {  	s16 =	simm.s32 $0xC350;
	s17 =	simm.s32 $0x11170;
	s18 =	simm.s32 $0x15F90  }
0x6: {  	s19 =	simm.s32 $0x2;
	s20 =	simm.s32 $0x2710;
	s21 =	simm.s32 $0x2800  }
0x7: {  	s22 =	simm.s32 $0x3;
	s3 =	sand.u32 $0x1, s1;
	s1 =	rddreg [dreg:$0x2]  }
0x8: {  	s23 =	simm.s32 $0x0;
	s4 =	sshll.u32 s0, $0x2;
	[smem:$0x7FF] =	sst s2  }
0x9: {  	s7 =	sshll.u32 s3, $0x1;
	s8 =	ssub.s32 $0x2, s3;
	_ =	strace $0x8000004A  }
0xa: {  	s3 =	sadd.s32 $0x1000, s6;
	s7 =	sor.u32 s7, s4;
	s10 =	sshrl.u32 s8, $0x1  }
0xb: {  	s4 =	sadd.s32 $0x14A00, s6;
	s6 =	sadd.s32 $0x13E8, s6;
	s9 =	smul.u32 $0x4E2, s7  }
0xc: {  	s8 =	ssub.s32 s8, s10;
	s7 =	smul.u32 $0x2800, s7;
	s10 =	simm.s32 $0x4  }
0xd: {  	v0 =	vimm.f32 $0.0e+00;
	s8 =	smax.u32 s8, $0x1;
	s5 =	sadd.s32 s5, s9;
	s9 =	simm.s32 $0x9C40  }
.LBB2_1:
0xe: {  	[tilespmem:s9], [sflag:$0x4] =	stream.linear.gather [hbm4b:s5+s2], $0x4E20, $0x38;
	[tilespmem:$0x1C520] =	vst v63  }
0xf: {  	_ =	swait.ge [sflag:s10], $0x4E20  }
0x10: {  	[sflag:s10] =	ssyncset.done $0x0  }
0x11: {  	[sflag:s10] =	ssyncadd.s32 $0xFFFFB1E0  }
0x12: {  	[tilespmem:s14+$0x0] =	vst v0  }
0x13: {  	[tilespmem:s14+$0x7560] =	vst v0  }
0x14: {  	[tilespmem:s14+$0x4E50] =	vst v0  }
0x15: {  	[tilespmem:s14+$0x2740] =	vst v0  }
0x16: {  	[tilespmem:s14+$0x30] =	vst v0  }
0x17: {  	[tilespmem:s14+$0x7550] =	vst v0  }
0x18: {  	[tilespmem:s14+$0x4E40] =	vst v0  }
0x19: {  	[tilespmem:s14+$0x2730] =	vst v0  }
0x1a: {  	[tilespmem:s14+$0x20] =	vst v0  }
0x1b: {  	[tilespmem:s14+$0x7540] =	vst v0  }
0x1c: {  	[tilespmem:s14+$0x4E30] =	vst v0  }
0x1d: {  	[tilespmem:s14+$0x2720] =	vst v0  }
0x1e: {  	[tilespmem:s14+$0x10] =	vst v0  }
0x1f: {  	[tilespmem:s14+$0x7530] =	vst v0  }
0x20: {  	s24 =	simm.s32 $0x0;
	s25 =	simm.s32 $0xEA60;
	[tilespmem:s14+$0x4E20] =	vst v0  }
.LBB2_2:
0x21: {  	s24 =	sadd.s32 $0x4, s24;
	[tilespmem:s25+$0x2710] =	vst v0;
	s25 =	sadd.s32 $0x40, s25  }
0x22: {  	[tilespmem:s25+$0x0] =	vst v0;
	p0 =	slt.u32 s24, $0x26C  }
0x23: {  	[tilespmem:s25+$0x7560] =	vst v0  }
0x24: {  	[tilespmem:s25+$0x4E50] =	vst v0  }
0x25: {  	[tilespmem:s25+$0x2740] =	vst v0  }
0x26: {  	[tilespmem:s25+$0x30] =	vst v0  }
0x27: {  	[tilespmem:s25+$0x7550] =	vst v0  }
0x28: {  	[tilespmem:s25+$0x4E40] =	vst v0  }
0x29: {  	[tilespmem:s25+$0x2730] =	vst v0  }
0x2a: {  	[tilespmem:s25+$0x20] =	vst v0  }
0x2b: {  	[tilespmem:s25+$0x7540] =	vst v0  }
.Ltmp0:
0x2c: {  	[tilespmem:s25+$0x4E30] =	vst v0;
	(pc) =	sbr.rel @p0 .LBB2_2-.Ltmp0, $4  }
0x2d: {  	[tilespmem:s25+$0x2720] =	vst v0  }
0x2e: {  	[tilespmem:s25+$0x10] =	vst v0  }
0x2f: {  	[tilespmem:s25+$0x7530] =	vst v0  }
0x30: {  	[tilespmem:s25+$0x4E20] =	vst v0  }
0x31: {  	[tilespmem:s25+$0x2710] =	vst v0  }
0x32: {  	[tilespmem:$0x11160] =	vst v0  }
0x33: {  	[tilespmem:$0x13870] =	vst v0  }
0x34: {  	[tilespmem:$0x15F80] =	vst v0  }
0x35: {  	s24 =	simm.s32 $0x0;
	[tilespmem:$0x18690] =	vst v0  }
0x36: {  	[tilespmem:s11], [sflag:$0x1] =	stream.linear.gather [hbm4b:s3+s24], $0x1F40, $0x38;
	[tilespmem:$0x1C520] =	vst v63  }
0x37: {  	_ = 	snop  }
0x38: {  	[tilespmem:s12], [sflag:$0x2] =	stream.linear.gather [hbm4b:s6+s24], $0x1F40, $0x38;
	[tilespmem:$0x1C520] =	vst v63  }
.LBB2_4:
0x39: {  	s25 =	simm.s32 $0x0  }
.LBB2_5:
0x3a: {  	_ =	swait.ge [sflag:s13], $0x1F40  }
0x3b: {  	[sflag:s13] =	ssyncset.done $0x0  }
0x3c: {  	s26 =	simm.s32 $0x19680;
	[sflag:s13] =	ssyncadd.s32 $0xFFFFE0C0  }
0x3d: {  	v1 =	vld [tilespmem:s26+$0xFFFFF060]  }
0x3e: {  	v2 =	vld [tilespmem:s26+$0xFFFFF030];
	_ =	sdelay $0x2  }
0x3f: {  	v5 =	vld [tilespmem:s26+$0xFFFFF020]  }
0x40: {  	v9 =	vand.u32 $0x3FFF, v1  }
0x41: {  	v10 =	vld [tilespmem:s26+$0xFFFFF040];
	v12 =	vand.u32 $0x3FFF, v2  }
0x42: {  	v11 =	vld [tilespmem:s26+$0xFFFFF050]  }
0x43: {  	v8 =	vld [tilespmem:s26+$0xFFFFFFC0]  }
0x44: {  	v15 =	vld [tilespmem:s26+$0x0];
	v13 =	vand.u32 $0x3FFF, v5  }
0x45: {  	v7 =	vld.idx.msk [tilespmem:v9+s9+$0x0], $0xffff  }
0x46: {  	v14 =	vand.u32 $0x3FFF, v10;
	v17 =	vld.idx.msk [tilespmem:v12+s9+$0x0], $0xffff  }
0x47: {  	v6 =	vld [tilespmem:s26+$0xFFFFFFD0];
	v16 =	vand.u32 $0x3FFF, v11  }
0x48: {  	v4 =	vld [tilespmem:s26+$0xFFFFFFE0];
	v18 =	vshra.s32 v1, $0xE  }
0x49: {  	v1 =	vshra.s32 v2, $0xE;
	v19 =	vld.idx.msk [tilespmem:v13+s9+$0x0], $0xffff  }
0x4a: {  	v3 =	vld [tilespmem:s26+$0xFFFFFFF0];
	v20 =	vshll.u32 v7, $0x10;
	v2 =	vand.u32 $0xFFFF0000, v7  }
0x4b: {  	v21 =	vld.idx.msk [tilespmem:v14+s9+$0x0], $0xffff;
	v7 =	vshra.s32 v5, $0xE;
	v5 =	vshll.u32 v17, $0x10;
	v20 =	vmul.f32 v20, v15  }
0x4c: {  	v22 =	vld.idx.msk [tilespmem:v16+s9+$0x0], $0xffff;
	v5 =	vmul.f32 v5, v6  }
0x4d: {  	v2 =	vmul.f32 v2, v15;
	[tilespmem:v18+s14+$0x0] =	vst.idx.add.f32.msk $0xffff, v20  }
0x4e: {  	v60 =	vshll.u32 v19, $0x10;
	[tilespmem:v1+s14+$0x0] =	vst.idx.add.f32.msk $0xffff, v5  }
0x4f: {  	v17 =	vand.u32 $0xFFFF0000, v17;
	v61 =	vmul.f32 v60, v8;
	[tilespmem:v18+s15+$0x0] =	vst.idx.add.f32.msk $0xffff, v2  }
0x50: {  	v5 =	vshra.s32 v11, $0xE;
	v11 =	vmul.f32 v17, v6;
	v9 =	vld.idx.msk [tilespmem:v9+s16+$0x0], $0xffff  }
0x51: {  	v2 =	vshra.s32 v10, $0xE;
	v10 =	vand.u32 $0xFFFF0000, v19;
	[tilespmem:v7+s14+$0x0] =	vst.idx.add.f32.msk $0xffff, v61  }
0x52: {  	v10 =	vmul.f32 v10, v8;
	[tilespmem:v1+s15+$0x0] =	vst.idx.add.f32.msk $0xffff, v11  }
0x53: {  	v62 =	vshll.u32 v21, $0x10;
	v12 =	vld.idx.msk [tilespmem:v12+s16+$0x0], $0xffff  }
0x54: {  	v17 =	vmul.f32 v62, v4;
	[tilespmem:v7+s15+$0x0] =	vst.idx.add.f32.msk $0xffff, v10;
	v10 =	vshll.u32 v22, $0x10  }
0x55: {  	v63 =	vand.u32 $0xFFFF0000, v21;
	v10 =	vmul.f32 v10, v3;
	v13 =	vld.idx.msk [tilespmem:v13+s16+$0x0], $0xffff  }
0x56: {  	v19 =	vmul.f32 v63, v4;
	v11 =	vand.u32 $0xFFFF0000, v22;
	[tilespmem:v2+s14+$0x0] =	vst.idx.add.f32.msk $0xffff, v17  }
0x57: {  	[tilespmem:v5+s14+$0x0] =	vst.idx.add.f32.msk $0xffff, v10;
	v10 =	vmul.f32 v11, v3;
	v11 =	vshll.u32 v9, $0x10  }
0x58: {  	[tilespmem:v2+s15+$0x0] =	vst.idx.add.f32.msk $0xffff, v19;
	v11 =	vmul.f32 v11, v15  }
0x59: {  	[tilespmem:v5+s15+$0x0] =	vst.idx.add.f32.msk $0xffff, v10  }
0x5a: {  	[tilespmem:v18+s17+$0x0] =	vst.idx.add.f32.msk $0xffff, v11  }
0x5b: {  	v9 =	vand.u32 $0xFFFF0000, v9;
	v11 =	vld.idx.msk [tilespmem:v14+s16+$0x0], $0xffff  }
0x5c: {  	v9 =	vmul.f32 v9, v15;
	v10 =	vld.idx.msk [tilespmem:v16+s16+$0x0], $0xffff;
	_ =	sdelay $0x1  }
0x5d: {  	v14 =	vshll.u32 v12, $0x10;
	[tilespmem:v18+s18+$0x0] =	vst.idx.add.f32.msk $0xffff, v9;
	v9 =	vshll.u32 v13, $0x10  }
0x5e: {  	s28 =	simm.s32 $0x196D0;
	s26 =	simm.s32 $0x0;
	v12 =	vand.u32 $0xFFFF0000, v12;
	v13 =	vand.u32 $0xFFFF0000, v13;
	v9 =	vmul.f32 v9, v8  }
.LBB2_6:
0x5f: {  	v15 =	vld [tilespmem:s28+$0xFFFFF060];
	v13 =	vmul.f32 v13, v8;
	v8 =	vshll.u32 v11, $0x10;
	v11 =	vand.u32 $0xFFFF0000, v11  }
0x60: {  	v14 =	vmul.f32 v14, v6;
	v17 =	vshll.u32 v10, $0x10;
	v10 =	vand.u32 $0xFFFF0000, v10;
	v16 =	vld [tilespmem:s28+$0xFFFFF030]  }
0x61: {  	s26 =	sadd.s32 $0x5, s26;
	v12 =	vmul.f32 v12, v6;
	v19 =	vmul.f32 v8, v4;
	v18 =	vld [tilespmem:s28+$0xFFFFF040]  }
0x62: {  	p0 =	slt.u32 s26, $0xF5;
	v21 =	vmul.f32 v11, v4;
	v17 =	vmul.f32 v17, v3;
	v20 =	vld [tilespmem:s28+$0xFFFFF050]  }
0x63: {  	v22 =	vmul.f32 v10, v3;
	v11 =	vld [tilespmem:s28+$0xFFFFF020]  }
0x64: {  	v8 =	vld [tilespmem:s28+$0xFFFFFFC0];
	v10 =	vand.u32 $0x3FFF, v15  }
0x65: {  	v23 =	vshra.s32 v16, $0xE;
	v6 =	vld [tilespmem:s28+$0xFFFFFFD0];
	v16 =	vand.u32 $0x3FFF, v16  }
0x66: {  	v24 =	vshra.s32 v18, $0xE;
	v4 =	vld [tilespmem:s28+$0xFFFFFFE0];
	v18 =	vand.u32 $0x3FFF, v18  }
0x67: {  	v25 =	vshra.s32 v20, $0xE;
	v3 =	vld [tilespmem:s28+$0xFFFFFFF0];
	v20 =	vand.u32 $0x3FFF, v20  }
0x68: {  	v26 =	vshra.s32 v11, $0xE;
	v11 =	vand.u32 $0x3FFF, v11;
	[tilespmem:v7+s17+$0x0] =	vst.idx.add.f32.msk $0xffff, v9  }
0x69: {  	v9 =	vld.idx.msk [tilespmem:v10+s9+$0x0], $0xffff  }
0x6a: {  	v27 =	vld.idx.msk [tilespmem:v16+s9+$0x0], $0xffff  }
0x6b: {  	v28 =	vld [tilespmem:s28+$0x0]  }
0x6c: {  	v29 =	vld.idx.msk [tilespmem:v18+s9+$0x0], $0xffff  }
0x6d: {  	v15 =	vshra.s32 v15, $0xE;
	v30 =	vld.idx.msk [tilespmem:v11+s9+$0x0], $0xffff  }
0x6e: {  	v31 =	vld.idx.msk [tilespmem:v20+s9+$0x0], $0xffff  }
0x6f: {  	v32 =	vshll.u32 v9, $0x10;
	[tilespmem:v7+s18+$0x0] =	vst.idx.add.f32.msk $0xffff, v13;
	v7 =	vmov v26  }
0x70: {  	v9 =	vand.u32 $0xFFFF0000, v9;
	v13 =	vshll.u32 v27, $0x10;
	v26 =	vmul.f32 v32, v28;
	[tilespmem:v1+s17+$0x0] =	vst.idx.add.f32.msk $0xffff, v14  }
0x71: {  	v14 =	vand.u32 $0xFFFF0000, v27;
	v13 =	vmul.f32 v13, v6;
	v9 =	vmul.f32 v9, v28;
	[tilespmem:v1+s18+$0x0] =	vst.idx.add.f32.msk $0xffff, v12  }
0x72: {  	v12 =	vmul.f32 v14, v6;
	v14 =	vshll.u32 v29, $0x10;
	v27 =	vand.u32 $0xFFFF0000, v29;
	v1 =	vmovc v23;
	[tilespmem:v15+s14+$0x0] =	vst.idx.add.f32.msk $0xffff, v26  }
0x73: {  	v26 =	vshll.u32 v30, $0x10;
	v29 =	vand.u32 $0xFFFF0000, v30;
	v14 =	vmul.f32 v14, v4;
	[tilespmem:v15+s15+$0x0] =	vst.idx.add.f32.msk $0xffff, v9  }
0x74: {  	v9 =	vmul.f32 v26, v8;
	v26 =	vshll.u32 v31, $0x10;
	v30 =	vand.u32 $0xFFFF0000, v31;
	v10 =	vld.idx.msk [tilespmem:v10+s16+$0x0], $0xffff  }
0x75: {  	v29 =	vmul.f32 v29, v8;
	[tilespmem:v23+s14+$0x0] =	vst.idx.add.f32.msk $0xffff, v13;
	v13 =	vmul.f32 v27, v4  }
0x76: {  	v23 =	vmul.f32 v30, v3;
	[tilespmem:v7+s14+$0x0] =	vst.idx.add.f32.msk $0xffff, v9;
	v9 =	vmul.f32 v26, v3  }
0x77: {  	[tilespmem:v7+s15+$0x0] =	vst.idx.add.f32.msk $0xffff, v29  }
0x78: {  	[tilespmem:v1+s15+$0x0] =	vst.idx.add.f32.msk $0xffff, v12  }
0x79: {  	[tilespmem:v24+s14+$0x0] =	vst.idx.add.f32.msk $0xffff, v14  }
0x7a: {  	v12 =	vshll.u32 v10, $0x10;
	[tilespmem:v24+s15+$0x0] =	vst.idx.add.f32.msk $0xffff, v13  }
0x7b: {  	[tilespmem:v25+s14+$0x0] =	vst.idx.add.f32.msk $0xffff, v9;
	v9 =	vand.u32 $0xFFFF0000, v10;
	v10 =	vmul.f32 v12, v28  }
0x7c: {  	[tilespmem:v25+s15+$0x0] =	vst.idx.add.f32.msk $0xffff, v23;
	v9 =	vmul.f32 v9, v28  }
0x7d: {  	[tilespmem:v15+s17+$0x0] =	vst.idx.add.f32.msk $0xffff, v10  }
0x7e: {  	[tilespmem:v15+s18+$0x0] =	vst.idx.add.f32.msk $0xffff, v9  }
0x7f: {  	v9 =	vld.idx.msk [tilespmem:v11+s16+$0x0], $0xffff  }
0x80: {  	v12 =	vld.idx.msk [tilespmem:v16+s16+$0x0], $0xffff  }
0x81: {  	v11 =	vld.idx.msk [tilespmem:v18+s16+$0x0], $0xffff  }
.Ltmp1:
0x82: {  	v10 =	vld.idx.msk [tilespmem:v20+s16+$0x0], $0xffff;
	(pc) =	sbr.rel @p0 .LBB2_6-.Ltmp1, $4  }
0x83: {  	[tilespmem:v2+s17+$0x0] =	vst.idx.add.f32.msk $0xffff, v19  }
0x84: {  	[tilespmem:v2+s18+$0x0] =	vst.idx.add.f32.msk $0xffff, v21;
	v2 =	vmov v24  }
0x85: {  	v14 =	vshll.u32 v9, $0x10;
	v13 =	vand.u32 $0xFFFF0000, v9;
	[tilespmem:v5+s17+$0x0] =	vst.idx.add.f32.msk $0xffff, v17  }
0x86: {  	s28 =	sadd.s32 $0x50, s28;
	v9 =	vmul.f32 v14, v8;
	v14 =	vshll.u32 v12, $0x10;
	v12 =	vand.u32 $0xFFFF0000, v12;
	[tilespmem:v5+s18+$0x0] =	vst.idx.add.f32.msk $0xffff, v22;
	v5 =	vmovc v25  }
0x87: {  	_ =	sdelay $0x2  }
0x88: {  	v8 =	vmul.f32 v13, v8  }
0x89: {  	v13 =	vmul.f32 v14, v6;
	[tilespmem:v7+s17+$0x0] =	vst.idx.add.f32.msk $0xffff, v9  }
0x8a: {  	v6 =	vmul.f32 v12, v6;
	v9 =	vshll.u32 v11, $0x10;
	[tilespmem:v7+s18+$0x0] =	vst.idx.add.f32.msk $0xffff, v8  }
0x8b: {  	s26 =	sshll.u32 s25, $0x1;
	v7 =	vand.u32 $0xFFFF0000, v11;
	v8 =	vmul.f32 v9, v4;
	[tilespmem:v1+s17+$0x0] =	vst.idx.add.f32.msk $0xffff, v13  }
0x8c: {  	s28 =	sadd.s32 $0x2, s26;
	v9 =	vshll.u32 v10, $0x10;
	v4 =	vmul.f32 v7, v4;
	[tilespmem:v1+s18+$0x0] =	vst.idx.add.f32.msk $0xffff, v6  }
0x8d: {  	s29 =	smul.u32 $0x3E8, s28;
	v1 =	vand.u32 $0xFFFF0000, v10;
	v6 =	vmul.f32 v9, v3;
	[tilespmem:v2+s17+$0x0] =	vst.idx.add.f32.msk $0xffff, v8  }
0x8e: {  	p0 =	seq.s32 s28, $0x50;
	v1 =	vmul.f32 v1, v3;
	[tilespmem:v2+s18+$0x0] =	vst.idx.add.f32.msk $0xffff, v4  }
0x8f: {  	s29 =	simm.s32 @p0 $0x0;
	[tilespmem:v5+s17+$0x0] =	vst.idx.add.f32.msk $0xffff, v6  }
0x90: {  	s28 =	sadd.s32 s3, s29;
	[tilespmem:v5+s18+$0x0] =	vst.idx.add.f32.msk $0xffff, v1  }
0x91: {  	[tilespmem:s11], [sflag:$0x1] =	stream.linear.gather [hbm4b:s28+s2], $0x1F40, $0x38;
	[tilespmem:$0x1C520] =	vst v63  }
0x92: {  	_ =	swait.ge [sflag:s19], $0x1F40  }
0x93: {  	[sflag:s19] =	ssyncset.done $0x0  }
0x94: {  	s28 =	simm.s32 $0x1B5C0;
	[sflag:s19] =	ssyncadd.s32 $0xFFFFE0C0  }
0x95: {  	v1 =	vld [tilespmem:s28+$0xFFFFF060]  }
0x96: {  	v2 =	vld [tilespmem:s28+$0xFFFFF030];
	_ =	sdelay $0x2  }
0x97: {  	v5 =	vld [tilespmem:s28+$0xFFFFF020]  }
0x98: {  	v9 =	vand.u32 $0x3FFF, v1  }
0x99: {  	v10 =	vld [tilespmem:s28+$0xFFFFF040];
	v12 =	vand.u32 $0x3FFF, v2  }
0x9a: {  	v11 =	vld [tilespmem:s28+$0xFFFFF050]  }
0x9b: {  	v8 =	vld [tilespmem:s28+$0xFFFFFFC0]  }
0x9c: {  	v15 =	vld [tilespmem:s28+$0x0];
	v13 =	vand.u32 $0x3FFF, v5  }
0x9d: {  	v7 =	vld.idx.msk [tilespmem:v9+s9+$0x0], $0xffff  }
0x9e: {  	v14 =	vand.u32 $0x3FFF, v10;
	v17 =	vld.idx.msk [tilespmem:v12+s9+$0x0], $0xffff  }
0x9f: {  	v6 =	vld [tilespmem:s28+$0xFFFFFFD0];
	v16 =	vand.u32 $0x3FFF, v11  }
0xa0: {  	v4 =	vld [tilespmem:s28+$0xFFFFFFE0];
	v18 =	vshra.s32 v1, $0xE  }
0xa1: {  	v1 =	vshra.s32 v2, $0xE;
	v19 =	vld.idx.msk [tilespmem:v13+s9+$0x0], $0xffff  }
0xa2: {  	v3 =	vld [tilespmem:s28+$0xFFFFFFF0];
	v20 =	vshll.u32 v7, $0x10;
	v2 =	vand.u32 $0xFFFF0000, v7  }
0xa3: {  	v21 =	vld.idx.msk [tilespmem:v14+s9+$0x0], $0xffff;
	v7 =	vshra.s32 v5, $0xE;
	v5 =	vshll.u32 v17, $0x10;
	v20 =	vmul.f32 v20, v15  }
0xa4: {  	v22 =	vld.idx.msk [tilespmem:v16+s9+$0x0], $0xffff;
	v5 =	vmul.f32 v5, v6  }
0xa5: {  	v2 =	vmul.f32 v2, v15;
	[tilespmem:v18+s14+$0x0] =	vst.idx.add.f32.msk $0xffff, v20  }
0xa6: {  	v60 =	vshll.u32 v19, $0x10;
	[tilespmem:v1+s14+$0x0] =	vst.idx.add.f32.msk $0xffff, v5  }
0xa7: {  	v17 =	vand.u32 $0xFFFF0000, v17;
	v61 =	vmul.f32 v60, v8;
	[tilespmem:v18+s15+$0x0] =	vst.idx.add.f32.msk $0xffff, v2  }
0xa8: {  	v5 =	vshra.s32 v11, $0xE;
	v11 =	vmul.f32 v17, v6;
	v9 =	vld.idx.msk [tilespmem:v9+s16+$0x0], $0xffff  }
0xa9: {  	v2 =	vshra.s32 v10, $0xE;
	v10 =	vand.u32 $0xFFFF0000, v19;
	[tilespmem:v7+s14+$0x0] =	vst.idx.add.f32.msk $0xffff, v61  }
0xaa: {  	v10 =	vmul.f32 v10, v8;
	[tilespmem:v1+s15+$0x0] =	vst.idx.add.f32.msk $0xffff, v11  }
0xab: {  	v62 =	vshll.u32 v21, $0x10;
	v12 =	vld.idx.msk [tilespmem:v12+s16+$0x0], $0xffff  }
0xac: {  	v17 =	vmul.f32 v62, v4;
	[tilespmem:v7+s15+$0x0] =	vst.idx.add.f32.msk $0xffff, v10;
	v10 =	vshll.u32 v22, $0x10  }
0xad: {  	v63 =	vand.u32 $0xFFFF0000, v21;
	v10 =	vmul.f32 v10, v3;
	v13 =	vld.idx.msk [tilespmem:v13+s16+$0x0], $0xffff  }
0xae: {  	v19 =	vmul.f32 v63, v4;
	v11 =	vand.u32 $0xFFFF0000, v22;
	[tilespmem:v2+s14+$0x0] =	vst.idx.add.f32.msk $0xffff, v17  }
0xaf: {  	[tilespmem:v5+s14+$0x0] =	vst.idx.add.f32.msk $0xffff, v10;
	v10 =	vmul.f32 v11, v3;
	v11 =	vshll.u32 v9, $0x10  }
0xb0: {  	[tilespmem:v2+s15+$0x0] =	vst.idx.add.f32.msk $0xffff, v19;
	v11 =	vmul.f32 v11, v15  }
0xb1: {  	[tilespmem:v5+s15+$0x0] =	vst.idx.add.f32.msk $0xffff, v10  }
0xb2: {  	[tilespmem:v18+s17+$0x0] =	vst.idx.add.f32.msk $0xffff, v11  }
0xb3: {  	v9 =	vand.u32 $0xFFFF0000, v9;
	v11 =	vld.idx.msk [tilespmem:v14+s16+$0x0], $0xffff  }
0xb4: {  	v9 =	vmul.f32 v9, v15;
	v10 =	vld.idx.msk [tilespmem:v16+s16+$0x0], $0xffff;
	_ =	sdelay $0x1  }
0xb5: {  	v14 =	vshll.u32 v12, $0x10;
	[tilespmem:v18+s18+$0x0] =	vst.idx.add.f32.msk $0xffff, v9;
	v9 =	vshll.u32 v13, $0x10  }
0xb6: {  	s29 =	simm.s32 $0x1B610;
	s28 =	simm.s32 $0x0;
	v12 =	vand.u32 $0xFFFF0000, v12;
	v13 =	vand.u32 $0xFFFF0000, v13;
	v9 =	vmul.f32 v9, v8  }
.LBB2_8:
0xb7: {  	v15 =	vld [tilespmem:s29+$0xFFFFF060];
	v13 =	vmul.f32 v13, v8;
	v8 =	vshll.u32 v11, $0x10;
	v11 =	vand.u32 $0xFFFF0000, v11  }
0xb8: {  	v14 =	vmul.f32 v14, v6;
	v17 =	vshll.u32 v10, $0x10;
	v10 =	vand.u32 $0xFFFF0000, v10;
	v16 =	vld [tilespmem:s29+$0xFFFFF030]  }
0xb9: {  	s28 =	sadd.s32 $0x5, s28;
	v12 =	vmul.f32 v12, v6;
	v19 =	vmul.f32 v8, v4;
	v18 =	vld [tilespmem:s29+$0xFFFFF040]  }
0xba: {  	p0 =	slt.u32 s28, $0xF5;
	v21 =	vmul.f32 v11, v4;
	v17 =	vmul.f32 v17, v3;
	v20 =	vld [tilespmem:s29+$0xFFFFF050]  }
0xbb: {  	v22 =	vmul.f32 v10, v3;
	v11 =	vld [tilespmem:s29+$0xFFFFF020]  }
0xbc: {  	v8 =	vld [tilespmem:s29+$0xFFFFFFC0];
	v10 =	vand.u32 $0x3FFF, v15  }
0xbd: {  	v23 =	vshra.s32 v16, $0xE;
	v6 =	vld [tilespmem:s29+$0xFFFFFFD0];
	v16 =	vand.u32 $0x3FFF, v16  }
0xbe: {  	v24 =	vshra.s32 v18, $0xE;
	v4 =	vld [tilespmem:s29+$0xFFFFFFE0];
	v18 =	vand.u32 $0x3FFF, v18  }
0xbf: {  	v25 =	vshra.s32 v20, $0xE;
	v3 =	vld [tilespmem:s29+$0xFFFFFFF0];
	v20 =	vand.u32 $0x3FFF, v20  }
0xc0: {  	v26 =	vshra.s32 v11, $0xE;
	v11 =	vand.u32 $0x3FFF, v11;
	[tilespmem:v7+s17+$0x0] =	vst.idx.add.f32.msk $0xffff, v9  }
0xc1: {  	v9 =	vld.idx.msk [tilespmem:v10+s9+$0x0], $0xffff  }
0xc2: {  	v27 =	vld.idx.msk [tilespmem:v16+s9+$0x0], $0xffff  }
0xc3: {  	v28 =	vld [tilespmem:s29+$0x0]  }
0xc4: {  	v29 =	vld.idx.msk [tilespmem:v18+s9+$0x0], $0xffff  }
0xc5: {  	v15 =	vshra.s32 v15, $0xE;
	v30 =	vld.idx.msk [tilespmem:v11+s9+$0x0], $0xffff  }
0xc6: {  	v31 =	vld.idx.msk [tilespmem:v20+s9+$0x0], $0xffff  }
0xc7: {  	v32 =	vshll.u32 v9, $0x10;
	[tilespmem:v7+s18+$0x0] =	vst.idx.add.f32.msk $0xffff, v13;
	v7 =	vmov v26  }
0xc8: {  	v9 =	vand.u32 $0xFFFF0000, v9;
	v13 =	vshll.u32 v27, $0x10;
	v26 =	vmul.f32 v32, v28;
	[tilespmem:v1+s17+$0x0] =	vst.idx.add.f32.msk $0xffff, v14  }
0xc9: {  	v14 =	vand.u32 $0xFFFF0000, v27;
	v13 =	vmul.f32 v13, v6;
	v9 =	vmul.f32 v9, v28;
	[tilespmem:v1+s18+$0x0] =	vst.idx.add.f32.msk $0xffff, v12  }
0xca: {  	v12 =	vmul.f32 v14, v6;
	v14 =	vshll.u32 v29, $0x10;
	v27 =	vand.u32 $0xFFFF0000, v29;
	v1 =	vmovc v23;
	[tilespmem:v15+s14+$0x0] =	vst.idx.add.f32.msk $0xffff, v26  }
0xcb: {  	v26 =	vshll.u32 v30, $0x10;
	v29 =	vand.u32 $0xFFFF0000, v30;
	v14 =	vmul.f32 v14, v4;
	[tilespmem:v15+s15+$0x0] =	vst.idx.add.f32.msk $0xffff, v9  }
0xcc: {  	v9 =	vmul.f32 v26, v8;
	v26 =	vshll.u32 v31, $0x10;
	v30 =	vand.u32 $0xFFFF0000, v31;
	v10 =	vld.idx.msk [tilespmem:v10+s16+$0x0], $0xffff  }
0xcd: {  	v29 =	vmul.f32 v29, v8;
	[tilespmem:v23+s14+$0x0] =	vst.idx.add.f32.msk $0xffff, v13;
	v13 =	vmul.f32 v27, v4  }
0xce: {  	v23 =	vmul.f32 v30, v3;
	[tilespmem:v7+s14+$0x0] =	vst.idx.add.f32.msk $0xffff, v9;
	v9 =	vmul.f32 v26, v3  }
0xcf: {  	[tilespmem:v7+s15+$0x0] =	vst.idx.add.f32.msk $0xffff, v29  }
0xd0: {  	[tilespmem:v1+s15+$0x0] =	vst.idx.add.f32.msk $0xffff, v12  }
0xd1: {  	[tilespmem:v24+s14+$0x0] =	vst.idx.add.f32.msk $0xffff, v14  }
0xd2: {  	v12 =	vshll.u32 v10, $0x10;
	[tilespmem:v24+s15+$0x0] =	vst.idx.add.f32.msk $0xffff, v13  }
0xd3: {  	[tilespmem:v25+s14+$0x0] =	vst.idx.add.f32.msk $0xffff, v9;
	v9 =	vand.u32 $0xFFFF0000, v10;
	v10 =	vmul.f32 v12, v28  }
0xd4: {  	[tilespmem:v25+s15+$0x0] =	vst.idx.add.f32.msk $0xffff, v23;
	v9 =	vmul.f32 v9, v28  }
0xd5: {  	[tilespmem:v15+s17+$0x0] =	vst.idx.add.f32.msk $0xffff, v10  }
0xd6: {  	[tilespmem:v15+s18+$0x0] =	vst.idx.add.f32.msk $0xffff, v9  }
0xd7: {  	v9 =	vld.idx.msk [tilespmem:v11+s16+$0x0], $0xffff  }
0xd8: {  	v12 =	vld.idx.msk [tilespmem:v16+s16+$0x0], $0xffff  }
0xd9: {  	v11 =	vld.idx.msk [tilespmem:v18+s16+$0x0], $0xffff  }
.Ltmp2:
0xda: {  	v10 =	vld.idx.msk [tilespmem:v20+s16+$0x0], $0xffff;
	(pc) =	sbr.rel @p0 .LBB2_8-.Ltmp2, $4  }
0xdb: {  	[tilespmem:v2+s17+$0x0] =	vst.idx.add.f32.msk $0xffff, v19  }
0xdc: {  	[tilespmem:v2+s18+$0x0] =	vst.idx.add.f32.msk $0xffff, v21;
	v2 =	vmov v24  }
0xdd: {  	v14 =	vshll.u32 v9, $0x10;
	v13 =	vand.u32 $0xFFFF0000, v9;
	[tilespmem:v5+s17+$0x0] =	vst.idx.add.f32.msk $0xffff, v17  }
0xde: {  	s29 =	sadd.s32 $0x50, s29;
	v9 =	vmul.f32 v14, v8;
	v14 =	vshll.u32 v12, $0x10;
	v12 =	vand.u32 $0xFFFF0000, v12;
	[tilespmem:v5+s18+$0x0] =	vst.idx.add.f32.msk $0xffff, v22;
	v5 =	vmovc v25  }
0xdf: {  	_ =	sdelay $0x1  }
0xe0: {  	s26 =	sadd.s32 $0x3, s26  }
0xe1: {  	v8 =	vmul.f32 v13, v8;
	s28 =	smulhi.u32 $0x66666667, s26  }
0xe2: {  	v56 =	vmul.f32 v14, v6;
	[tilespmem:v7+s17+$0x0] =	vst.idx.add.f32.msk $0xffff, v9  }
0xe3: {  	v57 =	vshll.u32 v11, $0x10;
	v58 =	vmul.f32 v12, v6;
	[tilespmem:v7+s18+$0x0] =	vst.idx.add.f32.msk $0xffff, v8;
	s28 =	sshrl.u32 s28, $0x5  }
0xe4: {  	v61 =	vshll.u32 v10, $0x10;
	s25 =	sadd.s32 $0x1, s25;
	v60 =	vmul.f32 v57, v4;
	[tilespmem:v1+s17+$0x0] =	vst.idx.add.f32.msk $0xffff, v56;
	s28 =	smul.u32 $0x50, s28  }
0xe5: {  	v59 =	vand.u32 $0xFFFF0000, v11;
	v63 =	vmul.f32 v61, v3;
	p0 =	sne.s32 s25, $0x28;
	[tilespmem:v1+s18+$0x0] =	vst.idx.add.f32.msk $0xffff, v58  }
.Ltmp3:
0xe6: {  	v62 =	vmul.f32 v59, v4;
	v1 =	vand.u32 $0xFFFF0000, v10;
	[tilespmem:v2+s17+$0x0] =	vst.idx.add.f32.msk $0xffff, v60;
	s26 =	ssub.s32 s26, s28;
	(pc) =	sbr.rel @p0 .LBB2_5-.Ltmp3, $4  }
0xe7: {  	[tilespmem:v5+s17+$0x0] =	vst.idx.add.f32.msk $0xffff, v63;
	v1 =	vmul.f32 v1, v3;
	s26 =	smul.u32 $0x3E8, s26  }
0xe8: {  	[tilespmem:v2+s18+$0x0] =	vst.idx.add.f32.msk $0xffff, v62  }
0xe9: {  	[tilespmem:v5+s18+$0x0] =	vst.idx.add.f32.msk $0xffff, v1;
	s26 =	sadd.s32 s3, s26  }
0xea: {  	[tilespmem:s12], [sflag:$0x2] =	stream.linear.gather [hbm4b:s26+s2], $0x1F40, $0x38;
	[tilespmem:$0x1C520] =	vst v63  }
0xeb: {  	p0 =	seq.s32 s24, $0x0  }
0xec: {  	s25 =	simm.s32 @!p0 $0x3  }
0xed: {  	_ =	swait.ge @!p0 [sflag:s25], $0x4E20  }
0xee: {  	[sflag:s25] =	ssyncset.done @!p0 $0x0  }
0xef: {  	[sflag:s25] =	ssyncadd.s32 @!p0 $0xFFFFB1E0;
	s25 =	simm.s32 $0x0  }
0xf0: {  	v1 =	vld [tilespmem:s25+$0x11180]  }
0xf1: {  	v2 =	vld [tilespmem:s25+$0x15FA0]  }
0xf2: {  	v3 =	vld [tilespmem:s25+$0x2720]  }
0xf3: {  	v4 =	vld [tilespmem:s25+$0x7540]  }
0xf4: {  	v5 =	vld [tilespmem:s25+$0xEA60]  }
0xf5: {  	v7 =	vld [tilespmem:s25+$0x11170]  }
0xf6: {  	v6 =	vld [tilespmem:s25+$0x13880]  }
0xf7: {  	v11 =	vld [tilespmem:s25+$0x15F90];
	v8 =	vmul.f32 $-2.000000000e+00, v1;
	v9 =	vmul.f32 $-2.000000000e+00, v2  }
0xf8: {  	v12 =	vld [tilespmem:s25+$0x0];
	v1 =	vsub.f32 $0.0e+00, v1;
	v2 =	vsub.f32 $0.0e+00, v2  }
0xf9: {  	v13 =	vld [tilespmem:s25+$0x4E20];
	v3 =	vsub.f32 v8, v3;
	v4 =	vsub.f32 v9, v4  }
0xfa: {  	v14 =	vld [tilespmem:s25+$0xEA70];
	v16 =	vsub.f32 $0.0e+00, v5;
	v18 =	vmul.f32 $-2.000000000e+00, v7  }
0xfb: {  	v15 =	vld [tilespmem:s25+$0x2710];
	v20 =	vsub.f32 $0.0e+00, v6;
	v1 =	vpsel p0, v1, v3;
	v2 =	vpsel p0, v2, v4  }
0xfc: {  	v3 =	vld [tilespmem:s25+$0x13890];
	v4 =	vmul.f32 $-2.000000000e+00, v5;
	v1 =	vadd.s32 $0x8000, v1;
	v2 =	vadd.s32 $0x8000, v2  }
0xfd: {  	[tilespmem:s25+$0x11180] =	vst v0;
	v17 =	vld [tilespmem:s25+$0x7530];
	v5 =	vmul.f32 $-2.000000000e+00, v6;
	v1 =	vshrl.u32 v1, $0x10;
	v2 =	vand.u32 $0xFFFF0000, v2  }
0xfe: {  	[tilespmem:s25+$0x15FA0] =	vst v0;
	v10 =	vsub.f32 $0.0e+00, v7;
	v8 =	vsub.f32 $0.0e+00, v11;
	v1 =	vor.u32 v1, v2;
	v2 =	vld [tilespmem:s25+$0xC360]  }
0xff: {  	v19 =	vmul.f32 $-2.000000000e+00, v11;
	v9 =	vld [tilespmem:s25+$0x10];
	v13 =	vsub.f32 v5, v13;
	[tilespmem:s25+$0xC360] =	vst v1;
	v1 =	vsub.f32 v4, v12  }
0x100: {  	[tilespmem:s25+$0xEA60] =	vst v0;
	v11 =	vld [tilespmem:s25+$0x4E30];
	v6 =	vmul.f32 $-2.000000000e+00, v14;
	v4 =	vsub.f32 $0.0e+00, v14;
	v12 =	vsub.f32 v18, v15  }
0x101: {  	[tilespmem:s25+$0x13880] =	vst v0;
	v7 =	vmul.f32 $-2.000000000e+00, v3;
	v5 =	vsub.f32 $0.0e+00, v3;
	v3 =	vld [tilespmem:s25+$0x9C40];
	v1 =	vpsel p0, v16, v1  }
0x102: {  	s26 =	simm.s32 $0x0;
	s28 =	simm.s32 $0x80;
	[tilespmem:s25+$0x11170] =	vst v0;
	v14 =	vpsel p0, v20, v13;
	v13 =	vsub.f32 v19, v17;
	v15 =	vadd.s32 $0x8000, v1;
	v1 =	vld [tilespmem:s25+$0xC350]  }
.LBB2_11:
0x103: {  	s29 =	sshra.s32 s28, $0x2;
	v15 =	vshrl.u32 v15, $0x10;
	v14 =	vadd.s32 $0x8000, v14;
	v10 =	vpsel p0, v10, v12;
	[tilespmem:s25+$0x15F90] =	vst v0;
	v12 =	vld [tilespmem:s25+$0x9C50];
	v16 =	vmovc v2  }
0x104: {  	s26 =	sadd.s32 $0x2, s26;
	v2 =	vld [tilespmem:s29+$0x11180];
	v8 =	vpsel p0, v8, v13;
	v10 =	vadd.s32 $0x8000, v10;
	v6 =	vsub.f32 v6, v9;
	[tilespmem:s25+$0xEA70] =	vst v0  }
0x105: {  	p1 =	slt.u32 s26, $0x26E;
	v13 =	vand.u32 $0xFFFF0000, v14;
	v9 =	vld [tilespmem:s29+$0x15FA0];
	v8 =	vadd.s32 $0x8000, v8;
	v7 =	vsub.f32 v7, v11;
	[tilespmem:s25+$0x13890] =	vst v0  }
0x106: {  	v10 =	vshrl.u32 v10, $0x10;
	v11 =	vld [tilespmem:s29+$0x2720];
	[tilespmem:s29+$0x11180] =	vst v0;
	v8 =	vand.u32 $0xFFFF0000, v8;
	v4 =	vpsel p0, v4, v6  }
0x107: {  	v13 =	vor.u32 v15, v13;
	v6 =	vld [tilespmem:s29+$0x7540];
	[tilespmem:s29+$0x15FA0] =	vst v0;
	v5 =	vpsel p0, v5, v7;
	v4 =	vadd.s32 $0x8000, v4  }
0x108: {  	v8 =	vor.u32 v10, v8;
	v7 =	vld [tilespmem:s29+$0xEA60];
	[tilespmem:s25+$0x9C40] =	vst v13;
	v4 =	vshrl.u32 v4, $0x10;
	v5 =	vadd.s32 $0x8000, v5  }
0x109: {  	v13 =	vshll.u32 v3, $0x10;
	v3 =	vand.u32 $0xFFFF0000, v3;
	v10 =	vld [tilespmem:s29+$0x13880];
	[tilespmem:s25+$0xC350] =	vst v8;
	v5 =	vand.u32 $0xFFFF0000, v5  }
0x10a: {  	v14 =	vmul.f32 $-2.000000000e+00, v2;
	v8 =	vld [tilespmem:s29+$0x11170];
	v15 =	vmul.f32 $-2.000000000e+00, v9;
	[tilespmem:s25+$0x0] =	vst v13;
	v4 =	vor.u32 v4, v5  }
0x10b: {  	v2 =	vsub.f32 $0.0e+00, v2;
	v9 =	vsub.f32 $0.0e+00, v9;
	v13 =	vshll.u32 v1, $0x10;
	v5 =	vld [tilespmem:s29+$0x15F90];
	[tilespmem:s25+$0x9C50] =	vst v4  }
0x10c: {  	v1 =	vand.u32 $0xFFFF0000, v1;
	v11 =	vsub.f32 v14, v11;
	v4 =	vld [tilespmem:s29+$0xEA70];
	v6 =	vsub.f32 v15, v6;
	[tilespmem:s25+$0x4E20] =	vst v3  }
0x10d: {  	v14 =	vsub.f32 $0.0e+00, v7;
	v3 =	vmul.f32 $-2.000000000e+00, v7;
	v15 =	vld [tilespmem:s29+$0x13890];
	[tilespmem:s25+$0x2710] =	vst v13;
	v7 =	vshll.u32 v12, $0x10  }
0x10e: {  	v2 =	vpsel p0, v2, v11;
	v13 =	vld [tilespmem:s29+$0x0];
	v17 =	vmul.f32 $-2.000000000e+00, v10;
	v6 =	vpsel p0, v9, v6;
	[tilespmem:s25+$0x7530] =	vst v1  }
0x10f: {  	v2 =	vadd.s32 $0x8000, v2;
	v1 =	vld [tilespmem:s29+$0x4E20];
	v18 =	vmul.f32 $-2.000000000e+00, v8;
	v6 =	vadd.s32 $0x8000, v6;
	[tilespmem:s25+$0x10] =	vst v7  }
0x110: {  	v2 =	vshrl.u32 v2, $0x10;
	[tilespmem:s29+$0xEA60] =	vst v0;
	v19 =	vld [tilespmem:s29+$0x2710];
	v20 =	vmul.f32 $-2.000000000e+00, v5;
	v7 =	vand.u32 $0xFFFF0000, v6  }
0x111: {  	v21 =	vsub.f32 $0.0e+00, v10;
	[tilespmem:s29+$0x13880] =	vst v0;
	v22 =	vld [tilespmem:s29+$0x7530];
	v6 =	vmul.f32 $-2.000000000e+00, v4;
	v9 =	vor.u32 v2, v7  }
.Ltmp4:
0x112: {  	v10 =	vsub.f32 $0.0e+00, v8;
	v8 =	vsub.f32 $0.0e+00, v5;
	v7 =	vmul.f32 $-2.000000000e+00, v15;
	v2 =	vld [tilespmem:s29+$0xC360];
	[tilespmem:s29+$0xC360] =	vst v9;
	(pc) =	sbr.rel @p1 .LBB2_11-.Ltmp4, $4  }
0x113: {  	v4 =	vsub.f32 $0.0e+00, v4;
	v13 =	vsub.f32 v3, v13;
	[tilespmem:s29+$0x11170] =	vst v0;
	v9 =	vld [tilespmem:s29+$0x10];
	v3 =	vand.u32 $0xFFFF0000, v12  }
0x114: {  	v5 =	vsub.f32 $0.0e+00, v15;
	v15 =	vshll.u32 v16, $0x10;
	v1 =	vsub.f32 v17, v1;
	v11 =	vld [tilespmem:s29+$0x4E30];
	[tilespmem:s25+$0x4E30] =	vst v3  }
0x115: {  	v16 =	vand.u32 $0xFFFF0000, v16;
	v3 =	vld [tilespmem:s29+$0x9C40];
	v13 =	vpsel p0, v14, v13;
	v12 =	vsub.f32 v18, v19;
	[tilespmem:s25+$0x2720] =	vst v15  }
0x116: {  	s28 =	sadd.s32 $0x80, s28;
	v14 =	vpsel p0, v21, v1;
	v15 =	vadd.s32 $0x8000, v13;
	v1 =	vld [tilespmem:s29+$0xC350];
	v13 =	vsub.f32 v20, v22;
	[tilespmem:s25+$0x7540] =	vst v16;
	s25 =	smov.u32 s29  }
0x117: {  	v47 =	vadd.s32 $0x8000, v14;
	[tilespmem:s25+$0x15F90] =	vst v0  }
0x118: {  	v15 =	vshrl.u32 v15, $0x10;
	[tilespmem:s25+$0xEA70] =	vst v0;
	v49 =	vand.u32 $0xFFFF0000, v47  }
0x119: {  	v10 =	vpsel p0, v10, v12;
	[tilespmem:s25+$0x13890] =	vst v0;
	v8 =	vpsel p0, v8, v13;
	v50 =	vor.u32 v15, v49  }
0x11a: {  	v48 =	vld [tilespmem:s25+$0x9C50];
	v10 =	vadd.s32 $0x8000, v10;
	v8 =	vadd.s32 $0x8000, v8;
	[tilespmem:s25+$0x9C40] =	vst v50;
	v52 =	vshll.u32 v3, $0x10  }
0x11b: {  	v10 =	vshrl.u32 v10, $0x10;
	v8 =	vand.u32 $0xFFFF0000, v8;
	v3 =	vand.u32 $0xFFFF0000, v3;
	[tilespmem:s25+$0x0] =	vst v52  }
0x11c: {  	v51 =	vor.u32 v10, v8;
	[tilespmem:s25+$0x4E20] =	vst v3  }
0x11d: {  	v53 =	vshll.u32 v1, $0x10;
	[tilespmem:s25+$0xC350] =	vst v51  }
0x11e: {  	v6 =	vsub.f32 v6, v9;
	v7 =	vsub.f32 v7, v11;
	v1 =	vand.u32 $0xFFFF0000, v1;
	[tilespmem:s25+$0x2710] =	vst v53  }
0x11f: {  	v3 =	vshll.u32 v48, $0x10;
	[tilespmem:s25+$0x7530] =	vst v1  }
0x120: {  	v4 =	vpsel p0, v4, v6;
	v5 =	vpsel p0, v5, v7;
	v1 =	vand.u32 $0xFFFF0000, v48;
	[tilespmem:s25+$0x10] =	vst v3  }
0x121: {  	v4 =	vadd.s32 $0x8000, v4;
	v5 =	vadd.s32 $0x8000, v5;
	[tilespmem:s25+$0x4E30] =	vst v1;
	v1 =	vshll.u32 v2, $0x10  }
0x122: {  	v4 =	vshrl.u32 v4, $0x10;
	v5 =	vand.u32 $0xFFFF0000, v5;
	v2 =	vand.u32 $0xFFFF0000, v2;
	[tilespmem:s25+$0x2720] =	vst v1  }
0x123: {  	v4 =	vor.u32 v4, v5;
	[tilespmem:s25+$0x7540] =	vst v2  }
0x124: {  	[tilespmem:s25+$0x9C50] =	vst v4  }
0x125: {  	v1 =	vld [tilespmem:$0x11160]  }
0x126: {  	v2 =	vld [tilespmem:$0x15F80]  }
0x127: {  	v3 =	vld [tilespmem:$0x2700]  }
0x128: {  	v4 =	vld [tilespmem:$0x7520]  }
0x129: {  	v57 =	vld [tilespmem:$0x18690]  }
0x12a: {  	v54 =	vld [tilespmem:$0xC340]  }
0x12b: {  	v59 =	vld [tilespmem:$0x9C30]  }
0x12c: {  	v7 =	vld [tilespmem:$0x13870];
	v55 =	vmul.f32 $-2.000000000e+00, v1;
	v56 =	vmul.f32 $-2.000000000e+00, v2  }
0x12d: {  	v1 =	vsub.f32 $0.0e+00, v1;
	v2 =	vsub.f32 $0.0e+00, v2  }
0x12e: {  	v58 =	vld [tilespmem:$0x4E10];
	v62 =	vmul.f32 $-2.000000000e+00, v57;
	v3 =	vsub.f32 v55, v3;
	v4 =	vsub.f32 v56, v4  }
0x12f: {  	v60 =	vshll.u32 v54, $0x10  }
0x130: {  	[tilespmem:$0x11160] =	vst v0;
	v63 =	vsub.f32 v62, v59;
	v1 =	vpsel p0, v1, v3;
	v2 =	vpsel p0, v2, v4  }
0x131: {  	v61 =	vld [tilespmem:$0xEA50];
	[tilespmem:$0x15F80] =	vst v0;
	v3 =	vmul.f32 $-2.000000000e+00, v7;
	v1 =	vadd.s32 $0x8000, v1;
	v2 =	vadd.s32 $0x8000, v2  }
0x132: {  	[tilespmem:$0x13870] =	vst v0;
	v7 =	vsub.f32 $0.0e+00, v7;
	v1 =	vshrl.u32 v1, $0x10;
	v2 =	vand.u32 $0xFFFF0000, v2  }
0x133: {  	[tilespmem:$0x18690] =	vst v0;
	v3 =	vsub.f32 v3, v58;
	v1 =	vor.u32 v1, v2;
	v2 =	vsub.f32 $0.0e+00, v57  }
0x134: {  	s31 =	smul.u32 $0xA0000, s24;
	s24 =	sadd.s32 $0x1, s24;
	[tilespmem:$0x2700] =	vst v60  }
0x135: {  	v5 =	vand.u32 $0xFFFF0000, v54;
	[tilespmem:$0xC340] =	vst v1;
	v1 =	vpsel p0, v7, v3;
	v2 =	vpsel p0, v2, v63;
	p0 =	sne.s32 s24, $0x1E  }
.Ltmp5:
0x136: {  	[tilespmem:$0x7520] =	vst v5;
	v4 =	vand.u32 $0xFFFF0000, v61;
	v1 =	vadd.s32 $0x8000, v1;
	v2 =	vadd.s32 $0x8000, v2;
	(pc) =	sbr.rel @p0 .LBB2_4-.Ltmp5, $4  }
0x137: {  	s25 =	sadd.s32 s7, s31;
	[tilespmem:$0x9C30] =	vst v4;
	v3 =	vshll.u32 v61, $0x10;
	v1 =	vshrl.u32 v1, $0x10;
	v2 =	vand.u32 $0xFFFF0000, v2  }
0x138: {  	s25 =	sshrl.u32 s25, $0x3;
	[tilespmem:$0x4E10] =	vst v3;
	v1 =	vor.u32 v1, v2  }
0x139: {  	s25 =	sadd.s32 s4, s25;
	[tilespmem:$0xEA50] =	vst v1  }
0x13a: {  	[hbm4b:s25+s20] =	stream.strided.scatter [tilespmem:s9], [sflag:$0x3], $0x4E20, s21, s20, $0x38;
	[tilespmem:$0x1C520] =	vst v63  }
0x13b: {  	_ =	swait.ge [sflag:s22], $0x4E20  }
0x13c: {  	[sflag:s22] =	ssyncset.done $0x0  }
0x13d: {  	s23 =	sadd.s32 $0x1, s23;
	[sflag:s22] =	ssyncadd.s32 $0xFFFFB1E0  }
0x13e: {  	p0 =	sne.s32 s23, s8;
	_ =	swait.ge [sflag:s13], $0x1F40  }
.Ltmp6:
0x13f: {  	[sflag:s13] =	ssyncset.done $0x0;
	(pc) =	sbr.rel @p0 .LBB2_1-.Ltmp6, $4  }
0x140: {  	[sflag:s13] =	ssyncadd.s32 $0xFFFFE0C0  }
0x141: {  	_ =	swait.ge [sflag:s19], $0x1F40  }
0x142: {  	[sflag:s19] =	ssyncset.done $0x0  }
0x143: {  	[sflag:s19] =	ssyncadd.s32 $0xFFFFE0C0  }
0x144: {  	_ =	sfence.sel $0x180000  }
0x145: {  	[bflag:$0x0] =	sbarrier.arrive $0xFFFF  }
0x146: {  	p0 =	sne.s32 s0, $0x0;
	_ =	strace $0x9000004A  }
0x147: {  	s0 =	sadd.s32 @!p0 $0x100000, s1;
	[bflag:$0x2] =	sbarrier.arrive $0xFFFF  }
0x148: {  	[sflag:s0] =	ssyncadd.tile.s32 @!p0 $0x1;
	_ =	shalt  }
.Lfunc_end2:
_tile_overlayer_lowered:
.L_overlay_start_2:
0x149: {  	(tag) =	ssettag $0x2  }
0x14a: {  	s0 =	rddreg [dreg:$0x0];
	s2 =	stileid.u32  }
0x14b: {  	s1 =	rddreg [dreg:$0x1];
	p0 =	sne.s32 s2, $0x0  }
0x14c: {  	s3 =	rddreg [dreg:$0x2];
	[bflag:$0x3] =	sbarrier.arrive $0xFFFF;
	s2 =	simm.s32 @!p0 $0x1C04  }
0x14d: {  	[timem:s3], [sflag:s2] =	dma.local @!p0 [hbm:s0], s1  }
0x14e: {  	s0 =	simm.s32 @!p0 $0x4  }
0x14f: {  	_ =	swait.ge @!p0 [sflag:s0], s1  }
0x150: {  	s1 =	ssub.s32 @!p0 $0x0, s1;
	[sflag:s0] =	ssyncset.done @!p0 $0x0  }
0x151: {  	[sflag:s0] =	ssyncadd.s32 @!p0 s1  }
0x152: {  	[bflag:$0x3] =	sbarrier.arrive $0xFFFF  }
0x153: {  	_ =	shalt  }

</sc_bundles>
